<compile_context>
chip_gen: v7x
topology: tpu7x:2x2x1
jax: 0.10.2.dev20260603
libtpu: 0.0.44.dev20260713+nightly
codegen_flags: <defaults>
</compile_context>

<pallas_src>
import functools

import jax
import jax.numpy as jnp
from jax import lax
from jax.experimental import pallas as pl
from jax.experimental.pallas import tpu as pltpu
from jax.experimental.pallas import tpu_sc as plsc


def _topk_kernel(x1_ref, x2_ref, idx_ref, w_ref, *, bn, S, b0):
    b = pl.program_id(0)
    x1t = x1_ref[0]
    x2t = x2_ref[0]

    dot2 = lax.dot_general(
        (-2.0 * x2t).astype(jnp.bfloat16), x1t.astype(jnp.bfloat16),
        (((1,), (0,)), ((), ())),
        preferred_element_type=jnp.float32)
    x1sq = ((x1t[0:1] * x1t[0:1] + x1t[1:2] * x1t[1:2])
            + x1t[2:3] * x1t[2:3])
    x2sq = ((x2t[:, 0:1] * x2t[:, 0:1] + x2t[:, 1:2] * x2t[:, 1:2])
            + x2t[:, 2:3] * x2t[:, 2:3])
    dists = (dot2 + x1sq) + x2sq

    row = lax.broadcasted_iota(jnp.int32, (S, bn), 0).astype(jnp.float32)
    big = jnp.float32(3.0e38)
    s_f = jnp.float32(S)
    d = dists
    ms = []
    amins = []
    for k in range(3):
        m = jnp.min(d, axis=0, keepdims=True)
        amin = jnp.min(jnp.where(d == m, row, s_f), axis=0, keepdims=True)
        ms.append(m)
        amins.append(amin)
        if k < 2:
            d = jnp.where(row == amin, big, d)
    r0 = 1.0 / (ms[0] + 1e-8)
    r1 = 1.0 / (ms[1] + 1e-8)
    r2 = 1.0 / (ms[2] + 1e-8)
    norm = r0 + r1 + r2

    base = ((b + b0) * S).astype(jnp.float32)
    idx_ref[...] = (jnp.concatenate(amins, axis=0)
                    + base + 0.5).astype(jnp.int32)

    for k in range(3):
        w_lane = [r0, r1, r2][k] / norm
        w_ref[k] = jnp.broadcast_to(w_lane.reshape(bn, 1), (bn, 16))


def _make_sc_interp(P, D, C):
    info = plsc.get_sparse_core_info()
    nc, ns = info.num_cores, info.num_subcores
    nw = nc * ns
    ppw = P // nw
    nchunks = ppw // C
    mesh = plsc.VectorSubcoreMesh(core_axis_name="c", subcore_axis_name="s")

    @functools.partial(
        pl.kernel, mesh=mesh,
        out_type=jax.ShapeDtypeStruct((P, D), jnp.float32),
        scratch_types=[
            pltpu.VMEM((3, C), jnp.int32),
            pltpu.VMEM((3, C, 16), jnp.float32),
            pltpu.VMEM((C, D), jnp.float32),
            pltpu.VMEM((C, D), jnp.float32),
            pltpu.VMEM((C, D), jnp.float32),
            pltpu.VMEM((C, D), jnp.float32),
            pltpu.SemaphoreType.DMA,
        ],
    )
    def sc_interp(table_hbm, idx_hbm, w_hbm, out_hbm,
                  idx_v, w_v, r0_v, r1_v, r2_v, out_v, sem):
        wid = lax.axis_index("s") * nc + lax.axis_index("c")

        def chunk_body(c, carry):
            base = wid * ppw + c * C
            for k in range(3):
                pltpu.sync_copy(idx_hbm.at[k, pl.ds(base, C)], idx_v.at[k])
                pltpu.sync_copy(w_hbm.at[k, pl.ds(base, C)], w_v.at[k])
            cp0 = pltpu.async_copy(table_hbm.at[idx_v.at[0]], r0_v, sem)
            cp1 = pltpu.async_copy(table_hbm.at[idx_v.at[1]], r1_v, sem)
            cp2 = pltpu.async_copy(table_hbm.at[idx_v.at[2]], r2_v, sem)
            cp0.wait()
            cp1.wait()
            cp2.wait()

            def pbody(p, pcarry):
                w0 = w_v[0, p, :]
                w1 = w_v[1, p, :]
                w2 = w_v[2, p, :]
                for dchunk in range(D // 16):
                    sl = pl.ds(dchunk * 16, 16)
                    out_v[p, sl] = ((w0 * r0_v[p, sl] + w1 * r1_v[p, sl])
                                    + w2 * r2_v[p, sl])
                return pcarry

            lax.fori_loop(0, C, pbody, 0)
            pltpu.sync_copy(out_v, out_hbm.at[pl.ds(base, C)])
            return carry

        lax.fori_loop(0, nchunks, chunk_body, 0)

    return sc_interp


def _mlp_kernel(p1_ref, it_ref, w1a_ref, w1b_ref, b1_ref,
                w2_ref, b2_ref, w3_ref, b3_ref, out_ref):
    y = lax.dot_general(
        w1a_ref[...], p1_ref[0], (((1,), (0,)), ((), ())),
        preferred_element_type=jnp.float32)
    y = y + lax.dot_general(
        w1b_ref[...], it_ref[...].astype(jnp.bfloat16), (((1,), (1,)), ((), ())),
        preferred_element_type=jnp.float32)
    h = jax.nn.relu(y + b1_ref[...])
    h = jax.nn.relu(
        lax.dot_general(w2_ref[...], h.astype(jnp.bfloat16),
                        (((1,), (0,)), ((), ())),
                        preferred_element_type=jnp.float32)
        + b2_ref[...])
    out_ref[0] = jax.nn.relu(
        lax.dot_general(w3_ref[...], h.astype(jnp.bfloat16),
                        (((1,), (0,)), ((), ())),
                        preferred_element_type=jnp.float32)
        + b3_ref[...])


def kernel(xyz1, xyz2, points1, points2, W1, b1, W2, b2, W3, b3):
    B, C, N = xyz1.shape
    S = xyz2.shape[2]
    D = points1.shape[1]
    O = W3.shape[0]
    P = B * N
    bn = 512
    grid = (B, N // bn)

    x1p = jnp.concatenate(
        [xyz1, jnp.zeros((B, 8 - C, N), dtype=xyz1.dtype)], axis=1)
    x2t = jnp.transpose(xyz2, (0, 2, 1))
    x2t = jnp.concatenate(
        [x2t, jnp.zeros((B, S, 8 - C), dtype=xyz2.dtype)], axis=2)

    table = jnp.transpose(points2, (0, 2, 1)).reshape(B * S, D)
    p1b = points1.astype(jnp.bfloat16)
    w1a = W1[:, :D].astype(jnp.bfloat16)
    w1b = W1[:, D:].astype(jnp.bfloat16)
    w2b = W2.astype(jnp.bfloat16)
    w3b = W3.astype(jnp.bfloat16)
    b1c = b1.reshape(-1, 1)
    b2c = b2.reshape(-1, 1)
    b3c = b3.reshape(-1, 1)

    nh = 2
    Bh = B // nh
    Ph = Bh * N
    sc_interp = _make_sc_interp(Ph, D, 64)
    grid = (Bh, N // bn)
    outs = []
    for h in range(nh):
        b0 = h * Bh

        ka = functools.partial(_topk_kernel, bn=bn, S=S, b0=b0)
        idxg, wts = pl.pallas_call(
            ka,
            grid=grid,
            in_specs=[
                pl.BlockSpec((1, 8, bn), lambda b, n: (b + b0, 0, n)),
                pl.BlockSpec((1, S, 8), lambda b, n: (b + b0, 0, 0)),
            ],
            out_specs=[
                pl.BlockSpec((3, bn), lambda b, n: (0, b * (N // bn) + n)),
                pl.BlockSpec((3, bn, 16),
                             lambda b, n: (0, b * (N // bn) + n, 0)),
            ],
            out_shape=[
                jax.ShapeDtypeStruct((3, Ph), jnp.int32),
                jax.ShapeDtypeStruct((3, Ph, 16), jnp.float32),
            ],
        )(x1p, x2t)

        interp = sc_interp(table, idxg, wts)

        outs.append(pl.pallas_call(
            _mlp_kernel,
            grid=grid,
            in_specs=[
                pl.BlockSpec((1, D, bn), lambda b, n: (b + b0, 0, n)),
                pl.BlockSpec((bn, D), lambda b, n: (b * (N // bn) + n, 0)),
                pl.BlockSpec(w1a.shape, lambda b, n: (0, 0)),
                pl.BlockSpec(w1b.shape, lambda b, n: (0, 0)),
                pl.BlockSpec(b1c.shape, lambda b, n: (0, 0)),
                pl.BlockSpec(w2b.shape, lambda b, n: (0, 0)),
                pl.BlockSpec(b2c.shape, lambda b, n: (0, 0)),
                pl.BlockSpec(w3b.shape, lambda b, n: (0, 0)),
                pl.BlockSpec(b3c.shape, lambda b, n: (0, 0)),
            ],
            out_specs=pl.BlockSpec((1, O, bn), lambda b, n: (b, 0, n)),
            out_shape=jax.ShapeDtypeStruct((Bh, O, N), jnp.float32),
        )(p1b, interp, w1a, w1b, b1c, w2b, b2c, w3b, b3c))

    return jnp.concatenate(outs, axis=0)

# --- scband reference (transcript-rebuilt; emitter-appended) ---
"""Pipeline reference for scband-point-net-feature-propagation-87488483819933 (READ-ONLY COPY).

The authoritative reference and input builder live on the scoring server;
editing this copy changes nothing except your own understanding.
"""

import jax, jax.numpy as jnp
import numpy as np


def setup_inputs(seed: int = 0) -> dict:
    key = jax.random.key(seed)
    ks = jax.random.split(key, 10)
    B, N, S, D, C = 16, 4096, 1024, 256, 3
    xyz1 = jax.random.normal(ks[0], (B, C, N), dtype=jnp.float32)
    xyz2 = jax.random.normal(ks[1], (B, C, S), dtype=jnp.float32)
    points1 = jax.random.normal(ks[2], (B, D, N), dtype=jnp.float32)
    points2 = jax.random.normal(ks[3], (B, D, S), dtype=jnp.float32)
    in_ch = 2 * D
    W1 = jax.random.normal(ks[4], (512, in_ch), dtype=jnp.float32) * (1.0 / np.sqrt(in_ch))
    b1 = jnp.zeros((512,), dtype=jnp.float32)
    W2 = jax.random.normal(ks[5], (512, 512), dtype=jnp.float32) * (1.0 / np.sqrt(512))
    b2 = jnp.zeros((512,), dtype=jnp.float32)
    W3 = jax.random.normal(ks[6], (256, 512), dtype=jnp.float32) * (1.0 / np.sqrt(512))
    b3 = jnp.zeros((256,), dtype=jnp.float32)
    return {"xyz1": xyz1, "xyz2": xyz2, "points1": points1, "points2": points2,
            "W1": W1, "b1": b1, "W2": W2, "b2": b2, "W3": W3, "b3": b3}


def _square_distance(src, dst):
    # src: [B,N,C], dst: [B,M,C] -> [B,N,M]
    d = -2.0 * jnp.einsum('bnc,bmc->bnm', src, dst)
    d = d + jnp.sum(src ** 2, axis=-1)[:, :, None]
    d = d + jnp.sum(dst ** 2, axis=-1)[:, None, :]
    return d


def reference(xyz1, xyz2, points1, points2, W1, b1, W2, b2, W3, b3):
    # xyz1: [B,3,N], xyz2: [B,3,S], points1: [B,D,N], points2: [B,D,S]
    x1 = jnp.transpose(xyz1, (0, 2, 1))  # [B,N,3]
    x2 = jnp.transpose(xyz2, (0, 2, 1))  # [B,S,3]
    p2 = jnp.transpose(points2, (0, 2, 1))  # [B,S,D]
    B, N, _ = x1.shape
    dists = _square_distance(x1, x2)  # [B,N,S]
    # 3 nearest neighbors (smallest distances) == top_k of negated dists
    neg_d, idx = jax.lax.top_k(-dists, 3)  # [B,N,3]
    d3 = -neg_d
    dist_recip = 1.0 / (d3 + 1e-08)
    norm = jnp.sum(dist_recip, axis=2, keepdims=True)
    weight = dist_recip / norm  # [B,N,3]
    gathered = jax.vmap(lambda p, i: p[i])(p2, idx)  # [B,N,3,D]
    interpolated = jnp.sum(gathered * weight[..., None], axis=2)  # [B,N,D]
    p1 = jnp.transpose(points1, (0, 2, 1))  # [B,N,D]
    new_points = jnp.concatenate([p1, interpolated], axis=-1)  # [B,N,2D]
    x = jnp.transpose(new_points, (0, 2, 1))  # [B,2D,N]
    for W, b in ((W1, b1), (W2, b2), (W3, b3)):
        x = jax.nn.relu(jnp.einsum('bcn,oc->bon', x, W) + b[None, :, None])
    return x

if __name__ == "__main__":
    import jax
    _d = setup_inputs()
    print(jax.jit(kernel)(*tuple(_d.values())))

</pallas_src>

<mosaic_0001>
#map = affine_map<(d0, d1) -> (0, 0)>
#map1 = affine_map<(d0, d1) -> (0, 0, 0)>
module attributes {stable_mosaic.version = 14 : i64} {
  func.func @sc_interp(%arg0: i32, %arg1: i32, %arg2: memref<16384x256xf32, #tpu.memory_space<hbm>>, %arg3: memref<3x32768xi32, #tpu.memory_space<hbm>>, %arg4: memref<3x32768x16xf32, #tpu.memory_space<hbm>>, %arg5: memref<32768x256xf32, #tpu.memory_space<hbm>>, %arg6: memref<3x64xi32, #tpu.memory_space<vmem>>, %arg7: memref<3x64x16xf32, #tpu.memory_space<vmem>>, %arg8: memref<64x256xf32, #tpu.memory_space<vmem>>, %arg9: memref<64x256xf32, #tpu.memory_space<vmem>>, %arg10: memref<64x256xf32, #tpu.memory_space<vmem>>, %arg11: memref<64x256xf32, #tpu.memory_space<vmem>>, %arg12: memref<!tpu.dma_semaphore, #tpu.memory_space<semaphore_mem>>) attributes {dimension_semantics = [#tpu.dimension_semantics<core_parallel>, #tpu.dimension_semantics<subcore_parallel>], iteration_bounds = array<i64: 2, 16>, scalar_prefetch = 0 : i64, scratch_operands = 7 : i64, tpu.core_type = #tpu.core_type<sc_vector_subcore>, window_params = [{transform_indices = #map}, {transform_indices = #map}, {transform_indices = #map1}, {transform_indices = #map}]} {
    %mul3A = arith.constant 2 : i32
    %mul3A_0 = arith.muli %arg1, %mul3A : i32
    %add3A = arith.addi %mul3A_0, %arg0 : i32
    %scan3A = arith.constant 0 : i32
    %scan3A_1 = arith.constant 0 : i32
    %scan3A_2 = arith.constant 16 : i32
    %scan3A_3 = arith.addi %scan3A_1, %scan3A_2 : i32
    %scan3A_4 = arith.constant 1 : i32
    scf.for %scan3A_6 = %scan3A_1 to %scan3A_3 step %scan3A_4  : i32 {
      %mul3A_7 = arith.constant 1024 : i32
      %mul3A_8 = arith.muli %add3A, %mul3A_7 : i32
      %mul3A_9 = arith.constant 64 : i32
      %mul3A_10 = arith.muli %scan3A_6, %mul3A_9 : i32
      %add3A_11 = arith.addi %mul3A_8, %mul3A_10 : i32
      %run_scoped3A = arith.constant 0 : i32
      %run_scoped3A_12 = arith.constant 0 : i32
      "tpu.region"() ({
        %run_scoped3A_69 = tpu.sem_alloc : memref<!tpu.dma_semaphore, #tpu.memory_space<semaphore_mem>>
        %dma_start3A_70 = arith.constant 0 : i32
        %dma_start3A_71 = tpu.memref_slice %arg6[%run_scoped3A_12, %dma_start3A_70] : memref<3x64xi32, #tpu.memory_space<vmem>> -> memref<1x64xi32, #tpu.memory_space<vmem>>
        %dma_start3A_72 = tpu.memref_squeeze %dma_start3A_71 : memref<1x64xi32, #tpu.memory_space<vmem>> -> memref<64xi32, #tpu.memory_space<vmem>>
        %dma_start3A_73 = tpu.memref_slice %arg3[%run_scoped3A, %add3A_11] : memref<3x32768xi32, #tpu.memory_space<hbm>> -> memref<1x64xi32, #tpu.memory_space<hbm>>
        %dma_start3A_74 = tpu.memref_squeeze %dma_start3A_73 : memref<1x64xi32, #tpu.memory_space<hbm>> -> memref<64xi32, #tpu.memory_space<hbm>>
        %dma_start3A_75 = arith.constant 0 : i32
        %dma_start3A_76 = tpu.memref_slice %arg6[%run_scoped3A_12, %dma_start3A_75] : memref<3x64xi32, #tpu.memory_space<vmem>> -> memref<1x64xi32, #tpu.memory_space<vmem>>
        %dma_start3A_77 = tpu.memref_squeeze %dma_start3A_76 : memref<1x64xi32, #tpu.memory_space<vmem>> -> memref<64xi32, #tpu.memory_space<vmem>>
        %dma_start3A_78 = tpu.memref_slice %arg3[%run_scoped3A, %add3A_11] : memref<3x32768xi32, #tpu.memory_space<hbm>> -> memref<1x64xi32, #tpu.memory_space<hbm>>
        %dma_start3A_79 = tpu.memref_squeeze %dma_start3A_78 : memref<1x64xi32, #tpu.memory_space<hbm>> -> memref<64xi32, #tpu.memory_space<hbm>>
        tpu.enqueue_dma source(%dma_start3A_79 : memref<64xi32, #tpu.memory_space<hbm>>) target(%dma_start3A_77 : memref<64xi32, #tpu.memory_space<vmem>>) target_semaphore(%run_scoped3A_69 : memref<!tpu.dma_semaphore, #tpu.memory_space<semaphore_mem>>)
        %dma_wait3A_80 = arith.constant 0 : i32
        %dma_wait3A_81 = tpu.memref_slice %arg6[%run_scoped3A_12, %dma_wait3A_80] : memref<3x64xi32, #tpu.memory_space<vmem>> -> memref<1x64xi32, #tpu.memory_space<vmem>>
        %dma_wait3A_82 = tpu.memref_squeeze %dma_wait3A_81 : memref<1x64xi32, #tpu.memory_space<vmem>> -> memref<64xi32, #tpu.memory_space<vmem>>
        %dma_wait3A_83 = tpu.memref_slice %arg3[%run_scoped3A, %add3A_11] : memref<3x32768xi32, #tpu.memory_space<hbm>> -> memref<1x64xi32, #tpu.memory_space<hbm>>
        %dma_wait3A_84 = tpu.memref_squeeze %dma_wait3A_83 : memref<1x64xi32, #tpu.memory_space<hbm>> -> memref<64xi32, #tpu.memory_space<hbm>>
        %dma_wait3A_85 = arith.constant 0 : i32
        %dma_wait3A_86 = tpu.memref_slice %arg6[%run_scoped3A_12, %dma_wait3A_85] : memref<3x64xi32, #tpu.memory_space<vmem>> -> memref<1x64xi32, #tpu.memory_space<vmem>>
        %dma_wait3A_87 = tpu.memref_squeeze %dma_wait3A_86 : memref<1x64xi32, #tpu.memory_space<vmem>> -> memref<64xi32, #tpu.memory_space<vmem>>
        %dma_wait3A_88 = tpu.memref_slice %arg3[%run_scoped3A, %add3A_11] : memref<3x32768xi32, #tpu.memory_space<hbm>> -> memref<1x64xi32, #tpu.memory_space<hbm>>
        %dma_wait3A_89 = tpu.memref_squeeze %dma_wait3A_88 : memref<1x64xi32, #tpu.memory_space<hbm>> -> memref<64xi32, #tpu.memory_space<hbm>>
        tpu.wait_dma2 semaphore(%run_scoped3A_69 : memref<!tpu.dma_semaphore, #tpu.memory_space<semaphore_mem>>) src(%dma_wait3A_89 : memref<64xi32, #tpu.memory_space<hbm>>) dst(%dma_wait3A_87 : memref<64xi32, #tpu.memory_space<vmem>>)
        tpu.yield
      }) : () -> ()
      %run_scoped3A_13 = arith.constant 0 : i32
      %run_scoped3A_14 = arith.constant 0 : i32
      "tpu.region"() ({
        %run_scoped3A_69 = tpu.sem_alloc : memref<!tpu.dma_semaphore, #tpu.memory_space<semaphore_mem>>
        %dma_start3A_70 = arith.constant 0 : i32
        %dma_start3A_71 = arith.constant 0 : i32
        %dma_start3A_72 = tpu.memref_slice %arg7[%run_scoped3A_14, %dma_start3A_70, %dma_start3A_71] : memref<3x64x16xf32, #tpu.memory_space<vmem>> -> memref<1x64x16xf32, #tpu.memory_space<vmem>>
        %dma_start3A_73 = tpu.memref_squeeze %dma_start3A_72 : memref<1x64x16xf32, #tpu.memory_space<vmem>> -> memref<64x16xf32, #tpu.memory_space<vmem>>
        %dma_start3A_74 = arith.constant 0 : i32
        %dma_start3A_75 = tpu.memref_slice %arg4[%run_scoped3A_13, %add3A_11, %dma_start3A_74] : memref<3x32768x16xf32, #tpu.memory_space<hbm>> -> memref<1x64x16xf32, #tpu.memory_space<hbm>>
        %dma_start3A_76 = tpu.memref_squeeze %dma_start3A_75 : memref<1x64x16xf32, #tpu.memory_space<hbm>> -> memref<64x16xf32, #tpu.memory_space<hbm>>
        %dma_start3A_77 = arith.constant 0 : i32
        %dma_start3A_78 = arith.constant 0 : i32
        %dma_start3A_79 = tpu.memref_slice %arg7[%run_scoped3A_14, %dma_start3A_77, %dma_start3A_78] : memref<3x64x16xf32, #tpu.memory_space<vmem>> -> memref<1x64x16xf32, #tpu.memory_space<vmem>>
        %dma_start3A_80 = tpu.memref_squeeze %dma_start3A_79 : memref<1x64x16xf32, #tpu.memory_space<vmem>> -> memref<64x16xf32, #tpu.memory_space<vmem>>
        %dma_start3A_81 = arith.constant 0 : i32
        %dma_start3A_82 = tpu.memref_slice %arg4[%run_scoped3A_13, %add3A_11, %dma_start3A_81] : memref<3x32768x16xf32, #tpu.memory_space<hbm>> -> memref<1x64x16xf32, #tpu.memory_space<hbm>>
        %dma_start3A_83 = tpu.memref_squeeze %dma_start3A_82 : memref<1x64x16xf32, #tpu.memory_space<hbm>> -> memref<64x16xf32, #tpu.memory_space<hbm>>
        tpu.enqueue_dma source(%dma_start3A_83 : memref<64x16xf32, #tpu.memory_space<hbm>>) target(%dma_start3A_80 : memref<64x16xf32, #tpu.memory_space<vmem>>) target_semaphore(%run_scoped3A_69 : memref<!tpu.dma_semaphore, #tpu.memory_space<semaphore_mem>>)
        %dma_wait3A_84 = arith.constant 0 : i32
        %dma_wait3A_85 = arith.constant 0 : i32
        %dma_wait3A_86 = tpu.memref_slice %arg7[%run_scoped3A_14, %dma_wait3A_84, %dma_wait3A_85] : memref<3x64x16xf32, #tpu.memory_space<vmem>> -> memref<1x64x16xf32, #tpu.memory_space<vmem>>
        %dma_wait3A_87 = tpu.memref_squeeze %dma_wait3A_86 : memref<1x64x16xf32, #tpu.memory_space<vmem>> -> memref<64x16xf32, #tpu.memory_space<vmem>>
        %dma_wait3A_88 = arith.constant 0 : i32
        %dma_wait3A_89 = tpu.memref_slice %arg4[%run_scoped3A_13, %add3A_11, %dma_wait3A_88] : memref<3x32768x16xf32, #tpu.memory_space<hbm>> -> memref<1x64x16xf32, #tpu.memory_space<hbm>>
        %dma_wait3A_90 = tpu.memref_squeeze %dma_wait3A_89 : memref<1x64x16xf32, #tpu.memory_space<hbm>> -> memref<64x16xf32, #tpu.memory_space<hbm>>
        %dma_wait3A_91 = arith.constant 0 : i32
        %dma_wait3A_92 = arith.constant 0 : i32
        %dma_wait3A_93 = tpu.memref_slice %arg7[%run_scoped3A_14, %dma_wait3A_91, %dma_wait3A_92] : memref<3x64x16xf32, #tpu.memory_space<vmem>> -> memref<1x64x16xf32, #tpu.memory_space<vmem>>
        %dma_wait3A_94 = tpu.memref_squeeze %dma_wait3A_93 : memref<1x64x16xf32, #tpu.memory_space<vmem>> -> memref<64x16xf32, #tpu.memory_space<vmem>>
        %dma_wait3A_95 = arith.constant 0 : i32
        %dma_wait3A_96 = tpu.memref_slice %arg4[%run_scoped3A_13, %add3A_11, %dma_wait3A_95] : memref<3x32768x16xf32, #tpu.memory_space<hbm>> -> memref<1x64x16xf32, #tpu.memory_space<hbm>>
        %dma_wait3A_97 = tpu.memref_squeeze %dma_wait3A_96 : memref<1x64x16xf32, #tpu.memory_space<hbm>> -> memref<64x16xf32, #tpu.memory_space<hbm>>
        tpu.wait_dma2 semaphore(%run_scoped3A_69 : memref<!tpu.dma_semaphore, #tpu.memory_space<semaphore_mem>>) src(%dma_wait3A_97 : memref<64x16xf32, #tpu.memory_space<hbm>>) dst(%dma_wait3A_94 : memref<64x16xf32, #tpu.memory_space<vmem>>)
        tpu.yield
      }) : () -> ()
      %run_scoped3A_15 = arith.constant 1 : i32
      %run_scoped3A_16 = arith.constant 1 : i32
      "tpu.region"() ({
        %run_scoped3A_69 = tpu.sem_alloc : memref<!tpu.dma_semaphore, #tpu.memory_space<semaphore_mem>>
        %dma_start3A_70 = arith.constant 0 : i32
        %dma_start3A_71 = tpu.memref_slice %arg6[%run_scoped3A_16, %dma_start3A_70] : memref<3x64xi32, #tpu.memory_space<vmem>> -> memref<1x64xi32, #tpu.memory_space<vmem>>
        %dma_start3A_72 = tpu.memref_squeeze %dma_start3A_71 : memref<1x64xi32, #tpu.memory_space<vmem>> -> memref<64xi32, #tpu.memory_space<vmem>>
        %dma_start3A_73 = tpu.memref_slice %arg3[%run_scoped3A_15, %add3A_11] : memref<3x32768xi32, #tpu.memory_space<hbm>> -> memref<1x64xi32, #tpu.memory_space<hbm>>
        %dma_start3A_74 = tpu.memref_squeeze %dma_start3A_73 : memref<1x64xi32, #tpu.memory_space<hbm>> -> memref<64xi32, #tpu.memory_space<hbm>>
        %dma_start3A_75 = arith.constant 0 : i32
        %dma_start3A_76 = tpu.memref_slice %arg6[%run_scoped3A_16, %dma_start3A_75] : memref<3x64xi32, #tpu.memory_space<vmem>> -> memref<1x64xi32, #tpu.memory_space<vmem>>
        %dma_start3A_77 = tpu.memref_squeeze %dma_start3A_76 : memref<1x64xi32, #tpu.memory_space<vmem>> -> memref<64xi32, #tpu.memory_space<vmem>>
        %dma_start3A_78 = tpu.memref_slice %arg3[%run_scoped3A_15, %add3A_11] : memref<3x32768xi32, #tpu.memory_space<hbm>> -> memref<1x64xi32, #tpu.memory_space<hbm>>
        %dma_start3A_79 = tpu.memref_squeeze %dma_start3A_78 : memref<1x64xi32, #tpu.memory_space<hbm>> -> memref<64xi32, #tpu.memory_space<hbm>>
        tpu.enqueue_dma source(%dma_start3A_79 : memref<64xi32, #tpu.memory_space<hbm>>) target(%dma_start3A_77 : memref<64xi32, #tpu.memory_space<vmem>>) target_semaphore(%run_scoped3A_69 : memref<!tpu.dma_semaphore, #tpu.memory_space<semaphore_mem>>)
        %dma_wait3A_80 = arith.constant 0 : i32
        %dma_wait3A_81 = tpu.memref_slice %arg6[%run_scoped3A_16, %dma_wait3A_80] : memref<3x64xi32, #tpu.memory_space<vmem>> -> memref<1x64xi32, #tpu.memory_space<vmem>>
        %dma_wait3A_82 = tpu.memref_squeeze %dma_wait3A_81 : memref<1x64xi32, #tpu.memory_space<vmem>> -> memref<64xi32, #tpu.memory_space<vmem>>
        %dma_wait3A_83 = tpu.memref_slice %arg3[%run_scoped3A_15, %add3A_11] : memref<3x32768xi32, #tpu.memory_space<hbm>> -> memref<1x64xi32, #tpu.memory_space<hbm>>
        %dma_wait3A_84 = tpu.memref_squeeze %dma_wait3A_83 : memref<1x64xi32, #tpu.memory_space<hbm>> -> memref<64xi32, #tpu.memory_space<hbm>>
        %dma_wait3A_85 = arith.constant 0 : i32
        %dma_wait3A_86 = tpu.memref_slice %arg6[%run_scoped3A_16, %dma_wait3A_85] : memref<3x64xi32, #tpu.memory_space<vmem>> -> memref<1x64xi32, #tpu.memory_space<vmem>>
        %dma_wait3A_87 = tpu.memref_squeeze %dma_wait3A_86 : memref<1x64xi32, #tpu.memory_space<vmem>> -> memref<64xi32, #tpu.memory_space<vmem>>
        %dma_wait3A_88 = tpu.memref_slice %arg3[%run_scoped3A_15, %add3A_11] : memref<3x32768xi32, #tpu.memory_space<hbm>> -> memref<1x64xi32, #tpu.memory_space<hbm>>
        %dma_wait3A_89 = tpu.memref_squeeze %dma_wait3A_88 : memref<1x64xi32, #tpu.memory_space<hbm>> -> memref<64xi32, #tpu.memory_space<hbm>>
        tpu.wait_dma2 semaphore(%run_scoped3A_69 : memref<!tpu.dma_semaphore, #tpu.memory_space<semaphore_mem>>) src(%dma_wait3A_89 : memref<64xi32, #tpu.memory_space<hbm>>) dst(%dma_wait3A_87 : memref<64xi32, #tpu.memory_space<vmem>>)
        tpu.yield
      }) : () -> ()
      %run_scoped3A_17 = arith.constant 1 : i32
      %run_scoped3A_18 = arith.constant 1 : i32
      "tpu.region"() ({
        %run_scoped3A_69 = tpu.sem_alloc : memref<!tpu.dma_semaphore, #tpu.memory_space<semaphore_mem>>
        %dma_start3A_70 = arith.constant 0 : i32
        %dma_start3A_71 = arith.constant 0 : i32
        %dma_start3A_72 = tpu.memref_slice %arg7[%run_scoped3A_18, %dma_start3A_70, %dma_start3A_71] : memref<3x64x16xf32, #tpu.memory_space<vmem>> -> memref<1x64x16xf32, #tpu.memory_space<vmem>>
        %dma_start3A_73 = tpu.memref_squeeze %dma_start3A_72 : memref<1x64x16xf32, #tpu.memory_space<vmem>> -> memref<64x16xf32, #tpu.memory_space<vmem>>
        %dma_start3A_74 = arith.constant 0 : i32
        %dma_start3A_75 = tpu.memref_slice %arg4[%run_scoped3A_17, %add3A_11, %dma_start3A_74] : memref<3x32768x16xf32, #tpu.memory_space<hbm>> -> memref<1x64x16xf32, #tpu.memory_space<hbm>>
        %dma_start3A_76 = tpu.memref_squeeze %dma_start3A_75 : memref<1x64x16xf32, #tpu.memory_space<hbm>> -> memref<64x16xf32, #tpu.memory_space<hbm>>
        %dma_start3A_77 = arith.constant 0 : i32
        %dma_start3A_78 = arith.constant 0 : i32
        %dma_start3A_79 = tpu.memref_slice %arg7[%run_scoped3A_18, %dma_start3A_77, %dma_start3A_78] : memref<3x64x16xf32, #tpu.memory_space<vmem>> -> memref<1x64x16xf32, #tpu.memory_space<vmem>>
        %dma_start3A_80 = tpu.memref_squeeze %dma_start3A_79 : memref<1x64x16xf32, #tpu.memory_space<vmem>> -> memref<64x16xf32, #tpu.memory_space<vmem>>
        %dma_start3A_81 = arith.constant 0 : i32
        %dma_start3A_82 = tpu.memref_slice %arg4[%run_scoped3A_17, %add3A_11, %dma_start3A_81] : memref<3x32768x16xf32, #tpu.memory_space<hbm>> -> memref<1x64x16xf32, #tpu.memory_space<hbm>>
        %dma_start3A_83 = tpu.memref_squeeze %dma_start3A_82 : memref<1x64x16xf32, #tpu.memory_space<hbm>> -> memref<64x16xf32, #tpu.memory_space<hbm>>
        tpu.enqueue_dma source(%dma_start3A_83 : memref<64x16xf32, #tpu.memory_space<hbm>>) target(%dma_start3A_80 : memref<64x16xf32, #tpu.memory_space<vmem>>) target_semaphore(%run_scoped3A_69 : memref<!tpu.dma_semaphore, #tpu.memory_space<semaphore_mem>>)
        %dma_wait3A_84 = arith.constant 0 : i32
        %dma_wait3A_85 = arith.constant 0 : i32
        %dma_wait3A_86 = tpu.memref_slice %arg7[%run_scoped3A_18, %dma_wait3A_84, %dma_wait3A_85] : memref<3x64x16xf32, #tpu.memory_space<vmem>> -> memref<1x64x16xf32, #tpu.memory_space<vmem>>
        %dma_wait3A_87 = tpu.memref_squeeze %dma_wait3A_86 : memref<1x64x16xf32, #tpu.memory_space<vmem>> -> memref<64x16xf32, #tpu.memory_space<vmem>>
        %dma_wait3A_88 = arith.constant 0 : i32
        %dma_wait3A_89 = tpu.memref_slice %arg4[%run_scoped3A_17, %add3A_11, %dma_wait3A_88] : memref<3x32768x16xf32, #tpu.memory_space<hbm>> -> memref<1x64x16xf32, #tpu.memory_space<hbm>>
        %dma_wait3A_90 = tpu.memref_squeeze %dma_wait3A_89 : memref<1x64x16xf32, #tpu.memory_space<hbm>> -> memref<64x16xf32, #tpu.memory_space<hbm>>
        %dma_wait3A_91 = arith.constant 0 : i32
        %dma_wait3A_92 = arith.constant 0 : i32
        %dma_wait3A_93 = tpu.memref_slice %arg7[%run_scoped3A_18, %dma_wait3A_91, %dma_wait3A_92] : memref<3x64x16xf32, #tpu.memory_space<vmem>> -> memref<1x64x16xf32, #tpu.memory_space<vmem>>
        %dma_wait3A_94 = tpu.memref_squeeze %dma_wait3A_93 : memref<1x64x16xf32, #tpu.memory_space<vmem>> -> memref<64x16xf32, #tpu.memory_space<vmem>>
        %dma_wait3A_95 = arith.constant 0 : i32
        %dma_wait3A_96 = tpu.memref_slice %arg4[%run_scoped3A_17, %add3A_11, %dma_wait3A_95] : memref<3x32768x16xf32, #tpu.memory_space<hbm>> -> memref<1x64x16xf32, #tpu.memory_space<hbm>>
        %dma_wait3A_97 = tpu.memref_squeeze %dma_wait3A_96 : memref<1x64x16xf32, #tpu.memory_space<hbm>> -> memref<64x16xf32, #tpu.memory_space<hbm>>
        tpu.wait_dma2 semaphore(%run_scoped3A_69 : memref<!tpu.dma_semaphore, #tpu.memory_space<semaphore_mem>>) src(%dma_wait3A_97 : memref<64x16xf32, #tpu.memory_space<hbm>>) dst(%dma_wait3A_94 : memref<64x16xf32, #tpu.memory_space<vmem>>)
        tpu.yield
      }) : () -> ()
      %run_scoped3A_19 = arith.constant 2 : i32
      %run_scoped3A_20 = arith.constant 2 : i32
      "tpu.region"() ({
        %run_scoped3A_69 = tpu.sem_alloc : memref<!tpu.dma_semaphore, #tpu.memory_space<semaphore_mem>>
        %dma_start3A_70 = arith.constant 0 : i32
        %dma_start3A_71 = tpu.memref_slice %arg6[%run_scoped3A_20, %dma_start3A_70] : memref<3x64xi32, #tpu.memory_space<vmem>> -> memref<1x64xi32, #tpu.memory_space<vmem>>
        %dma_start3A_72 = tpu.memref_squeeze %dma_start3A_71 : memref<1x64xi32, #tpu.memory_space<vmem>> -> memref<64xi32, #tpu.memory_space<vmem>>
        %dma_start3A_73 = tpu.memref_slice %arg3[%run_scoped3A_19, %add3A_11] : memref<3x32768xi32, #tpu.memory_space<hbm>> -> memref<1x64xi32, #tpu.memory_space<hbm>>
        %dma_start3A_74 = tpu.memref_squeeze %dma_start3A_73 : memref<1x64xi32, #tpu.memory_space<hbm>> -> memref<64xi32, #tpu.memory_space<hbm>>
        %dma_start3A_75 = arith.constant 0 : i32
        %dma_start3A_76 = tpu.memref_slice %arg6[%run_scoped3A_20, %dma_start3A_75] : memref<3x64xi32, #tpu.memory_space<vmem>> -> memref<1x64xi32, #tpu.memory_space<vmem>>
        %dma_start3A_77 = tpu.memref_squeeze %dma_start3A_76 : memref<1x64xi32, #tpu.memory_space<vmem>> -> memref<64xi32, #tpu.memory_space<vmem>>
        %dma_start3A_78 = tpu.memref_slice %arg3[%run_scoped3A_19, %add3A_11] : memref<3x32768xi32, #tpu.memory_space<hbm>> -> memref<1x64xi32, #tpu.memory_space<hbm>>
        %dma_start3A_79 = tpu.memref_squeeze %dma_start3A_78 : memref<1x64xi32, #tpu.memory_space<hbm>> -> memref<64xi32, #tpu.memory_space<hbm>>
        tpu.enqueue_dma source(%dma_start3A_79 : memref<64xi32, #tpu.memory_space<hbm>>) target(%dma_start3A_77 : memref<64xi32, #tpu.memory_space<vmem>>) target_semaphore(%run_scoped3A_69 : memref<!tpu.dma_semaphore, #tpu.memory_space<semaphore_mem>>)
        %dma_wait3A_80 = arith.constant 0 : i32
        %dma_wait3A_81 = tpu.memref_slice %arg6[%run_scoped3A_20, %dma_wait3A_80] : memref<3x64xi32, #tpu.memory_space<vmem>> -> memref<1x64xi32, #tpu.memory_space<vmem>>
        %dma_wait3A_82 = tpu.memref_squeeze %dma_wait3A_81 : memref<1x64xi32, #tpu.memory_space<vmem>> -> memref<64xi32, #tpu.memory_space<vmem>>
        %dma_wait3A_83 = tpu.memref_slice %arg3[%run_scoped3A_19, %add3A_11] : memref<3x32768xi32, #tpu.memory_space<hbm>> -> memref<1x64xi32, #tpu.memory_space<hbm>>
        %dma_wait3A_84 = tpu.memref_squeeze %dma_wait3A_83 : memref<1x64xi32, #tpu.memory_space<hbm>> -> memref<64xi32, #tpu.memory_space<hbm>>
        %dma_wait3A_85 = arith.constant 0 : i32
        %dma_wait3A_86 = tpu.memref_slice %arg6[%run_scoped3A_20, %dma_wait3A_85] : memref<3x64xi32, #tpu.memory_space<vmem>> -> memref<1x64xi32, #tpu.memory_space<vmem>>
        %dma_wait3A_87 = tpu.memref_squeeze %dma_wait3A_86 : memref<1x64xi32, #tpu.memory_space<vmem>> -> memref<64xi32, #tpu.memory_space<vmem>>
        %dma_wait3A_88 = tpu.memref_slice %arg3[%run_scoped3A_19, %add3A_11] : memref<3x32768xi32, #tpu.memory_space<hbm>> -> memref<1x64xi32, #tpu.memory_space<hbm>>
        %dma_wait3A_89 = tpu.memref_squeeze %dma_wait3A_88 : memref<1x64xi32, #tpu.memory_space<hbm>> -> memref<64xi32, #tpu.memory_space<hbm>>
        tpu.wait_dma2 semaphore(%run_scoped3A_69 : memref<!tpu.dma_semaphore, #tpu.memory_space<semaphore_mem>>) src(%dma_wait3A_89 : memref<64xi32, #tpu.memory_space<hbm>>) dst(%dma_wait3A_87 : memref<64xi32, #tpu.memory_space<vmem>>)
        tpu.yield
      }) : () -> ()
      %run_scoped3A_21 = arith.constant 2 : i32
      %run_scoped3A_22 = arith.constant 2 : i32
      "tpu.region"() ({
        %run_scoped3A_69 = tpu.sem_alloc : memref<!tpu.dma_semaphore, #tpu.memory_space<semaphore_mem>>
        %dma_start3A_70 = arith.constant 0 : i32
        %dma_start3A_71 = arith.constant 0 : i32
        %dma_start3A_72 = tpu.memref_slice %arg7[%run_scoped3A_22, %dma_start3A_70, %dma_start3A_71] : memref<3x64x16xf32, #tpu.memory_space<vmem>> -> memref<1x64x16xf32, #tpu.memory_space<vmem>>
        %dma_start3A_73 = tpu.memref_squeeze %dma_start3A_72 : memref<1x64x16xf32, #tpu.memory_space<vmem>> -> memref<64x16xf32, #tpu.memory_space<vmem>>
        %dma_start3A_74 = arith.constant 0 : i32
        %dma_start3A_75 = tpu.memref_slice %arg4[%run_scoped3A_21, %add3A_11, %dma_start3A_74] : memref<3x32768x16xf32, #tpu.memory_space<hbm>> -> memref<1x64x16xf32, #tpu.memory_space<hbm>>
        %dma_start3A_76 = tpu.memref_squeeze %dma_start3A_75 : memref<1x64x16xf32, #tpu.memory_space<hbm>> -> memref<64x16xf32, #tpu.memory_space<hbm>>
        %dma_start3A_77 = arith.constant 0 : i32
        %dma_start3A_78 = arith.constant 0 : i32
        %dma_start3A_79 = tpu.memref_slice %arg7[%run_scoped3A_22, %dma_start3A_77, %dma_start3A_78] : memref<3x64x16xf32, #tpu.memory_space<vmem>> -> memref<1x64x16xf32, #tpu.memory_space<vmem>>
        %dma_start3A_80 = tpu.memref_squeeze %dma_start3A_79 : memref<1x64x16xf32, #tpu.memory_space<vmem>> -> memref<64x16xf32, #tpu.memory_space<vmem>>
        %dma_start3A_81 = arith.constant 0 : i32
        %dma_start3A_82 = tpu.memref_slice %arg4[%run_scoped3A_21, %add3A_11, %dma_start3A_81] : memref<3x32768x16xf32, #tpu.memory_space<hbm>> -> memref<1x64x16xf32, #tpu.memory_space<hbm>>
        %dma_start3A_83 = tpu.memref_squeeze %dma_start3A_82 : memref<1x64x16xf32, #tpu.memory_space<hbm>> -> memref<64x16xf32, #tpu.memory_space<hbm>>
        tpu.enqueue_dma source(%dma_start3A_83 : memref<64x16xf32, #tpu.memory_space<hbm>>) target(%dma_start3A_80 : memref<64x16xf32, #tpu.memory_space<vmem>>) target_semaphore(%run_scoped3A_69 : memref<!tpu.dma_semaphore, #tpu.memory_space<semaphore_mem>>)
        %dma_wait3A_84 = arith.constant 0 : i32
        %dma_wait3A_85 = arith.constant 0 : i32
        %dma_wait3A_86 = tpu.memref_slice %arg7[%run_scoped3A_22, %dma_wait3A_84, %dma_wait3A_85] : memref<3x64x16xf32, #tpu.memory_space<vmem>> -> memref<1x64x16xf32, #tpu.memory_space<vmem>>
        %dma_wait3A_87 = tpu.memref_squeeze %dma_wait3A_86 : memref<1x64x16xf32, #tpu.memory_space<vmem>> -> memref<64x16xf32, #tpu.memory_space<vmem>>
        %dma_wait3A_88 = arith.constant 0 : i32
        %dma_wait3A_89 = tpu.memref_slice %arg4[%run_scoped3A_21, %add3A_11, %dma_wait3A_88] : memref<3x32768x16xf32, #tpu.memory_space<hbm>> -> memref<1x64x16xf32, #tpu.memory_space<hbm>>
        %dma_wait3A_90 = tpu.memref_squeeze %dma_wait3A_89 : memref<1x64x16xf32, #tpu.memory_space<hbm>> -> memref<64x16xf32, #tpu.memory_space<hbm>>
        %dma_wait3A_91 = arith.constant 0 : i32
        %dma_wait3A_92 = arith.constant 0 : i32
        %dma_wait3A_93 = tpu.memref_slice %arg7[%run_scoped3A_22, %dma_wait3A_91, %dma_wait3A_92] : memref<3x64x16xf32, #tpu.memory_space<vmem>> -> memref<1x64x16xf32, #tpu.memory_space<vmem>>
        %dma_wait3A_94 = tpu.memref_squeeze %dma_wait3A_93 : memref<1x64x16xf32, #tpu.memory_space<vmem>> -> memref<64x16xf32, #tpu.memory_space<vmem>>
        %dma_wait3A_95 = arith.constant 0 : i32
        %dma_wait3A_96 = tpu.memref_slice %arg4[%run_scoped3A_21, %add3A_11, %dma_wait3A_95] : memref<3x32768x16xf32, #tpu.memory_space<hbm>> -> memref<1x64x16xf32, #tpu.memory_space<hbm>>
        %dma_wait3A_97 = tpu.memref_squeeze %dma_wait3A_96 : memref<1x64x16xf32, #tpu.memory_space<hbm>> -> memref<64x16xf32, #tpu.memory_space<hbm>>
        tpu.wait_dma2 semaphore(%run_scoped3A_69 : memref<!tpu.dma_semaphore, #tpu.memory_space<semaphore_mem>>) src(%dma_wait3A_97 : memref<64x16xf32, #tpu.memory_space<hbm>>) dst(%dma_wait3A_94 : memref<64x16xf32, #tpu.memory_space<vmem>>)
        tpu.yield
      }) : () -> ()
      %dma_start3A = arith.constant 0 : i32
      %dma_start3A_23 = arith.constant 0 : i32
      %dma_start3A_24 = tpu.memref_slice %arg6[%dma_start3A, %dma_start3A_23] : memref<3x64xi32, #tpu.memory_space<vmem>> -> memref<1x64xi32, #tpu.memory_space<vmem>>
      %dma_start3A_25 = tpu.memref_squeeze %dma_start3A_24 : memref<1x64xi32, #tpu.memory_space<vmem>> -> memref<64xi32, #tpu.memory_space<vmem>>
      %dma_start3A_26 = arith.constant 0 : i32
      %dma_start3A_27 = arith.constant 0 : i32
      %dma_start3A_28 = tpu.memref_slice %arg2[%dma_start3A_26, %dma_start3A_27] : memref<16384x256xf32, #tpu.memory_space<hbm>> -> memref<16384x256xf32, #tpu.memory_space<hbm>>
      tpu.enqueue_indirect_dma source(%dma_start3A_28 : memref<16384x256xf32, #tpu.memory_space<hbm>>) target(%arg8 : memref<64x256xf32, #tpu.memory_space<vmem>>) offsets(%dma_start3A_25 : memref<64xi32, #tpu.memory_space<vmem>>) semaphore(%arg12 : memref<!tpu.dma_semaphore, #tpu.memory_space<semaphore_mem>>)
      %dma_start3A_29 = arith.constant 1 : i32
      %dma_start3A_30 = arith.constant 0 : i32
      %dma_start3A_31 = tpu.memref_slice %arg6[%dma_start3A_29, %dma_start3A_30] : memref<3x64xi32, #tpu.memory_space<vmem>> -> memref<1x64xi32, #tpu.memory_space<vmem>>
      %dma_start3A_32 = tpu.memref_squeeze %dma_start3A_31 : memref<1x64xi32, #tpu.memory_space<vmem>> -> memref<64xi32, #tpu.memory_space<vmem>>
      %dma_start3A_33 = arith.constant 0 : i32
      %dma_start3A_34 = arith.constant 0 : i32
      %dma_start3A_35 = tpu.memref_slice %arg2[%dma_start3A_33, %dma_start3A_34] : memref<16384x256xf32, #tpu.memory_space<hbm>> -> memref<16384x256xf32, #tpu.memory_space<hbm>>
      tpu.enqueue_indirect_dma source(%dma_start3A_35 : memref<16384x256xf32, #tpu.memory_space<hbm>>) target(%arg9 : memref<64x256xf32, #tpu.memory_space<vmem>>) offsets(%dma_start3A_32 : memref<64xi32, #tpu.memory_space<vmem>>) semaphore(%arg12 : memref<!tpu.dma_semaphore, #tpu.memory_space<semaphore_mem>>)
      %dma_start3A_36 = arith.constant 2 : i32
      %dma_start3A_37 = arith.constant 0 : i32
      %dma_start3A_38 = tpu.memref_slice %arg6[%dma_start3A_36, %dma_start3A_37] : memref<3x64xi32, #tpu.memory_space<vmem>> -> memref<1x64xi32, #tpu.memory_space<vmem>>
      %dma_start3A_39 = tpu.memref_squeeze %dma_start3A_38 : memref<1x64xi32, #tpu.memory_space<vmem>> -> memref<64xi32, #tpu.memory_space<vmem>>
      %dma_start3A_40 = arith.constant 0 : i32
      %dma_start3A_41 = arith.constant 0 : i32
      %dma_start3A_42 = tpu.memref_slice %arg2[%dma_start3A_40, %dma_start3A_41] : memref<16384x256xf32, #tpu.memory_space<hbm>> -> memref<16384x256xf32, #tpu.memory_space<hbm>>
      tpu.enqueue_indirect_dma source(%dma_start3A_42 : memref<16384x256xf32, #tpu.memory_space<hbm>>) target(%arg10 : memref<64x256xf32, #tpu.memory_space<vmem>>) offsets(%dma_start3A_39 : memref<64xi32, #tpu.memory_space<vmem>>) semaphore(%arg12 : memref<!tpu.dma_semaphore, #tpu.memory_space<semaphore_mem>>)
      %dma_wait3A = arith.constant 0 : i32
      %dma_wait3A_43 = arith.constant 0 : i32
      %dma_wait3A_44 = tpu.memref_slice %arg6[%dma_wait3A, %dma_wait3A_43] : memref<3x64xi32, #tpu.memory_space<vmem>> -> memref<1x64xi32, #tpu.memory_space<vmem>>
      %dma_wait3A_45 = tpu.memref_squeeze %dma_wait3A_44 : memref<1x64xi32, #tpu.memory_space<vmem>> -> memref<64xi32, #tpu.memory_space<vmem>>
      %dma_wait3A_46 = arith.constant 0 : i32
      %dma_wait3A_47 = arith.constant 0 : i32
      %dma_wait3A_48 = tpu.memref_slice %arg2[%dma_wait3A_46, %dma_wait3A_47] : memref<16384x256xf32, #tpu.memory_space<hbm>> -> memref<16384x256xf32, #tpu.memory_space<hbm>>
      tpu.wait_indirect_dma semaphore(%arg12 : memref<!tpu.dma_semaphore, #tpu.memory_space<semaphore_mem>>) src(%dma_wait3A_48 : memref<16384x256xf32, #tpu.memory_space<hbm>>) dst(%arg8 : memref<64x256xf32, #tpu.memory_space<vmem>>)
      %dma_wait3A_49 = arith.constant 1 : i32
      %dma_wait3A_50 = arith.constant 0 : i32
      %dma_wait3A_51 = tpu.memref_slice %arg6[%dma_wait3A_49, %dma_wait3A_50] : memref<3x64xi32, #tpu.memory_space<vmem>> -> memref<1x64xi32, #tpu.memory_space<vmem>>
      %dma_wait3A_52 = tpu.memref_squeeze %dma_wait3A_51 : memref<1x64xi32, #tpu.memory_space<vmem>> -> memref<64xi32, #tpu.memory_space<vmem>>
      %dma_wait3A_53 = arith.constant 0 : i32
      %dma_wait3A_54 = arith.constant 0 : i32
      %dma_wait3A_55 = tpu.memref_slice %arg2[%dma_wait3A_53, %dma_wait3A_54] : memref<16384x256xf32, #tpu.memory_space<hbm>> -> memref<16384x256xf32, #tpu.memory_space<hbm>>
      tpu.wait_indirect_dma semaphore(%arg12 : memref<!tpu.dma_semaphore, #tpu.memory_space<semaphore_mem>>) src(%dma_wait3A_55 : memref<16384x256xf32, #tpu.memory_space<hbm>>) dst(%arg9 : memref<64x256xf32, #tpu.memory_space<vmem>>)
      %dma_wait3A_56 = arith.constant 2 : i32
      %dma_wait3A_57 = arith.constant 0 : i32
      %dma_wait3A_58 = tpu.memref_slice %arg6[%dma_wait3A_56, %dma_wait3A_57] : memref<3x64xi32, #tpu.memory_space<vmem>> -> memref<1x64xi32, #tpu.memory_space<vmem>>
      %dma_wait3A_59 = tpu.memref_squeeze %dma_wait3A_58 : memref<1x64xi32, #tpu.memory_space<vmem>> -> memref<64xi32, #tpu.memory_space<vmem>>
      %dma_wait3A_60 = arith.constant 0 : i32
      %dma_wait3A_61 = arith.constant 0 : i32
      %dma_wait3A_62 = tpu.memref_slice %arg2[%dma_wait3A_60, %dma_wait3A_61] : memref<16384x256xf32, #tpu.memory_space<hbm>> -> memref<16384x256xf32, #tpu.memory_space<hbm>>
      tpu.wait_indirect_dma semaphore(%arg12 : memref<!tpu.dma_semaphore, #tpu.memory_space<semaphore_mem>>) src(%dma_wait3A_62 : memref<16384x256xf32, #tpu.memory_space<hbm>>) dst(%arg10 : memref<64x256xf32, #tpu.memory_space<vmem>>)
      %scan3A_63 = arith.constant 0 : i32
      %scan3A_64 = arith.constant 0 : i32
      %scan3A_65 = arith.constant 64 : i32
      %scan3A_66 = arith.addi %scan3A_64, %scan3A_65 : i32
      %scan3A_67 = arith.constant 1 : i32
      scf.for %scan3A_69 = %scan3A_64 to %scan3A_66 step %scan3A_67  : i32 {
        %get3A = arith.constant 0 : i32
        %get3A_70 = arith.index_cast %get3A : i32 to index
        %get3A_71 = arith.index_cast %scan3A_69 : i32 to index
        %get3A_72 = arith.constant 0 : index
        %get3A_73 = tpu.vector_load %arg7[%get3A_70, %get3A_71, %get3A_72] {strides = array<i32>} : memref<3x64x16xf32, #tpu.memory_space<vmem>>, vector<1x1x16xf32>,
        %get3A_74 = vector.shape_cast %get3A_73 : vector<1x1x16xf32> to vector<16xf32>
        %get3A_75 = arith.constant 1 : i32
        %get3A_76 = arith.index_cast %get3A_75 : i32 to index
        %get3A_77 = arith.index_cast %scan3A_69 : i32 to index
        %get3A_78 = arith.constant 0 : index
        %get3A_79 = tpu.vector_load %arg7[%get3A_76, %get3A_77, %get3A_78] {strides = array<i32>} : memref<3x64x16xf32, #tpu.memory_space<vmem>>, vector<1x1x16xf32>,
        %get3A_80 = vector.shape_cast %get3A_79 : vector<1x1x16xf32> to vector<16xf32>
        %get3A_81 = arith.constant 2 : i32
        %get3A_82 = arith.index_cast %get3A_81 : i32 to index
        %get3A_83 = arith.index_cast %scan3A_69 : i32 to index
        %get3A_84 = arith.constant 0 : index
        %get3A_85 = tpu.vector_load %arg7[%get3A_82, %get3A_83, %get3A_84] {strides = array<i32>} : memref<3x64x16xf32, #tpu.memory_space<vmem>>, vector<1x1x16xf32>,
        %get3A_86 = vector.shape_cast %get3A_85 : vector<1x1x16xf32> to vector<16xf32>
        %get3A_87 = arith.index_cast %scan3A_69 : i32 to index
        %get3A_88 = arith.constant 0 : index
        %get3A_89 = tpu.vector_load %arg8[%get3A_87, %get3A_88] {strides = array<i32>} : memref<64x256xf32, #tpu.memory_space<vmem>>, vector<1x16xf32>,
        %get3A_90 = vector.shape_cast %get3A_89 : vector<1x16xf32> to vector<16xf32>
        %mul3A_91 = arith.mulf %get3A_74, %get3A_90 : vector<16xf32>
        %get3A_92 = arith.index_cast %scan3A_69 : i32 to index
        %get3A_93 = arith.constant 0 : index
        %get3A_94 = tpu.vector_load %arg9[%get3A_92, %get3A_93] {strides = array<i32>} : memref<64x256xf32, #tpu.memory_space<vmem>>, vector<1x16xf32>,
        %get3A_95 = vector.shape_cast %get3A_94 : vector<1x16xf32> to vector<16xf32>
        %mul3A_96 = arith.mulf %get3A_80, %get3A_95 : vector<16xf32>
        %add3A_97 = arith.addf %mul3A_91, %mul3A_96 : vector<16xf32>
        %get3A_98 = arith.index_cast %scan3A_69 : i32 to index
        %get3A_99 = arith.constant 0 : index
        %get3A_100 = tpu.vector_load %arg10[%get3A_98, %get3A_99] {strides = array<i32>} : memref<64x256xf32, #tpu.memory_space<vmem>>, vector<1x16xf32>,
        %get3A_101 = vector.shape_cast %get3A_100 : vector<1x16xf32> to vector<16xf32>
        %mul3A_102 = arith.mulf %get3A_86, %get3A_101 : vector<16xf32>
        %add3A_103 = arith.addf %add3A_97, %mul3A_102 : vector<16xf32>
        %swap3A = arith.index_cast %scan3A_69 : i32 to index
        %swap3A_104 = arith.constant 0 : index
        %swap3A_105 = tpu.vector_load %arg11[%swap3A, %swap3A_104] {strides = array<i32>} : memref<64x256xf32, #tpu.memory_space<vmem>>, vector<1x16xf32>,
        %swap3A_106 = vector.shape_cast %swap3A_105 : vector<1x16xf32> to vector<16xf32>
        %swap3A_107 = vector.shape_cast %add3A_103 : vector<16xf32> to vector<1x16xf32>
        tpu.vector_store %arg11[%swap3A, %swap3A_104], %swap3A_107 {strides = array<i32>} : memref<64x256xf32, #tpu.memory_space<vmem>>, vector<1x16xf32>,
        %get3A_108 = arith.index_cast %scan3A_69 : i32 to index
        %get3A_109 = arith.constant 16 : index
        %get3A_110 = tpu.vector_load %arg8[%get3A_108, %get3A_109] {strides = array<i32>} : memref<64x256xf32, #tpu.memory_space<vmem>>, vector<1x16xf32>,
        %get3A_111 = vector.shape_cast %get3A_110 : vector<1x16xf32> to vector<16xf32>
        %mul3A_112 = arith.mulf %get3A_74, %get3A_111 : vector<16xf32>
        %get3A_113 = arith.index_cast %scan3A_69 : i32 to index
        %get3A_114 = arith.constant 16 : index
        %get3A_115 = tpu.vector_load %arg9[%get3A_113, %get3A_114] {strides = array<i32>} : memref<64x256xf32, #tpu.memory_space<vmem>>, vector<1x16xf32>,
        %get3A_116 = vector.shape_cast %get3A_115 : vector<1x16xf32> to vector<16xf32>
        %mul3A_117 = arith.mulf %get3A_80, %get3A_116 : vector<16xf32>
        %add3A_118 = arith.addf %mul3A_112, %mul3A_117 : vector<16xf32>
        %get3A_119 = arith.index_cast %scan3A_69 : i32 to index
        %get3A_120 = arith.constant 16 : index
        %get3A_121 = tpu.vector_load %arg10[%get3A_119, %get3A_120] {strides = array<i32>} : memref<64x256xf32, #tpu.memory_space<vmem>>, vector<1x16xf32>,
        %get3A_122 = vector.shape_cast %get3A_121 : vector<1x16xf32> to vector<16xf32>
        %mul3A_123 = arith.mulf %get3A_86, %get3A_122 : vector<16xf32>
        %add3A_124 = arith.addf %add3A_118, %mul3A_123 : vector<16xf32>
        %swap3A_125 = arith.index_cast %scan3A_69 : i32 to index
        %swap3A_126 = arith.constant 16 : index
        %swap3A_127 = tpu.vector_load %arg11[%swap3A_125, %swap3A_126] {strides = array<i32>} : memref<64x256xf32, #tpu.memory_space<vmem>>, vector<1x16xf32>,
        %swap3A_128 = vector.shape_cast %swap3A_127 : vector<1x16xf32> to vector<16xf32>
        %swap3A_129 = vector.shape_cast %add3A_124 : vector<16xf32> to vector<1x16xf32>
        tpu.vector_store %arg11[%swap3A_125, %swap3A_126], %swap3A_129 {strides = array<i32>} : memref<64x256xf32, #tpu.memory_space<vmem>>, vector<1x16xf32>,
        %get3A_130 = arith.index_cast %scan3A_69 : i32 to index
        %get3A_131 = arith.constant 32 : index
        %get3A_132 = tpu.vector_load %arg8[%get3A_130, %get3A_131] {strides = array<i32>} : memref<64x256xf32, #tpu.memory_space<vmem>>, vector<1x16xf32>,
        %get3A_133 = vector.shape_cast %get3A_132 : vector<1x16xf32> to vector<16xf32>
        %mul3A_134 = arith.mulf %get3A_74, %get3A_133 : vector<16xf32>
        %get3A_135 = arith.index_cast %scan3A_69 : i32 to index
        %get3A_136 = arith.constant 32 : index
        %get3A_137 = tpu.vector_load %arg9[%get3A_135, %get3A_136] {strides = array<i32>} : memref<64x256xf32, #tpu.memory_space<vmem>>, vector<1x16xf32>,
        %get3A_138 = vector.shape_cast %get3A_137 : vector<1x16xf32> to vector<16xf32>
        %mul3A_139 = arith.mulf %get3A_80, %get3A_138 : vector<16xf32>
        %add3A_140 = arith.addf %mul3A_134, %mul3A_139 : vector<16xf32>
        %get3A_141 = arith.index_cast %scan3A_69 : i32 to index
        %get3A_142 = arith.constant 32 : index
        %get3A_143 = tpu.vector_load %arg10[%get3A_141, %get3A_142] {strides = array<i32>} : memref<64x256xf32, #tpu.memory_space<vmem>>, vector<1x16xf32>,
        %get3A_144 = vector.shape_cast %get3A_143 : vector<1x16xf32> to vector<16xf32>
        %mul3A_145 = arith.mulf %get3A_86, %get3A_144 : vector<16xf32>
        %add3A_146 = arith.addf %add3A_140, %mul3A_145 : vector<16xf32>
        %swap3A_147 = arith.index_cast %scan3A_69 : i32 to index
        %swap3A_148 = arith.constant 32 : index
        %swap3A_149 = tpu.vector_load %arg11[%swap3A_147, %swap3A_148] {strides = array<i32>} : memref<64x256xf32, #tpu.memory_space<vmem>>, vector<1x16xf32>,
        %swap3A_150 = vector.shape_cast %swap3A_149 : vector<1x16xf32> to vector<16xf32>
        %swap3A_151 = vector.shape_cast %add3A_146 : vector<16xf32> to vector<1x16xf32>
        tpu.vector_store %arg11[%swap3A_147, %swap3A_148], %swap3A_151 {strides = array<i32>} : memref<64x256xf32, #tpu.memory_space<vmem>>, vector<1x16xf32>,
        %get3A_152 = arith.index_cast %scan3A_69 : i32 to index
        %get3A_153 = arith.constant 48 : index
        %get3A_154 = tpu.vector_load %arg8[%get3A_152, %get3A_153] {strides = array<i32>} : memref<64x256xf32, #tpu.memory_space<vmem>>, vector<1x16xf32>,
        %get3A_155 = vector.shape_cast %get3A_154 : vector<1x16xf32> to vector<16xf32>
        %mul3A_156 = arith.mulf %get3A_74, %get3A_155 : vector<16xf32>
        %get3A_157 = arith.index_cast %scan3A_69 : i32 to index
        %get3A_158 = arith.constant 48 : index
        %get3A_159 = tpu.vector_load %arg9[%get3A_157, %get3A_158] {strides = array<i32>} : memref<64x256xf32, #tpu.memory_space<vmem>>, vector<1x16xf32>,
        %get3A_160 = vector.shape_cast %get3A_159 : vector<1x16xf32> to vector<16xf32>
        %mul3A_161 = arith.mulf %get3A_80, %get3A_160 : vector<16xf32>
        %add3A_162 = arith.addf %mul3A_156, %mul3A_161 : vector<16xf32>
        %get3A_163 = arith.index_cast %scan3A_69 : i32 to index
        %get3A_164 = arith.constant 48 : index
        %get3A_165 = tpu.vector_load %arg10[%get3A_163, %get3A_164] {strides = array<i32>} : memref<64x256xf32, #tpu.memory_space<vmem>>, vector<1x16xf32>,
        %get3A_166 = vector.shape_cast %get3A_165 : vector<1x16xf32> to vector<16xf32>
        %mul3A_167 = arith.mulf %get3A_86, %get3A_166 : vector<16xf32>
        %add3A_168 = arith.addf %add3A_162, %mul3A_167 : vector<16xf32>
        %swap3A_169 = arith.index_cast %scan3A_69 : i32 to index
        %swap3A_170 = arith.constant 48 : index
        %swap3A_171 = tpu.vector_load %arg11[%swap3A_169, %swap3A_170] {strides = array<i32>} : memref<64x256xf32, #tpu.memory_space<vmem>>, vector<1x16xf32>,
        %swap3A_172 = vector.shape_cast %swap3A_171 : vector<1x16xf32> to vector<16xf32>
        %swap3A_173 = vector.shape_cast %add3A_168 : vector<16xf32> to vector<1x16xf32>
        tpu.vector_store %arg11[%swap3A_169, %swap3A_170], %swap3A_173 {strides = array<i32>} : memref<64x256xf32, #tpu.memory_space<vmem>>, vector<1x16xf32>,
        %get3A_174 = arith.index_cast %scan3A_69 : i32 to index
        %get3A_175 = arith.constant 64 : index
        %get3A_176 = tpu.vector_load %arg8[%get3A_174, %get3A_175] {strides = array<i32>} : memref<64x256xf32, #tpu.memory_space<vmem>>, vector<1x16xf32>,
        %get3A_177 = vector.shape_cast %get3A_176 : vector<1x16xf32> to vector<16xf32>
        %mul3A_178 = arith.mulf %get3A_74, %get3A_177 : vector<16xf32>
        %get3A_179 = arith.index_cast %scan3A_69 : i32 to index
        %get3A_180 = arith.constant 64 : index
        %get3A_181 = tpu.vector_load %arg9[%get3A_179, %get3A_180] {strides = array<i32>} : memref<64x256xf32, #tpu.memory_space<vmem>>, vector<1x16xf32>,
        %get3A_182 = vector.shape_cast %get3A_181 : vector<1x16xf32> to vector<16xf32>
        %mul3A_183 = arith.mulf %get3A_80, %get3A_182 : vector<16xf32>
        %add3A_184 = arith.addf %mul3A_178, %mul3A_183 : vector<16xf32>
        %get3A_185 = arith.index_cast %scan3A_69 : i32 to index
        %get3A_186 = arith.constant 64 : index
        %get3A_187 = tpu.vector_load %arg10[%get3A_185, %get3A_186] {strides = array<i32>} : memref<64x256xf32, #tpu.memory_space<vmem>>, vector<1x16xf32>,
        %get3A_188 = vector.shape_cast %get3A_187 : vector<1x16xf32> to vector<16xf32>
        %mul3A_189 = arith.mulf %get3A_86, %get3A_188 : vector<16xf32>
        %add3A_190 = arith.addf %add3A_184, %mul3A_189 : vector<16xf32>
        %swap3A_191 = arith.index_cast %scan3A_69 : i32 to index
        %swap3A_192 = arith.constant 64 : index
        %swap3A_193 = tpu.vector_load %arg11[%swap3A_191, %swap3A_192] {strides = array<i32>} : memref<64x256xf32, #tpu.memory_space<vmem>>, vector<1x16xf32>,
        %swap3A_194 = vector.shape_cast %swap3A_193 : vector<1x16xf32> to vector<16xf32>
        %swap3A_195 = vector.shape_cast %add3A_190 : vector<16xf32> to vector<1x16xf32>
        tpu.vector_store %arg11[%swap3A_191, %swap3A_192], %swap3A_195 {strides = array<i32>} : memref<64x256xf32, #tpu.memory_space<vmem>>, vector<1x16xf32>,
        %get3A_196 = arith.index_cast %scan3A_69 : i32 to index
        %get3A_197 = arith.constant 80 : index
        %get3A_198 = tpu.vector_load %arg8[%get3A_196, %get3A_197] {strides = array<i32>} : memref<64x256xf32, #tpu.memory_space<vmem>>, vector<1x16xf32>,
        %get3A_199 = vector.shape_cast %get3A_198 : vector<1x16xf32> to vector<16xf32>
        %mul3A_200 = arith.mulf %get3A_74, %get3A_199 : vector<16xf32>
        %get3A_201 = arith.index_cast %scan3A_69 : i32 to index
        %get3A_202 = arith.constant 80 : index
        %get3A_203 = tpu.vector_load %arg9[%get3A_201, %get3A_202] {strides = array<i32>} : memref<64x256xf32, #tpu.memory_space<vmem>>, vector<1x16xf32>,
        %get3A_204 = vector.shape_cast %get3A_203 : vector<1x16xf32> to vector<16xf32>
        %mul3A_205 = arith.mulf %get3A_80, %get3A_204 : vector<16xf32>
        %add3A_206 = arith.addf %mul3A_200, %mul3A_205 : vector<16xf32>
        %get3A_207 = arith.index_cast %scan3A_69 : i32 to index
        %get3A_208 = arith.constant 80 : index
        %get3A_209 = tpu.vector_load %arg10[%get3A_207, %get3A_208] {strides = array<i32>} : memref<64x256xf32, #tpu.memory_space<vmem>>, vector<1x16xf32>,
        %get3A_210 = vector.shape_cast %get3A_209 : vector<1x16xf32> to vector<16xf32>
        %mul3A_211 = arith.mulf %get3A_86, %get3A_210 : vector<16xf32>
        %add3A_212 = arith.addf %add3A_206, %mul3A_211 : vector<16xf32>
        %swap3A_213 = arith.index_cast %scan3A_69 : i32 to index
        %swap3A_214 = arith.constant 80 : index
        %swap3A_215 = tpu.vector_load %arg11[%swap3A_213, %swap3A_214] {strides = array<i32>} : memref<64x256xf32, #tpu.memory_space<vmem>>, vector<1x16xf32>,
        %swap3A_216 = vector.shape_cast %swap3A_215 : vector<1x16xf32> to vector<16xf32>
        %swap3A_217 = vector.shape_cast %add3A_212 : vector<16xf32> to vector<1x16xf32>
        tpu.vector_store %arg11[%swap3A_213, %swap3A_214], %swap3A_217 {strides = array<i32>} : memref<64x256xf32, #tpu.memory_space<vmem>>, vector<1x16xf32>,
        %get3A_218 = arith.index_cast %scan3A_69 : i32 to index
        %get3A_219 = arith.constant 96 : index
        %get3A_220 = tpu.vector_load %arg8[%get3A_218, %get3A_219] {strides = array<i32>} : memref<64x256xf32, #tpu.memory_space<vmem>>, vector<1x16xf32>,
        %get3A_221 = vector.shape_cast %get3A_220 : vector<1x16xf32> to vector<16xf32>
        %mul3A_222 = arith.mulf %get3A_74, %get3A_221 : vector<16xf32>
        %get3A_223 = arith.index_cast %scan3A_69 : i32 to index
        %get3A_224 = arith.constant 96 : index
        %get3A_225 = tpu.vector_load %arg9[%get3A_223, %get3A_224] {strides = array<i32>} : memref<64x256xf32, #tpu.memory_space<vmem>>, vector<1x16xf32>,
        %get3A_226 = vector.shape_cast %get3A_225 : vector<1x16xf32> to vector<16xf32>
        %mul3A_227 = arith.mulf %get3A_80, %get3A_226 : vector<16xf32>
        %add3A_228 = arith.addf %mul3A_222, %mul3A_227 : vector<16xf32>
        %get3A_229 = arith.index_cast %scan3A_69 : i32 to index
        %get3A_230 = arith.constant 96 : index
        %get3A_231 = tpu.vector_load %arg10[%get3A_229, %get3A_230] {strides = array<i32>} : memref<64x256xf32, #tpu.memory_space<vmem>>, vector<1x16xf32>,
        %get3A_232 = vector.shape_cast %get3A_231 : vector<1x16xf32> to vector<16xf32>
        %mul3A_233 = arith.mulf %get3A_86, %get3A_232 : vector<16xf32>
        %add3A_234 = arith.addf %add3A_228, %mul3A_233 : vector<16xf32>
        %swap3A_235 = arith.index_cast %scan3A_69 : i32 to index
        %swap3A_236 = arith.constant 96 : index
        %swap3A_237 = tpu.vector_load %arg11[%swap3A_235, %swap3A_236] {strides = array<i32>} : memref<64x256xf32, #tpu.memory_space<vmem>>, vector<1x16xf32>,
        %swap3A_238 = vector.shape_cast %swap3A_237 : vector<1x16xf32> to vector<16xf32>
        %swap3A_239 = vector.shape_cast %add3A_234 : vector<16xf32> to vector<1x16xf32>
        tpu.vector_store %arg11[%swap3A_235, %swap3A_236], %swap3A_239 {strides = array<i32>} : memref<64x256xf32, #tpu.memory_space<vmem>>, vector<1x16xf32>,
        %get3A_240 = arith.index_cast %scan3A_69 : i32 to index
        %get3A_241 = arith.constant 112 : index
        %get3A_242 = tpu.vector_load %arg8[%get3A_240, %get3A_241] {strides = array<i32>} : memref<64x256xf32, #tpu.memory_space<vmem>>, vector<1x16xf32>,
        %get3A_243 = vector.shape_cast %get3A_242 : vector<1x16xf32> to vector<16xf32>
        %mul3A_244 = arith.mulf %get3A_74, %get3A_243 : vector<16xf32>
        %get3A_245 = arith.index_cast %scan3A_69 : i32 to index
        %get3A_246 = arith.constant 112 : index
        %get3A_247 = tpu.vector_load %arg9[%get3A_245, %get3A_246] {strides = array<i32>} : memref<64x256xf32, #tpu.memory_space<vmem>>, vector<1x16xf32>,
        %get3A_248 = vector.shape_cast %get3A_247 : vector<1x16xf32> to vector<16xf32>
        %mul3A_249 = arith.mulf %get3A_80, %get3A_248 : vector<16xf32>
        %add3A_250 = arith.addf %mul3A_244, %mul3A_249 : vector<16xf32>
        %get3A_251 = arith.index_cast %scan3A_69 : i32 to index
        %get3A_252 = arith.constant 112 : index
        %get3A_253 = tpu.vector_load %arg10[%get3A_251, %get3A_252] {strides = array<i32>} : memref<64x256xf32, #tpu.memory_space<vmem>>, vector<1x16xf32>,
        %get3A_254 = vector.shape_cast %get3A_253 : vector<1x16xf32> to vector<16xf32>
        %mul3A_255 = arith.mulf %get3A_86, %get3A_254 : vector<16xf32>
        %add3A_256 = arith.addf %add3A_250, %mul3A_255 : vector<16xf32>
        %swap3A_257 = arith.index_cast %scan3A_69 : i32 to index
        %swap3A_258 = arith.constant 112 : index
        %swap3A_259 = tpu.vector_load %arg11[%swap3A_257, %swap3A_258] {strides = array<i32>} : memref<64x256xf32, #tpu.memory_space<vmem>>, vector<1x16xf32>,
        %swap3A_260 = vector.shape_cast %swap3A_259 : vector<1x16xf32> to vector<16xf32>
        %swap3A_261 = vector.shape_cast %add3A_256 : vector<16xf32> to vector<1x16xf32>
        tpu.vector_store %arg11[%swap3A_257, %swap3A_258], %swap3A_261 {strides = array<i32>} : memref<64x256xf32, #tpu.memory_space<vmem>>, vector<1x16xf32>,
        %get3A_262 = arith.index_cast %scan3A_69 : i32 to index
        %get3A_263 = arith.constant 128 : index
        %get3A_264 = tpu.vector_load %arg8[%get3A_262, %get3A_263] {strides = array<i32>} : memref<64x256xf32, #tpu.memory_space<vmem>>, vector<1x16xf32>,
        %get3A_265 = vector.shape_cast %get3A_264 : vector<1x16xf32> to vector<16xf32>
        %mul3A_266 = arith.mulf %get3A_74, %get3A_265 : vector<16xf32>
        %get3A_267 = arith.index_cast %scan3A_69 : i32 to index
        %get3A_268 = arith.constant 128 : index
        %get3A_269 = tpu.vector_load %arg9[%get3A_267, %get3A_268] {strides = array<i32>} : memref<64x256xf32, #tpu.memory_space<vmem>>, vector<1x16xf32>,
        %get3A_270 = vector.shape_cast %get3A_269 : vector<1x16xf32> to vector<16xf32>
        %mul3A_271 = arith.mulf %get3A_80, %get3A_270 : vector<16xf32>
        %add3A_272 = arith.addf %mul3A_266, %mul3A_271 : vector<16xf32>
        %get3A_273 = arith.index_cast %scan3A_69 : i32 to index
        %get3A_274 = arith.constant 128 : index
        %get3A_275 = tpu.vector_load %arg10[%get3A_273, %get3A_274] {strides = array<i32>} : memref<64x256xf32, #tpu.memory_space<vmem>>, vector<1x16xf32>,
        %get3A_276 = vector.shape_cast %get3A_275 : vector<1x16xf32> to vector<16xf32>
        %mul3A_277 = arith.mulf %get3A_86, %get3A_276 : vector<16xf32>
        %add3A_278 = arith.addf %add3A_272, %mul3A_277 : vector<16xf32>
        %swap3A_279 = arith.index_cast %scan3A_69 : i32 to index
        %swap3A_280 = arith.constant 128 : index
        %swap3A_281 = tpu.vector_load %arg11[%swap3A_279, %swap3A_280] {strides = array<i32>} : memref<64x256xf32, #tpu.memory_space<vmem>>, vector<1x16xf32>,
        %swap3A_282 = vector.shape_cast %swap3A_281 : vector<1x16xf32> to vector<16xf32>
        %swap3A_283 = vector.shape_cast %add3A_278 : vector<16xf32> to vector<1x16xf32>
        tpu.vector_store %arg11[%swap3A_279, %swap3A_280], %swap3A_283 {strides = array<i32>} : memref<64x256xf32, #tpu.memory_space<vmem>>, vector<1x16xf32>,
        %get3A_284 = arith.index_cast %scan3A_69 : i32 to index
        %get3A_285 = arith.constant 144 : index
        %get3A_286 = tpu.vector_load %arg8[%get3A_284, %get3A_285] {strides = array<i32>} : memref<64x256xf32, #tpu.memory_space<vmem>>, vector<1x16xf32>,
        %get3A_287 = vector.shape_cast %get3A_286 : vector<1x16xf32> to vector<16xf32>
        %mul3A_288 = arith.mulf %get3A_74, %get3A_287 : vector<16xf32>
        %get3A_289 = arith.index_cast %scan3A_69 : i32 to index
        %get3A_290 = arith.constant 144 : index
        %get3A_291 = tpu.vector_load %arg9[%get3A_289, %get3A_290] {strides = array<i32>} : memref<64x256xf32, #tpu.memory_space<vmem>>, vector<1x16xf32>,
        %get3A_292 = vector.shape_cast %get3A_291 : vector<1x16xf32> to vector<16xf32>
        %mul3A_293 = arith.mulf %get3A_80, %get3A_292 : vector<16xf32>
        %add3A_294 = arith.addf %mul3A_288, %mul3A_293 : vector<16xf32>
        %get3A_295 = arith.index_cast %scan3A_69 : i32 to index
        %get3A_296 = arith.constant 144 : index
        %get3A_297 = tpu.vector_load %arg10[%get3A_295, %get3A_296] {strides = array<i32>} : memref<64x256xf32, #tpu.memory_space<vmem>>, vector<1x16xf32>,
        %get3A_298 = vector.shape_cast %get3A_297 : vector<1x16xf32> to vector<16xf32>
        %mul3A_299 = arith.mulf %get3A_86, %get3A_298 : vector<16xf32>
        %add3A_300 = arith.addf %add3A_294, %mul3A_299 : vector<16xf32>
        %swap3A_301 = arith.index_cast %scan3A_69 : i32 to index
        %swap3A_302 = arith.constant 144 : index
        %swap3A_303 = tpu.vector_load %arg11[%swap3A_301, %swap3A_302] {strides = array<i32>} : memref<64x256xf32, #tpu.memory_space<vmem>>, vector<1x16xf32>,
        %swap3A_304 = vector.shape_cast %swap3A_303 : vector<1x16xf32> to vector<16xf32>
        %swap3A_305 = vector.shape_cast %add3A_300 : vector<16xf32> to vector<1x16xf32>
        tpu.vector_store %arg11[%swap3A_301, %swap3A_302], %swap3A_305 {strides = array<i32>} : memref<64x256xf32, #tpu.memory_space<vmem>>, vector<1x16xf32>,
        %get3A_306 = arith.index_cast %scan3A_69 : i32 to index
        %get3A_307 = arith.constant 160 : index
        %get3A_308 = tpu.vector_load %arg8[%get3A_306, %get3A_307] {strides = array<i32>} : memref<64x256xf32, #tpu.memory_space<vmem>>, vector<1x16xf32>,
        %get3A_309 = vector.shape_cast %get3A_308 : vector<1x16xf32> to vector<16xf32>
        %mul3A_310 = arith.mulf %get3A_74, %get3A_309 : vector<16xf32>
        %get3A_311 = arith.index_cast %scan3A_69 : i32 to index
        %get3A_312 = arith.constant 160 : index
        %get3A_313 = tpu.vector_load %arg9[%get3A_311, %get3A_312] {strides = array<i32>} : memref<64x256xf32, #tpu.memory_space<vmem>>, vector<1x16xf32>,
        %get3A_314 = vector.shape_cast %get3A_313 : vector<1x16xf32> to vector<16xf32>
        %mul3A_315 = arith.mulf %get3A_80, %get3A_314 : vector<16xf32>
        %add3A_316 = arith.addf %mul3A_310, %mul3A_315 : vector<16xf32>
        %get3A_317 = arith.index_cast %scan3A_69 : i32 to index
        %get3A_318 = arith.constant 160 : index
        %get3A_319 = tpu.vector_load %arg10[%get3A_317, %get3A_318] {strides = array<i32>} : memref<64x256xf32, #tpu.memory_space<vmem>>, vector<1x16xf32>,
        %get3A_320 = vector.shape_cast %get3A_319 : vector<1x16xf32> to vector<16xf32>
        %mul3A_321 = arith.mulf %get3A_86, %get3A_320 : vector<16xf32>
        %add3A_322 = arith.addf %add3A_316, %mul3A_321 : vector<16xf32>
        %swap3A_323 = arith.index_cast %scan3A_69 : i32 to index
        %swap3A_324 = arith.constant 160 : index
        %swap3A_325 = tpu.vector_load %arg11[%swap3A_323, %swap3A_324] {strides = array<i32>} : memref<64x256xf32, #tpu.memory_space<vmem>>, vector<1x16xf32>,
        %swap3A_326 = vector.shape_cast %swap3A_325 : vector<1x16xf32> to vector<16xf32>
        %swap3A_327 = vector.shape_cast %add3A_322 : vector<16xf32> to vector<1x16xf32>
        tpu.vector_store %arg11[%swap3A_323, %swap3A_324], %swap3A_327 {strides = array<i32>} : memref<64x256xf32, #tpu.memory_space<vmem>>, vector<1x16xf32>,
        %get3A_328 = arith.index_cast %scan3A_69 : i32 to index
        %get3A_329 = arith.constant 176 : index
        %get3A_330 = tpu.vector_load %arg8[%get3A_328, %get3A_329] {strides = array<i32>} : memref<64x256xf32, #tpu.memory_space<vmem>>, vector<1x16xf32>,
        %get3A_331 = vector.shape_cast %get3A_330 : vector<1x16xf32> to vector<16xf32>
        %mul3A_332 = arith.mulf %get3A_74, %get3A_331 : vector<16xf32>
        %get3A_333 = arith.index_cast %scan3A_69 : i32 to index
        %get3A_334 = arith.constant 176 : index
        %get3A_335 = tpu.vector_load %arg9[%get3A_333, %get3A_334] {strides = array<i32>} : memref<64x256xf32, #tpu.memory_space<vmem>>, vector<1x16xf32>,
        %get3A_336 = vector.shape_cast %get3A_335 : vector<1x16xf32> to vector<16xf32>
        %mul3A_337 = arith.mulf %get3A_80, %get3A_336 : vector<16xf32>
        %add3A_338 = arith.addf %mul3A_332, %mul3A_337 : vector<16xf32>
        %get3A_339 = arith.index_cast %scan3A_69 : i32 to index
        %get3A_340 = arith.constant 176 : index
        %get3A_341 = tpu.vector_load %arg10[%get3A_339, %get3A_340] {strides = array<i32>} : memref<64x256xf32, #tpu.memory_space<vmem>>, vector<1x16xf32>,
        %get3A_342 = vector.shape_cast %get3A_341 : vector<1x16xf32> to vector<16xf32>
        %mul3A_343 = arith.mulf %get3A_86, %get3A_342 : vector<16xf32>
        %add3A_344 = arith.addf %add3A_338, %mul3A_343 : vector<16xf32>
        %swap3A_345 = arith.index_cast %scan3A_69 : i32 to index
        %swap3A_346 = arith.constant 176 : index
        %swap3A_347 = tpu.vector_load %arg11[%swap3A_345, %swap3A_346] {strides = array<i32>} : memref<64x256xf32, #tpu.memory_space<vmem>>, vector<1x16xf32>,
        %swap3A_348 = vector.shape_cast %swap3A_347 : vector<1x16xf32> to vector<16xf32>
        %swap3A_349 = vector.shape_cast %add3A_344 : vector<16xf32> to vector<1x16xf32>
        tpu.vector_store %arg11[%swap3A_345, %swap3A_346], %swap3A_349 {strides = array<i32>} : memref<64x256xf32, #tpu.memory_space<vmem>>, vector<1x16xf32>,
        %get3A_350 = arith.index_cast %scan3A_69 : i32 to index
        %get3A_351 = arith.constant 192 : index
        %get3A_352 = tpu.vector_load %arg8[%get3A_350, %get3A_351] {strides = array<i32>} : memref<64x256xf32, #tpu.memory_space<vmem>>, vector<1x16xf32>,
        %get3A_353 = vector.shape_cast %get3A_352 : vector<1x16xf32> to vector<16xf32>
        %mul3A_354 = arith.mulf %get3A_74, %get3A_353 : vector<16xf32>
        %get3A_355 = arith.index_cast %scan3A_69 : i32 to index
        %get3A_356 = arith.constant 192 : index
        %get3A_357 = tpu.vector_load %arg9[%get3A_355, %get3A_356] {strides = array<i32>} : memref<64x256xf32, #tpu.memory_space<vmem>>, vector<1x16xf32>,
        %get3A_358 = vector.shape_cast %get3A_357 : vector<1x16xf32> to vector<16xf32>
        %mul3A_359 = arith.mulf %get3A_80, %get3A_358 : vector<16xf32>
        %add3A_360 = arith.addf %mul3A_354, %mul3A_359 : vector<16xf32>
        %get3A_361 = arith.index_cast %scan3A_69 : i32 to index
        %get3A_362 = arith.constant 192 : index
        %get3A_363 = tpu.vector_load %arg10[%get3A_361, %get3A_362] {strides = array<i32>} : memref<64x256xf32, #tpu.memory_space<vmem>>, vector<1x16xf32>,
        %get3A_364 = vector.shape_cast %get3A_363 : vector<1x16xf32> to vector<16xf32>
        %mul3A_365 = arith.mulf %get3A_86, %get3A_364 : vector<16xf32>
        %add3A_366 = arith.addf %add3A_360, %mul3A_365 : vector<16xf32>
        %swap3A_367 = arith.index_cast %scan3A_69 : i32 to index
        %swap3A_368 = arith.constant 192 : index
        %swap3A_369 = tpu.vector_load %arg11[%swap3A_367, %swap3A_368] {strides = array<i32>} : memref<64x256xf32, #tpu.memory_space<vmem>>, vector<1x16xf32>,
        %swap3A_370 = vector.shape_cast %swap3A_369 : vector<1x16xf32> to vector<16xf32>
        %swap3A_371 = vector.shape_cast %add3A_366 : vector<16xf32> to vector<1x16xf32>
        tpu.vector_store %arg11[%swap3A_367, %swap3A_368], %swap3A_371 {strides = array<i32>} : memref<64x256xf32, #tpu.memory_space<vmem>>, vector<1x16xf32>,
        %get3A_372 = arith.index_cast %scan3A_69 : i32 to index
        %get3A_373 = arith.constant 208 : index
        %get3A_374 = tpu.vector_load %arg8[%get3A_372, %get3A_373] {strides = array<i32>} : memref<64x256xf32, #tpu.memory_space<vmem>>, vector<1x16xf32>,
        %get3A_375 = vector.shape_cast %get3A_374 : vector<1x16xf32> to vector<16xf32>
        %mul3A_376 = arith.mulf %get3A_74, %get3A_375 : vector<16xf32>
        %get3A_377 = arith.index_cast %scan3A_69 : i32 to index
        %get3A_378 = arith.constant 208 : index
        %get3A_379 = tpu.vector_load %arg9[%get3A_377, %get3A_378] {strides = array<i32>} : memref<64x256xf32, #tpu.memory_space<vmem>>, vector<1x16xf32>,
        %get3A_380 = vector.shape_cast %get3A_379 : vector<1x16xf32> to vector<16xf32>
        %mul3A_381 = arith.mulf %get3A_80, %get3A_380 : vector<16xf32>
        %add3A_382 = arith.addf %mul3A_376, %mul3A_381 : vector<16xf32>
        %get3A_383 = arith.index_cast %scan3A_69 : i32 to index
        %get3A_384 = arith.constant 208 : index
        %get3A_385 = tpu.vector_load %arg10[%get3A_383, %get3A_384] {strides = array<i32>} : memref<64x256xf32, #tpu.memory_space<vmem>>, vector<1x16xf32>,
        %get3A_386 = vector.shape_cast %get3A_385 : vector<1x16xf32> to vector<16xf32>
        %mul3A_387 = arith.mulf %get3A_86, %get3A_386 : vector<16xf32>
        %add3A_388 = arith.addf %add3A_382, %mul3A_387 : vector<16xf32>
        %swap3A_389 = arith.index_cast %scan3A_69 : i32 to index
        %swap3A_390 = arith.constant 208 : index
        %swap3A_391 = tpu.vector_load %arg11[%swap3A_389, %swap3A_390] {strides = array<i32>} : memref<64x256xf32, #tpu.memory_space<vmem>>, vector<1x16xf32>,
        %swap3A_392 = vector.shape_cast %swap3A_391 : vector<1x16xf32> to vector<16xf32>
        %swap3A_393 = vector.shape_cast %add3A_388 : vector<16xf32> to vector<1x16xf32>
        tpu.vector_store %arg11[%swap3A_389, %swap3A_390], %swap3A_393 {strides = array<i32>} : memref<64x256xf32, #tpu.memory_space<vmem>>, vector<1x16xf32>,
        %get3A_394 = arith.index_cast %scan3A_69 : i32 to index
        %get3A_395 = arith.constant 224 : index
        %get3A_396 = tpu.vector_load %arg8[%get3A_394, %get3A_395] {strides = array<i32>} : memref<64x256xf32, #tpu.memory_space<vmem>>, vector<1x16xf32>,
        %get3A_397 = vector.shape_cast %get3A_396 : vector<1x16xf32> to vector<16xf32>
        %mul3A_398 = arith.mulf %get3A_74, %get3A_397 : vector<16xf32>
        %get3A_399 = arith.index_cast %scan3A_69 : i32 to index
        %get3A_400 = arith.constant 224 : index
        %get3A_401 = tpu.vector_load %arg9[%get3A_399, %get3A_400] {strides = array<i32>} : memref<64x256xf32, #tpu.memory_space<vmem>>, vector<1x16xf32>,
        %get3A_402 = vector.shape_cast %get3A_401 : vector<1x16xf32> to vector<16xf32>
        %mul3A_403 = arith.mulf %get3A_80, %get3A_402 : vector<16xf32>
        %add3A_404 = arith.addf %mul3A_398, %mul3A_403 : vector<16xf32>
        %get3A_405 = arith.index_cast %scan3A_69 : i32 to index
        %get3A_406 = arith.constant 224 : index
        %get3A_407 = tpu.vector_load %arg10[%get3A_405, %get3A_406] {strides = array<i32>} : memref<64x256xf32, #tpu.memory_space<vmem>>, vector<1x16xf32>,
        %get3A_408 = vector.shape_cast %get3A_407 : vector<1x16xf32> to vector<16xf32>
        %mul3A_409 = arith.mulf %get3A_86, %get3A_408 : vector<16xf32>
        %add3A_410 = arith.addf %add3A_404, %mul3A_409 : vector<16xf32>
        %swap3A_411 = arith.index_cast %scan3A_69 : i32 to index
        %swap3A_412 = arith.constant 224 : index
        %swap3A_413 = tpu.vector_load %arg11[%swap3A_411, %swap3A_412] {strides = array<i32>} : memref<64x256xf32, #tpu.memory_space<vmem>>, vector<1x16xf32>,
        %swap3A_414 = vector.shape_cast %swap3A_413 : vector<1x16xf32> to vector<16xf32>
        %swap3A_415 = vector.shape_cast %add3A_410 : vector<16xf32> to vector<1x16xf32>
        tpu.vector_store %arg11[%swap3A_411, %swap3A_412], %swap3A_415 {strides = array<i32>} : memref<64x256xf32, #tpu.memory_space<vmem>>, vector<1x16xf32>,
        %get3A_416 = arith.index_cast %scan3A_69 : i32 to index
        %get3A_417 = arith.constant 240 : index
        %get3A_418 = tpu.vector_load %arg8[%get3A_416, %get3A_417] {strides = array<i32>} : memref<64x256xf32, #tpu.memory_space<vmem>>, vector<1x16xf32>,
        %get3A_419 = vector.shape_cast %get3A_418 : vector<1x16xf32> to vector<16xf32>
        %mul3A_420 = arith.mulf %get3A_74, %get3A_419 : vector<16xf32>
        %get3A_421 = arith.index_cast %scan3A_69 : i32 to index
        %get3A_422 = arith.constant 240 : index
        %get3A_423 = tpu.vector_load %arg9[%get3A_421, %get3A_422] {strides = array<i32>} : memref<64x256xf32, #tpu.memory_space<vmem>>, vector<1x16xf32>,
        %get3A_424 = vector.shape_cast %get3A_423 : vector<1x16xf32> to vector<16xf32>
        %mul3A_425 = arith.mulf %get3A_80, %get3A_424 : vector<16xf32>
        %add3A_426 = arith.addf %mul3A_420, %mul3A_425 : vector<16xf32>
        %get3A_427 = arith.index_cast %scan3A_69 : i32 to index
        %get3A_428 = arith.constant 240 : index
        %get3A_429 = tpu.vector_load %arg10[%get3A_427, %get3A_428] {strides = array<i32>} : memref<64x256xf32, #tpu.memory_space<vmem>>, vector<1x16xf32>,
        %get3A_430 = vector.shape_cast %get3A_429 : vector<1x16xf32> to vector<16xf32>
        %mul3A_431 = arith.mulf %get3A_86, %get3A_430 : vector<16xf32>
        %add3A_432 = arith.addf %add3A_426, %mul3A_431 : vector<16xf32>
        %swap3A_433 = arith.index_cast %scan3A_69 : i32 to index
        %swap3A_434 = arith.constant 240 : index
        %swap3A_435 = tpu.vector_load %arg11[%swap3A_433, %swap3A_434] {strides = array<i32>} : memref<64x256xf32, #tpu.memory_space<vmem>>, vector<1x16xf32>,
        %swap3A_436 = vector.shape_cast %swap3A_435 : vector<1x16xf32> to vector<16xf32>
        %swap3A_437 = vector.shape_cast %add3A_432 : vector<16xf32> to vector<1x16xf32>
        tpu.vector_store %arg11[%swap3A_433, %swap3A_434], %swap3A_437 {strides = array<i32>} : memref<64x256xf32, #tpu.memory_space<vmem>>, vector<1x16xf32>,
      }
      %scan3A_68 = arith.constant 64 : i32
      "tpu.region"() ({
        %run_scoped3A_69 = tpu.sem_alloc : memref<!tpu.dma_semaphore, #tpu.memory_space<semaphore_mem>>
        %dma_start3A_70 = arith.constant 0 : i32
        %dma_start3A_71 = tpu.memref_slice %arg5[%add3A_11, %dma_start3A_70] : memref<32768x256xf32, #tpu.memory_space<hbm>> -> memref<64x256xf32, #tpu.memory_space<hbm>>
        %dma_start3A_72 = arith.constant 0 : i32
        %dma_start3A_73 = tpu.memref_slice %arg5[%add3A_11, %dma_start3A_72] : memref<32768x256xf32, #tpu.memory_space<hbm>> -> memref<64x256xf32, #tpu.memory_space<hbm>>
        tpu.enqueue_dma source(%arg11 : memref<64x256xf32, #tpu.memory_space<vmem>>) target(%dma_start3A_73 : memref<64x256xf32, #tpu.memory_space<hbm>>) target_semaphore(%run_scoped3A_69 : memref<!tpu.dma_semaphore, #tpu.memory_space<semaphore_mem>>)
        %dma_wait3A_74 = arith.constant 0 : i32
        %dma_wait3A_75 = tpu.memref_slice %arg5[%add3A_11, %dma_wait3A_74] : memref<32768x256xf32, #tpu.memory_space<hbm>> -> memref<64x256xf32, #tpu.memory_space<hbm>>
        %dma_wait3A_76 = arith.constant 0 : i32
        %dma_wait3A_77 = tpu.memref_slice %arg5[%add3A_11, %dma_wait3A_76] : memref<32768x256xf32, #tpu.memory_space<hbm>> -> memref<64x256xf32, #tpu.memory_space<hbm>>
        tpu.wait_dma2 semaphore(%run_scoped3A_69 : memref<!tpu.dma_semaphore, #tpu.memory_space<semaphore_mem>>) src(%arg11 : memref<64x256xf32, #tpu.memory_space<vmem>>) dst(%dma_wait3A_77 : memref<64x256xf32, #tpu.memory_space<hbm>>)
        tpu.yield
      }) : () -> ()
    }
    %scan3A_5 = arith.constant 16 : i32
    return
  }
}

#map = affine_map<(d0, d1) -> (0, 0)>
#map1 = affine_map<(d0, d1) -> (0, 0, 0)>
module attributes {stable_mosaic.version = 14 : i64} {
  func.func @sc_interp(%arg0: i32, %arg1: i32, %arg2: memref<16384x256xf32, #tpu.memory_space<hbm>>, %arg3: memref<3x32768xi32, #tpu.memory_space<hbm>>, %arg4: memref<3x32768x16xf32, #tpu.memory_space<hbm>>, %arg5: memref<32768x256xf32, #tpu.memory_space<hbm>>, %arg6: memref<3x64xi32, #tpu.memory_space<vmem>>, %arg7: memref<3x64x16xf32, #tpu.memory_space<vmem>>, %arg8: memref<64x256xf32, #tpu.memory_space<vmem>>, %arg9: memref<64x256xf32, #tpu.memory_space<vmem>>, %arg10: memref<64x256xf32, #tpu.memory_space<vmem>>, %arg11: memref<64x256xf32, #tpu.memory_space<vmem>>, %arg12: memref<!tpu.dma_semaphore, #tpu.memory_space<semaphore_mem>>) attributes {dimension_semantics = [#tpu.dimension_semantics<core_parallel>, #tpu.dimension_semantics<subcore_parallel>], iteration_bounds = array<i64: 2, 16>, scalar_prefetch = 0 : i64, scratch_operands = 7 : i64, tpu.core_type = #tpu.core_type<sc_vector_subcore>, window_params = [{transform_indices = #map}, {transform_indices = #map}, {transform_indices = #map1}, {transform_indices = #map}]} {
    %mul3A = arith.constant 2 : i32
    %mul3A_0 = arith.muli %arg1, %mul3A : i32
    %add3A = arith.addi %mul3A_0, %arg0 : i32
    %scan3A = arith.constant 0 : i32
    %scan3A_1 = arith.constant 0 : i32
    %scan3A_2 = arith.constant 16 : i32
    %scan3A_3 = arith.addi %scan3A_1, %scan3A_2 : i32
    %scan3A_4 = arith.constant 1 : i32
    scf.for %scan3A_6 = %scan3A_1 to %scan3A_3 step %scan3A_4  : i32 {
      %mul3A_7 = arith.constant 1024 : i32
      %mul3A_8 = arith.muli %add3A, %mul3A_7 : i32
      %mul3A_9 = arith.constant 64 : i32
      %mul3A_10 = arith.muli %scan3A_6, %mul3A_9 : i32
      %add3A_11 = arith.addi %mul3A_8, %mul3A_10 : i32
      %run_scoped3A = arith.constant 0 : i32
      %run_scoped3A_12 = arith.constant 0 : i32
      "tpu.region"() ({
        %run_scoped3A_69 = tpu.sem_alloc : memref<!tpu.dma_semaphore, #tpu.memory_space<semaphore_mem>>
        %dma_start3A_70 = arith.constant 0 : i32
        %dma_start3A_71 = tpu.memref_slice %arg6[%run_scoped3A_12, %dma_start3A_70] : memref<3x64xi32, #tpu.memory_space<vmem>> -> memref<1x64xi32, #tpu.memory_space<vmem>>
        %dma_start3A_72 = tpu.memref_squeeze %dma_start3A_71 : memref<1x64xi32, #tpu.memory_space<vmem>> -> memref<64xi32, #tpu.memory_space<vmem>>
        %dma_start3A_73 = tpu.memref_slice %arg3[%run_scoped3A, %add3A_11] : memref<3x32768xi32, #tpu.memory_space<hbm>> -> memref<1x64xi32, #tpu.memory_space<hbm>>
        %dma_start3A_74 = tpu.memref_squeeze %dma_start3A_73 : memref<1x64xi32, #tpu.memory_space<hbm>> -> memref<64xi32, #tpu.memory_space<hbm>>
        %dma_start3A_75 = arith.constant 0 : i32
        %dma_start3A_76 = tpu.memref_slice %arg6[%run_scoped3A_12, %dma_start3A_75] : memref<3x64xi32, #tpu.memory_space<vmem>> -> memref<1x64xi32, #tpu.memory_space<vmem>>
        %dma_start3A_77 = tpu.memref_squeeze %dma_start3A_76 : memref<1x64xi32, #tpu.memory_space<vmem>> -> memref<64xi32, #tpu.memory_space<vmem>>
        %dma_start3A_78 = tpu.memref_slice %arg3[%run_scoped3A, %add3A_11] : memref<3x32768xi32, #tpu.memory_space<hbm>> -> memref<1x64xi32, #tpu.memory_space<hbm>>
        %dma_start3A_79 = tpu.memref_squeeze %dma_start3A_78 : memref<1x64xi32, #tpu.memory_space<hbm>> -> memref<64xi32, #tpu.memory_space<hbm>>
        tpu.enqueue_dma source(%dma_start3A_79 : memref<64xi32, #tpu.memory_space<hbm>>) target(%dma_start3A_77 : memref<64xi32, #tpu.memory_space<vmem>>) target_semaphore(%run_scoped3A_69 : memref<!tpu.dma_semaphore, #tpu.memory_space<semaphore_mem>>)
        %dma_wait3A_80 = arith.constant 0 : i32
        %dma_wait3A_81 = tpu.memref_slice %arg6[%run_scoped3A_12, %dma_wait3A_80] : memref<3x64xi32, #tpu.memory_space<vmem>> -> memref<1x64xi32, #tpu.memory_space<vmem>>
        %dma_wait3A_82 = tpu.memref_squeeze %dma_wait3A_81 : memref<1x64xi32, #tpu.memory_space<vmem>> -> memref<64xi32, #tpu.memory_space<vmem>>
        %dma_wait3A_83 = tpu.memref_slice %arg3[%run_scoped3A, %add3A_11] : memref<3x32768xi32, #tpu.memory_space<hbm>> -> memref<1x64xi32, #tpu.memory_space<hbm>>
        %dma_wait3A_84 = tpu.memref_squeeze %dma_wait3A_83 : memref<1x64xi32, #tpu.memory_space<hbm>> -> memref<64xi32, #tpu.memory_space<hbm>>
        %dma_wait3A_85 = arith.constant 0 : i32
        %dma_wait3A_86 = tpu.memref_slice %arg6[%run_scoped3A_12, %dma_wait3A_85] : memref<3x64xi32, #tpu.memory_space<vmem>> -> memref<1x64xi32, #tpu.memory_space<vmem>>
        %dma_wait3A_87 = tpu.memref_squeeze %dma_wait3A_86 : memref<1x64xi32, #tpu.memory_space<vmem>> -> memref<64xi32, #tpu.memory_space<vmem>>
        %dma_wait3A_88 = tpu.memref_slice %arg3[%run_scoped3A, %add3A_11] : memref<3x32768xi32, #tpu.memory_space<hbm>> -> memref<1x64xi32, #tpu.memory_space<hbm>>
        %dma_wait3A_89 = tpu.memref_squeeze %dma_wait3A_88 : memref<1x64xi32, #tpu.memory_space<hbm>> -> memref<64xi32, #tpu.memory_space<hbm>>
        tpu.wait_dma2 semaphore(%run_scoped3A_69 : memref<!tpu.dma_semaphore, #tpu.memory_space<semaphore_mem>>) src(%dma_wait3A_89 : memref<64xi32, #tpu.memory_space<hbm>>) dst(%dma_wait3A_87 : memref<64xi32, #tpu.memory_space<vmem>>)
        tpu.yield
      }) : () -> ()
      %run_scoped3A_13 = arith.constant 0 : i32
      %run_scoped3A_14 = arith.constant 0 : i32
      "tpu.region"() ({
        %run_scoped3A_69 = tpu.sem_alloc : memref<!tpu.dma_semaphore, #tpu.memory_space<semaphore_mem>>
        %dma_start3A_70 = arith.constant 0 : i32
        %dma_start3A_71 = arith.constant 0 : i32
        %dma_start3A_72 = tpu.memref_slice %arg7[%run_scoped3A_14, %dma_start3A_70, %dma_start3A_71] : memref<3x64x16xf32, #tpu.memory_space<vmem>> -> memref<1x64x16xf32, #tpu.memory_space<vmem>>
        %dma_start3A_73 = tpu.memref_squeeze %dma_start3A_72 : memref<1x64x16xf32, #tpu.memory_space<vmem>> -> memref<64x16xf32, #tpu.memory_space<vmem>>
        %dma_start3A_74 = arith.constant 0 : i32
        %dma_start3A_75 = tpu.memref_slice %arg4[%run_scoped3A_13, %add3A_11, %dma_start3A_74] : memref<3x32768x16xf32, #tpu.memory_space<hbm>> -> memref<1x64x16xf32, #tpu.memory_space<hbm>>
        %dma_start3A_76 = tpu.memref_squeeze %dma_start3A_75 : memref<1x64x16xf32, #tpu.memory_space<hbm>> -> memref<64x16xf32, #tpu.memory_space<hbm>>
        %dma_start3A_77 = arith.constant 0 : i32
        %dma_start3A_78 = arith.constant 0 : i32
        %dma_start3A_79 = tpu.memref_slice %arg7[%run_scoped3A_14, %dma_start3A_77, %dma_start3A_78] : memref<3x64x16xf32, #tpu.memory_space<vmem>> -> memref<1x64x16xf32, #tpu.memory_space<vmem>>
        %dma_start3A_80 = tpu.memref_squeeze %dma_start3A_79 : memref<1x64x16xf32, #tpu.memory_space<vmem>> -> memref<64x16xf32, #tpu.memory_space<vmem>>
        %dma_start3A_81 = arith.constant 0 : i32
        %dma_start3A_82 = tpu.memref_slice %arg4[%run_scoped3A_13, %add3A_11, %dma_start3A_81] : memref<3x32768x16xf32, #tpu.memory_space<hbm>> -> memref<1x64x16xf32, #tpu.memory_space<hbm>>
        %dma_start3A_83 = tpu.memref_squeeze %dma_start3A_82 : memref<1x64x16xf32, #tpu.memory_space<hbm>> -> memref<64x16xf32, #tpu.memory_space<hbm>>
        tpu.enqueue_dma source(%dma_start3A_83 : memref<64x16xf32, #tpu.memory_space<hbm>>) target(%dma_start3A_80 : memref<64x16xf32, #tpu.memory_space<vmem>>) target_semaphore(%run_scoped3A_69 : memref<!tpu.dma_semaphore, #tpu.memory_space<semaphore_mem>>)
        %dma_wait3A_84 = arith.constant 0 : i32
        %dma_wait3A_85 = arith.constant 0 : i32
        %dma_wait3A_86 = tpu.memref_slice %arg7[%run_scoped3A_14, %dma_wait3A_84, %dma_wait3A_85] : memref<3x64x16xf32, #tpu.memory_space<vmem>> -> memref<1x64x16xf32, #tpu.memory_space<vmem>>
        %dma_wait3A_87 = tpu.memref_squeeze %dma_wait3A_86 : memref<1x64x16xf32, #tpu.memory_space<vmem>> -> memref<64x16xf32, #tpu.memory_space<vmem>>
        %dma_wait3A_88 = arith.constant 0 : i32
        %dma_wait3A_89 = tpu.memref_slice %arg4[%run_scoped3A_13, %add3A_11, %dma_wait3A_88] : memref<3x32768x16xf32, #tpu.memory_space<hbm>> -> memref<1x64x16xf32, #tpu.memory_space<hbm>>
        %dma_wait3A_90 = tpu.memref_squeeze %dma_wait3A_89 : memref<1x64x16xf32, #tpu.memory_space<hbm>> -> memref<64x16xf32, #tpu.memory_space<hbm>>
        %dma_wait3A_91 = arith.constant 0 : i32
        %dma_wait3A_92 = arith.constant 0 : i32
        %dma_wait3A_93 = tpu.memref_slice %arg7[%run_scoped3A_14, %dma_wait3A_91, %dma_wait3A_92] : memref<3x64x16xf32, #tpu.memory_space<vmem>> -> memref<1x64x16xf32, #tpu.memory_space<vmem>>
        %dma_wait3A_94 = tpu.memref_squeeze %dma_wait3A_93 : memref<1x64x16xf32, #tpu.memory_space<vmem>> -> memref<64x16xf32, #tpu.memory_space<vmem>>
        %dma_wait3A_95 = arith.constant 0 : i32
        %dma_wait3A_96 = tpu.memref_slice %arg4[%run_scoped3A_13, %add3A_11, %dma_wait3A_95] : memref<3x32768x16xf32, #tpu.memory_space<hbm>> -> memref<1x64x16xf32, #tpu.memory_space<hbm>>
        %dma_wait3A_97 = tpu.memref_squeeze %dma_wait3A_96 : memref<1x64x16xf32, #tpu.memory_space<hbm>> -> memref<64x16xf32, #tpu.memory_space<hbm>>
        tpu.wait_dma2 semaphore(%run_scoped3A_69 : memref<!tpu.dma_semaphore, #tpu.memory_space<semaphore_mem>>) src(%dma_wait3A_97 : memref<64x16xf32, #tpu.memory_space<hbm>>) dst(%dma_wait3A_94 : memref<64x16xf32, #tpu.memory_space<vmem>>)
        tpu.yield
      }) : () -> ()
      %run_scoped3A_15 = arith.constant 1 : i32
      %run_scoped3A_16 = arith.constant 1 : i32
      "tpu.region"() ({
        %run_scoped3A_69 = tpu.sem_alloc : memref<!tpu.dma_semaphore, #tpu.memory_space<semaphore_mem>>
        %dma_start3A_70 = arith.constant 0 : i32
        %dma_start3A_71 = tpu.memref_slice %arg6[%run_scoped3A_16, %dma_start3A_70] : memref<3x64xi32, #tpu.memory_space<vmem>> -> memref<1x64xi32, #tpu.memory_space<vmem>>
        %dma_start3A_72 = tpu.memref_squeeze %dma_start3A_71 : memref<1x64xi32, #tpu.memory_space<vmem>> -> memref<64xi32, #tpu.memory_space<vmem>>
        %dma_start3A_73 = tpu.memref_slice %arg3[%run_scoped3A_15, %add3A_11] : memref<3x32768xi32, #tpu.memory_space<hbm>> -> memref<1x64xi32, #tpu.memory_space<hbm>>
        %dma_start3A_74 = tpu.memref_squeeze %dma_start3A_73 : memref<1x64xi32, #tpu.memory_space<hbm>> -> memref<64xi32, #tpu.memory_space<hbm>>
        %dma_start3A_75 = arith.constant 0 : i32
        %dma_start3A_76 = tpu.memref_slice %arg6[%run_scoped3A_16, %dma_start3A_75] : memref<3x64xi32, #tpu.memory_space<vmem>> -> memref<1x64xi32, #tpu.memory_space<vmem>>
        %dma_start3A_77 = tpu.memref_squeeze %dma_start3A_76 : memref<1x64xi32, #tpu.memory_space<vmem>> -> memref<64xi32, #tpu.memory_space<vmem>>
        %dma_start3A_78 = tpu.memref_slice %arg3[%run_scoped3A_15, %add3A_11] : memref<3x32768xi32, #tpu.memory_space<hbm>> -> memref<1x64xi32, #tpu.memory_space<hbm>>
        %dma_start3A_79 = tpu.memref_squeeze %dma_start3A_78 : memref<1x64xi32, #tpu.memory_space<hbm>> -> memref<64xi32, #tpu.memory_space<hbm>>
        tpu.enqueue_dma source(%dma_start3A_79 : memref<64xi32, #tpu.memory_space<hbm>>) target(%dma_start3A_77 : memref<64xi32, #tpu.memory_space<vmem>>) target_semaphore(%run_scoped3A_69 : memref<!tpu.dma_semaphore, #tpu.memory_space<semaphore_mem>>)
        %dma_wait3A_80 = arith.constant 0 : i32
        %dma_wait3A_81 = tpu.memref_slice %arg6[%run_scoped3A_16, %dma_wait3A_80] : memref<3x64xi32, #tpu.memory_space<vmem>> -> memref<1x64xi32, #tpu.memory_space<vmem>>
        %dma_wait3A_82 = tpu.memref_squeeze %dma_wait3A_81 : memref<1x64xi32, #tpu.memory_space<vmem>> -> memref<64xi32, #tpu.memory_space<vmem>>
        %dma_wait3A_83 = tpu.memref_slice %arg3[%run_scoped3A_15, %add3A_11] : memref<3x32768xi32, #tpu.memory_space<hbm>> -> memref<1x64xi32, #tpu.memory_space<hbm>>
        %dma_wait3A_84 = tpu.memref_squeeze %dma_wait3A_83 : memref<1x64xi32, #tpu.memory_space<hbm>> -> memref<64xi32, #tpu.memory_space<hbm>>
        %dma_wait3A_85 = arith.constant 0 : i32
        %dma_wait3A_86 = tpu.memref_slice %arg6[%run_scoped3A_16, %dma_wait3A_85] : memref<3x64xi32, #tpu.memory_space<vmem>> -> memref<1x64xi32, #tpu.memory_space<vmem>>
        %dma_wait3A_87 = tpu.memref_squeeze %dma_wait3A_86 : memref<1x64xi32, #tpu.memory_space<vmem>> -> memref<64xi32, #tpu.memory_space<vmem>>
        %dma_wait3A_88 = tpu.memref_slice %arg3[%run_scoped3A_15, %add3A_11] : memref<3x32768xi32, #tpu.memory_space<hbm>> -> memref<1x64xi32, #tpu.memory_space<hbm>>
        %dma_wait3A_89 = tpu.memref_squeeze %dma_wait3A_88 : memref<1x64xi32, #tpu.memory_space<hbm>> -> memref<64xi32, #tpu.memory_space<hbm>>
        tpu.wait_dma2 semaphore(%run_scoped3A_69 : memref<!tpu.dma_semaphore, #tpu.memory_space<semaphore_mem>>) src(%dma_wait3A_89 : memref<64xi32, #tpu.memory_space<hbm>>) dst(%dma_wait3A_87 : memref<64xi32, #tpu.memory_space<vmem>>)
        tpu.yield
      }) : () -> ()
      %run_scoped3A_17 = arith.constant 1 : i32
      %run_scoped3A_18 = arith.constant 1 : i32
      "tpu.region"() ({
        %run_scoped3A_69 = tpu.sem_alloc : memref<!tpu.dma_semaphore, #tpu.memory_space<semaphore_mem>>
        %dma_start3A_70 = arith.constant 0 : i32
        %dma_start3A_71 = arith.constant 0 : i32
        %dma_start3A_72 = tpu.memref_slice %arg7[%run_scoped3A_18, %dma_start3A_70, %dma_start3A_71] : memref<3x64x16xf32, #tpu.memory_space<vmem>> -> memref<1x64x16xf32, #tpu.memory_space<vmem>>
        %dma_start3A_73 = tpu.memref_squeeze %dma_start3A_72 : memref<1x64x16xf32, #tpu.memory_space<vmem>> -> memref<64x16xf32, #tpu.memory_space<vmem>>
        %dma_start3A_74 = arith.constant 0 : i32
        %dma_start3A_75 = tpu.memref_slice %arg4[%run_scoped3A_17, %add3A_11, %dma_start3A_74] : memref<3x32768x16xf32, #tpu.memory_space<hbm>> -> memref<1x64x16xf32, #tpu.memory_space<hbm>>
        %dma_start3A_76 = tpu.memref_squeeze %dma_start3A_75 : memref<1x64x16xf32, #tpu.memory_space<hbm>> -> memref<64x16xf32, #tpu.memory_space<hbm>>
        %dma_start3A_77 = arith.constant 0 : i32
        %dma_start3A_78 = arith.constant 0 : i32
        %dma_start3A_79 = tpu.memref_slice %arg7[%run_scoped3A_18, %dma_start3A_77, %dma_start3A_78] : memref<3x64x16xf32, #tpu.memory_space<vmem>> -> memref<1x64x16xf32, #tpu.memory_space<vmem>>
        %dma_start3A_80 = tpu.memref_squeeze %dma_start3A_79 : memref<1x64x16xf32, #tpu.memory_space<vmem>> -> memref<64x16xf32, #tpu.memory_space<vmem>>
        %dma_start3A_81 = arith.constant 0 : i32
        %dma_start3A_82 = tpu.memref_slice %arg4[%run_scoped3A_17, %add3A_11, %dma_start3A_81] : memref<3x32768x16xf32, #tpu.memory_space<hbm>> -> memref<1x64x16xf32, #tpu.memory_space<hbm>>
        %dma_start3A_83 = tpu.memref_squeeze %dma_start3A_82 : memref<1x64x16xf32, #tpu.memory_space<hbm>> -> memref<64x16xf32, #tpu.memory_space<hbm>>
        tpu.enqueue_dma source(%dma_start3A_83 : memref<64x16xf32, #tpu.memory_space<hbm>>) target(%dma_start3A_80 : memref<64x16xf32, #tpu.memory_space<vmem>>) target_semaphore(%run_scoped3A_69 : memref<!tpu.dma_semaphore, #tpu.memory_space<semaphore_mem>>)
        %dma_wait3A_84 = arith.constant 0 : i32
        %dma_wait3A_85 = arith.constant 0 : i32
        %dma_wait3A_86 = tpu.memref_slice %arg7[%run_scoped3A_18, %dma_wait3A_84, %dma_wait3A_85] : memref<3x64x16xf32, #tpu.memory_space<vmem>> -> memref<1x64x16xf32, #tpu.memory_space<vmem>>
        %dma_wait3A_87 = tpu.memref_squeeze %dma_wait3A_86 : memref<1x64x16xf32, #tpu.memory_space<vmem>> -> memref<64x16xf32, #tpu.memory_space<vmem>>
        %dma_wait3A_88 = arith.constant 0 : i32
        %dma_wait3A_89 = tpu.memref_slice %arg4[%run_scoped3A_17, %add3A_11, %dma_wait3A_88] : memref<3x32768x16xf32, #tpu.memory_space<hbm>> -> memref<1x64x16xf32, #tpu.memory_space<hbm>>
        %dma_wait3A_90 = tpu.memref_squeeze %dma_wait3A_89 : memref<1x64x16xf32, #tpu.memory_space<hbm>> -> memref<64x16xf32, #tpu.memory_space<hbm>>
        %dma_wait3A_91 = arith.constant 0 : i32
        %dma_wait3A_92 = arith.constant 0 : i32
        %dma_wait3A_93 = tpu.memref_slice %arg7[%run_scoped3A_18, %dma_wait3A_91, %dma_wait3A_92] : memref<3x64x16xf32, #tpu.memory_space<vmem>> -> memref<1x64x16xf32, #tpu.memory_space<vmem>>
        %dma_wait3A_94 = tpu.memref_squeeze %dma_wait3A_93 : memref<1x64x16xf32, #tpu.memory_space<vmem>> -> memref<64x16xf32, #tpu.memory_space<vmem>>
        %dma_wait3A_95 = arith.constant 0 : i32
        %dma_wait3A_96 = tpu.memref_slice %arg4[%run_scoped3A_17, %add3A_11, %dma_wait3A_95] : memref<3x32768x16xf32, #tpu.memory_space<hbm>> -> memref<1x64x16xf32, #tpu.memory_space<hbm>>
        %dma_wait3A_97 = tpu.memref_squeeze %dma_wait3A_96 : memref<1x64x16xf32, #tpu.memory_space<hbm>> -> memref<64x16xf32, #tpu.memory_space<hbm>>
        tpu.wait_dma2 semaphore(%run_scoped3A_69 : memref<!tpu.dma_semaphore, #tpu.memory_space<semaphore_mem>>) src(%dma_wait3A_97 : memref<64x16xf32, #tpu.memory_space<hbm>>) dst(%dma_wait3A_94 : memref<64x16xf32, #tpu.memory_space<vmem>>)
        tpu.yield
      }) : () -> ()
      %run_scoped3A_19 = arith.constant 2 : i32
      %run_scoped3A_20 = arith.constant 2 : i32
      "tpu.region"() ({
        %run_scoped3A_69 = tpu.sem_alloc : memref<!tpu.dma_semaphore, #tpu.memory_space<semaphore_mem>>
        %dma_start3A_70 = arith.constant 0 : i32
        %dma_start3A_71 = tpu.memref_slice %arg6[%run_scoped3A_20, %dma_start3A_70] : memref<3x64xi32, #tpu.memory_space<vmem>> -> memref<1x64xi32, #tpu.memory_space<vmem>>
        %dma_start3A_72 = tpu.memref_squeeze %dma_start3A_71 : memref<1x64xi32, #tpu.memory_space<vmem>> -> memref<64xi32, #tpu.memory_space<vmem>>
        %dma_start3A_73 = tpu.memref_slice %arg3[%run_scoped3A_19, %add3A_11] : memref<3x32768xi32, #tpu.memory_space<hbm>> -> memref<1x64xi32, #tpu.memory_space<hbm>>
        %dma_start3A_74 = tpu.memref_squeeze %dma_start3A_73 : memref<1x64xi32, #tpu.memory_space<hbm>> -> memref<64xi32, #tpu.memory_space<hbm>>
        %dma_start3A_75 = arith.constant 0 : i32
        %dma_start3A_76 = tpu.memref_slice %arg6[%run_scoped3A_20, %dma_start3A_75] : memref<3x64xi32, #tpu.memory_space<vmem>> -> memref<1x64xi32, #tpu.memory_space<vmem>>
        %dma_start3A_77 = tpu.memref_squeeze %dma_start3A_76 : memref<1x64xi32, #tpu.memory_space<vmem>> -> memref<64xi32, #tpu.memory_space<vmem>>
        %dma_start3A_78 = tpu.memref_slice %arg3[%run_scoped3A_19, %add3A_11] : memref<3x32768xi32, #tpu.memory_space<hbm>> -> memref<1x64xi32, #tpu.memory_space<hbm>>
        %dma_start3A_79 = tpu.memref_squeeze %dma_start3A_78 : memref<1x64xi32, #tpu.memory_space<hbm>> -> memref<64xi32, #tpu.memory_space<hbm>>
        tpu.enqueue_dma source(%dma_start3A_79 : memref<64xi32, #tpu.memory_space<hbm>>) target(%dma_start3A_77 : memref<64xi32, #tpu.memory_space<vmem>>) target_semaphore(%run_scoped3A_69 : memref<!tpu.dma_semaphore, #tpu.memory_space<semaphore_mem>>)
        %dma_wait3A_80 = arith.constant 0 : i32
        %dma_wait3A_81 = tpu.memref_slice %arg6[%run_scoped3A_20, %dma_wait3A_80] : memref<3x64xi32, #tpu.memory_space<vmem>> -> memref<1x64xi32, #tpu.memory_space<vmem>>
        %dma_wait3A_82 = tpu.memref_squeeze %dma_wait3A_81 : memref<1x64xi32, #tpu.memory_space<vmem>> -> memref<64xi32, #tpu.memory_space<vmem>>
        %dma_wait3A_83 = tpu.memref_slice %arg3[%run_scoped3A_19, %add3A_11] : memref<3x32768xi32, #tpu.memory_space<hbm>> -> memref<1x64xi32, #tpu.memory_space<hbm>>
        %dma_wait3A_84 = tpu.memref_squeeze %dma_wait3A_83 : memref<1x64xi32, #tpu.memory_space<hbm>> -> memref<64xi32, #tpu.memory_space<hbm>>
        %dma_wait3A_85 = arith.constant 0 : i32
        %dma_wait3A_86 = tpu.memref_slice %arg6[%run_scoped3A_20, %dma_wait3A_85] : memref<3x64xi32, #tpu.memory_space<vmem>> -> memref<1x64xi32, #tpu.memory_space<vmem>>
        %dma_wait3A_87 = tpu.memref_squeeze %dma_wait3A_86 : memref<1x64xi32, #tpu.memory_space<vmem>> -> memref<64xi32, #tpu.memory_space<vmem>>
        %dma_wait3A_88 = tpu.memref_slice %arg3[%run_scoped3A_19, %add3A_11] : memref<3x32768xi32, #tpu.memory_space<hbm>> -> memref<1x64xi32, #tpu.memory_space<hbm>>
        %dma_wait3A_89 = tpu.memref_squeeze %dma_wait3A_88 : memref<1x64xi32, #tpu.memory_space<hbm>> -> memref<64xi32, #tpu.memory_space<hbm>>
        tpu.wait_dma2 semaphore(%run_scoped3A_69 : memref<!tpu.dma_semaphore, #tpu.memory_space<semaphore_mem>>) src(%dma_wait3A_89 : memref<64xi32, #tpu.memory_space<hbm>>) dst(%dma_wait3A_87 : memref<64xi32, #tpu.memory_space<vmem>>)
        tpu.yield
      }) : () -> ()
      %run_scoped3A_21 = arith.constant 2 : i32
      %run_scoped3A_22 = arith.constant 2 : i32
      "tpu.region"() ({
        %run_scoped3A_69 = tpu.sem_alloc : memref<!tpu.dma_semaphore, #tpu.memory_space<semaphore_mem>>
        %dma_start3A_70 = arith.constant 0 : i32
        %dma_start3A_71 = arith.constant 0 : i32
        %dma_start3A_72 = tpu.memref_slice %arg7[%run_scoped3A_22, %dma_start3A_70, %dma_start3A_71] : memref<3x64x16xf32, #tpu.memory_space<vmem>> -> memref<1x64x16xf32, #tpu.memory_space<vmem>>
        %dma_start3A_73 = tpu.memref_squeeze %dma_start3A_72 : memref<1x64x16xf32, #tpu.memory_space<vmem>> -> memref<64x16xf32, #tpu.memory_space<vmem>>
        %dma_start3A_74 = arith.constant 0 : i32
        %dma_start3A_75 = tpu.memref_slice %arg4[%run_scoped3A_21, %add3A_11, %dma_start3A_74] : memref<3x32768x16xf32, #tpu.memory_space<hbm>> -> memref<1x64x16xf32, #tpu.memory_space<hbm>>
        %dma_start3A_76 = tpu.memref_squeeze %dma_start3A_75 : memref<1x64x16xf32, #tpu.memory_space<hbm>> -> memref<64x16xf32, #tpu.memory_space<hbm>>
        %dma_start3A_77 = arith.constant 0 : i32
        %dma_start3A_78 = arith.constant 0 : i32
        %dma_start3A_79 = tpu.memref_slice %arg7[%run_scoped3A_22, %dma_start3A_77, %dma_start3A_78] : memref<3x64x16xf32, #tpu.memory_space<vmem>> -> memref<1x64x16xf32, #tpu.memory_space<vmem>>
        %dma_start3A_80 = tpu.memref_squeeze %dma_start3A_79 : memref<1x64x16xf32, #tpu.memory_space<vmem>> -> memref<64x16xf32, #tpu.memory_space<vmem>>
        %dma_start3A_81 = arith.constant 0 : i32
        %dma_start3A_82 = tpu.memref_slice %arg4[%run_scoped3A_21, %add3A_11, %dma_start3A_81] : memref<3x32768x16xf32, #tpu.memory_space<hbm>> -> memref<1x64x16xf32, #tpu.memory_space<hbm>>
        %dma_start3A_83 = tpu.memref_squeeze %dma_start3A_82 : memref<1x64x16xf32, #tpu.memory_space<hbm>> -> memref<64x16xf32, #tpu.memory_space<hbm>>
        tpu.enqueue_dma source(%dma_start3A_83 : memref<64x16xf32, #tpu.memory_space<hbm>>) target(%dma_start3A_80 : memref<64x16xf32, #tpu.memory_space<vmem>>) target_semaphore(%run_scoped3A_69 : memref<!tpu.dma_semaphore, #tpu.memory_space<semaphore_mem>>)
        %dma_wait3A_84 = arith.constant 0 : i32
        %dma_wait3A_85 = arith.constant 0 : i32
        %dma_wait3A_86 = tpu.memref_slice %arg7[%run_scoped3A_22, %dma_wait3A_84, %dma_wait3A_85] : memref<3x64x16xf32, #tpu.memory_space<vmem>> -> memref<1x64x16xf32, #tpu.memory_space<vmem>>
        %dma_wait3A_87 = tpu.memref_squeeze %dma_wait3A_86 : memref<1x64x16xf32, #tpu.memory_space<vmem>> -> memref<64x16xf32, #tpu.memory_space<vmem>>
        %dma_wait3A_88 = arith.constant 0 : i32
        %dma_wait3A_89 = tpu.memref_slice %arg4[%run_scoped3A_21, %add3A_11, %dma_wait3A_88] : memref<3x32768x16xf32, #tpu.memory_space<hbm>> -> memref<1x64x16xf32, #tpu.memory_space<hbm>>
        %dma_wait3A_90 = tpu.memref_squeeze %dma_wait3A_89 : memref<1x64x16xf32, #tpu.memory_space<hbm>> -> memref<64x16xf32, #tpu.memory_space<hbm>>
        %dma_wait3A_91 = arith.constant 0 : i32
        %dma_wait3A_92 = arith.constant 0 : i32
        %dma_wait3A_93 = tpu.memref_slice %arg7[%run_scoped3A_22, %dma_wait3A_91, %dma_wait3A_92] : memref<3x64x16xf32, #tpu.memory_space<vmem>> -> memref<1x64x16xf32, #tpu.memory_space<vmem>>
        %dma_wait3A_94 = tpu.memref_squeeze %dma_wait3A_93 : memref<1x64x16xf32, #tpu.memory_space<vmem>> -> memref<64x16xf32, #tpu.memory_space<vmem>>
        %dma_wait3A_95 = arith.constant 0 : i32
        %dma_wait3A_96 = tpu.memref_slice %arg4[%run_scoped3A_21, %add3A_11, %dma_wait3A_95] : memref<3x32768x16xf32, #tpu.memory_space<hbm>> -> memref<1x64x16xf32, #tpu.memory_space<hbm>>
        %dma_wait3A_97 = tpu.memref_squeeze %dma_wait3A_96 : memref<1x64x16xf32, #tpu.memory_space<hbm>> -> memref<64x16xf32, #tpu.memory_space<hbm>>
        tpu.wait_dma2 semaphore(%run_scoped3A_69 : memref<!tpu.dma_semaphore, #tpu.memory_space<semaphore_mem>>) src(%dma_wait3A_97 : memref<64x16xf32, #tpu.memory_space<hbm>>) dst(%dma_wait3A_94 : memref<64x16xf32, #tpu.memory_space<vmem>>)
        tpu.yield
      }) : () -> ()
      %dma_start3A = arith.constant 0 : i32
      %dma_start3A_23 = arith.constant 0 : i32
      %dma_start3A_24 = tpu.memref_slice %arg6[%dma_start3A, %dma_start3A_23] : memref<3x64xi32, #tpu.memory_space<vmem>> -> memref<1x64xi32, #tpu.memory_space<vmem>>
      %dma_start3A_25 = tpu.memref_squeeze %dma_start3A_24 : memref<1x64xi32, #tpu.memory_space<vmem>> -> memref<64xi32, #tpu.memory_space<vmem>>
      %dma_start3A_26 = arith.constant 0 : i32
      %dma_start3A_27 = arith.constant 0 : i32
      %dma_start3A_28 = tpu.memref_slice %arg2[%dma_start3A_26, %dma_start3A_27] : memref<16384x256xf32, #tpu.memory_space<hbm>> -> memref<16384x256xf32, #tpu.memory_space<hbm>>
      tpu.enqueue_indirect_dma source(%dma_start3A_28 : memref<16384x256xf32, #tpu.memory_space<hbm>>) target(%arg8 : memref<64x256xf32, #tpu.memory_space<vmem>>) offsets(%dma_start3A_25 : memref<64xi32, #tpu.memory_space<vmem>>) semaphore(%arg12 : memref<!tpu.dma_semaphore, #tpu.memory_space<semaphore_mem>>)
      %dma_start3A_29 = arith.constant 1 : i32
      %dma_start3A_30 = arith.constant 0 : i32
      %dma_start3A_31 = tpu.memref_slice %arg6[%dma_start3A_29, %dma_start3A_30] : memref<3x64xi32, #tpu.memory_space<vmem>> -> memref<1x64xi32, #tpu.memory_space<vmem>>
      %dma_start3A_32 = tpu.memref_squeeze %dma_start3A_31 : memref<1x64xi32, #tpu.memory_space<vmem>> -> memref<64xi32, #tpu.memory_space<vmem>>
      %dma_start3A_33 = arith.constant 0 : i32
      %dma_start3A_34 = arith.constant 0 : i32
      %dma_start3A_35 = tpu.memref_slice %arg2[%dma_start3A_33, %dma_start3A_34] : memref<16384x256xf32, #tpu.memory_space<hbm>> -> memref<16384x256xf32, #tpu.memory_space<hbm>>
      tpu.enqueue_indirect_dma source(%dma_start3A_35 : memref<16384x256xf32, #tpu.memory_space<hbm>>) target(%arg9 : memref<64x256xf32, #tpu.memory_space<vmem>>) offsets(%dma_start3A_32 : memref<64xi32, #tpu.memory_space<vmem>>) semaphore(%arg12 : memref<!tpu.dma_semaphore, #tpu.memory_space<semaphore_mem>>)
      %dma_start3A_36 = arith.constant 2 : i32
      %dma_start3A_37 = arith.constant 0 : i32
      %dma_start3A_38 = tpu.memref_slice %arg6[%dma_start3A_36, %dma_start3A_37] : memref<3x64xi32, #tpu.memory_space<vmem>> -> memref<1x64xi32, #tpu.memory_space<vmem>>
      %dma_start3A_39 = tpu.memref_squeeze %dma_start3A_38 : memref<1x64xi32, #tpu.memory_space<vmem>> -> memref<64xi32, #tpu.memory_space<vmem>>
      %dma_start3A_40 = arith.constant 0 : i32
      %dma_start3A_41 = arith.constant 0 : i32
      %dma_start3A_42 = tpu.memref_slice %arg2[%dma_start3A_40, %dma_start3A_41] : memref<16384x256xf32, #tpu.memory_space<hbm>> -> memref<16384x256xf32, #tpu.memory_space<hbm>>
      tpu.enqueue_indirect_dma source(%dma_start3A_42 : memref<16384x256xf32, #tpu.memory_space<hbm>>) target(%arg10 : memref<64x256xf32, #tpu.memory_space<vmem>>) offsets(%dma_start3A_39 : memref<64xi32, #tpu.memory_space<vmem>>) semaphore(%arg12 : memref<!tpu.dma_semaphore, #tpu.memory_space<semaphore_mem>>)
      %dma_wait3A = arith.constant 0 : i32
      %dma_wait3A_43 = arith.constant 0 : i32
      %dma_wait3A_44 = tpu.memref_slice %arg6[%dma_wait3A, %dma_wait3A_43] : memref<3x64xi32, #tpu.memory_space<vmem>> -> memref<1x64xi32, #tpu.memory_space<vmem>>
      %dma_wait3A_45 = tpu.memref_squeeze %dma_wait3A_44 : memref<1x64xi32, #tpu.memory_space<vmem>> -> memref<64xi32, #tpu.memory_space<vmem>>
      %dma_wait3A_46 = arith.constant 0 : i32
      %dma_wait3A_47 = arith.constant 0 : i32
      %dma_wait3A_48 = tpu.memref_slice %arg2[%dma_wait3A_46, %dma_wait3A_47] : memref<16384x256xf32, #tpu.memory_space<hbm>> -> memref<16384x256xf32, #tpu.memory_space<hbm>>
      tpu.wait_indirect_dma semaphore(%arg12 : memref<!tpu.dma_semaphore, #tpu.memory_space<semaphore_mem>>) src(%dma_wait3A_48 : memref<16384x256xf32, #tpu.memory_space<hbm>>) dst(%arg8 : memref<64x256xf32, #tpu.memory_space<vmem>>)
      %dma_wait3A_49 = arith.constant 1 : i32
      %dma_wait3A_50 = arith.constant 0 : i32
      %dma_wait3A_51 = tpu.memref_slice %arg6[%dma_wait3A_49, %dma_wait3A_50] : memref<3x64xi32, #tpu.memory_space<vmem>> -> memref<1x64xi32, #tpu.memory_space<vmem>>
      %dma_wait3A_52 = tpu.memref_squeeze %dma_wait3A_51 : memref<1x64xi32, #tpu.memory_space<vmem>> -> memref<64xi32, #tpu.memory_space<vmem>>
      %dma_wait3A_53 = arith.constant 0 : i32
      %dma_wait3A_54 = arith.constant 0 : i32
      %dma_wait3A_55 = tpu.memref_slice %arg2[%dma_wait3A_53, %dma_wait3A_54] : memref<16384x256xf32, #tpu.memory_space<hbm>> -> memref<16384x256xf32, #tpu.memory_space<hbm>>
      tpu.wait_indirect_dma semaphore(%arg12 : memref<!tpu.dma_semaphore, #tpu.memory_space<semaphore_mem>>) src(%dma_wait3A_55 : memref<16384x256xf32, #tpu.memory_space<hbm>>) dst(%arg9 : memref<64x256xf32, #tpu.memory_space<vmem>>)
      %dma_wait3A_56 = arith.constant 2 : i32
      %dma_wait3A_57 = arith.constant 0 : i32
      %dma_wait3A_58 = tpu.memref_slice %arg6[%dma_wait3A_56, %dma_wait3A_57] : memref<3x64xi32, #tpu.memory_space<vmem>> -> memref<1x64xi32, #tpu.memory_space<vmem>>
      %dma_wait3A_59 = tpu.memref_squeeze %dma_wait3A_58 : memref<1x64xi32, #tpu.memory_space<vmem>> -> memref<64xi32, #tpu.memory_space<vmem>>
      %dma_wait3A_60 = arith.constant 0 : i32
      %dma_wait3A_61 = arith.constant 0 : i32
      %dma_wait3A_62 = tpu.memref_slice %arg2[%dma_wait3A_60, %dma_wait3A_61] : memref<16384x256xf32, #tpu.memory_space<hbm>> -> memref<16384x256xf32, #tpu.memory_space<hbm>>
      tpu.wait_indirect_dma semaphore(%arg12 : memref<!tpu.dma_semaphore, #tpu.memory_space<semaphore_mem>>) src(%dma_wait3A_62 : memref<16384x256xf32, #tpu.memory_space<hbm>>) dst(%arg10 : memref<64x256xf32, #tpu.memory_space<vmem>>)
      %scan3A_63 = arith.constant 0 : i32
      %scan3A_64 = arith.constant 0 : i32
      %scan3A_65 = arith.constant 64 : i32
      %scan3A_66 = arith.addi %scan3A_64, %scan3A_65 : i32
      %scan3A_67 = arith.constant 1 : i32
      scf.for %scan3A_69 = %scan3A_64 to %scan3A_66 step %scan3A_67  : i32 {
        %get3A = arith.constant 0 : i32
        %get3A_70 = arith.index_cast %get3A : i32 to index
        %get3A_71 = arith.index_cast %scan3A_69 : i32 to index
        %get3A_72 = arith.constant 0 : index
        %get3A_73 = tpu.vector_load %arg7[%get3A_70, %get3A_71, %get3A_72] {strides = array<i32>} : memref<3x64x16xf32, #tpu.memory_space<vmem>>, vector<1x1x16xf32>,
        %get3A_74 = vector.shape_cast %get3A_73 : vector<1x1x16xf32> to vector<16xf32>
        %get3A_75 = arith.constant 1 : i32
        %get3A_76 = arith.index_cast %get3A_75 : i32 to index
        %get3A_77 = arith.index_cast %scan3A_69 : i32 to index
        %get3A_78 = arith.constant 0 : index
        %get3A_79 = tpu.vector_load %arg7[%get3A_76, %get3A_77, %get3A_78] {strides = array<i32>} : memref<3x64x16xf32, #tpu.memory_space<vmem>>, vector<1x1x16xf32>,
        %get3A_80 = vector.shape_cast %get3A_79 : vector<1x1x16xf32> to vector<16xf32>
        %get3A_81 = arith.constant 2 : i32
        %get3A_82 = arith.index_cast %get3A_81 : i32 to index
        %get3A_83 = arith.index_cast %scan3A_69 : i32 to index
        %get3A_84 = arith.constant 0 : index
        %get3A_85 = tpu.vector_load %arg7[%get3A_82, %get3A_83, %get3A_84] {strides = array<i32>} : memref<3x64x16xf32, #tpu.memory_space<vmem>>, vector<1x1x16xf32>,
        %get3A_86 = vector.shape_cast %get3A_85 : vector<1x1x16xf32> to vector<16xf32>
        %get3A_87 = arith.index_cast %scan3A_69 : i32 to index
        %get3A_88 = arith.constant 0 : index
        %get3A_89 = tpu.vector_load %arg8[%get3A_87, %get3A_88] {strides = array<i32>} : memref<64x256xf32, #tpu.memory_space<vmem>>, vector<1x16xf32>,
        %get3A_90 = vector.shape_cast %get3A_89 : vector<1x16xf32> to vector<16xf32>
        %mul3A_91 = arith.mulf %get3A_74, %get3A_90 : vector<16xf32>
        %get3A_92 = arith.index_cast %scan3A_69 : i32 to index
        %get3A_93 = arith.constant 0 : index
        %get3A_94 = tpu.vector_load %arg9[%get3A_92, %get3A_93] {strides = array<i32>} : memref<64x256xf32, #tpu.memory_space<vmem>>, vector<1x16xf32>,
        %get3A_95 = vector.shape_cast %get3A_94 : vector<1x16xf32> to vector<16xf32>
        %mul3A_96 = arith.mulf %get3A_80, %get3A_95 : vector<16xf32>
        %add3A_97 = arith.addf %mul3A_91, %mul3A_96 : vector<16xf32>
        %get3A_98 = arith.index_cast %scan3A_69 : i32 to index
        %get3A_99 = arith.constant 0 : index
        %get3A_100 = tpu.vector_load %arg10[%get3A_98, %get3A_99] {strides = array<i32>} : memref<64x256xf32, #tpu.memory_space<vmem>>, vector<1x16xf32>,
        %get3A_101 = vector.shape_cast %get3A_100 : vector<1x16xf32> to vector<16xf32>
        %mul3A_102 = arith.mulf %get3A_86, %get3A_101 : vector<16xf32>
        %add3A_103 = arith.addf %add3A_97, %mul3A_102 : vector<16xf32>
        %swap3A = arith.index_cast %scan3A_69 : i32 to index
        %swap3A_104 = arith.constant 0 : index
        %swap3A_105 = tpu.vector_load %arg11[%swap3A, %swap3A_104] {strides = array<i32>} : memref<64x256xf32, #tpu.memory_space<vmem>>, vector<1x16xf32>,
        %swap3A_106 = vector.shape_cast %swap3A_105 : vector<1x16xf32> to vector<16xf32>
        %swap3A_107 = vector.shape_cast %add3A_103 : vector<16xf32> to vector<1x16xf32>
        tpu.vector_store %arg11[%swap3A, %swap3A_104], %swap3A_107 {strides = array<i32>} : memref<64x256xf32, #tpu.memory_space<vmem>>, vector<1x16xf32>,
        %get3A_108 = arith.index_cast %scan3A_69 : i32 to index
        %get3A_109 = arith.constant 16 : index
        %get3A_110 = tpu.vector_load %arg8[%get3A_108, %get3A_109] {strides = array<i32>} : memref<64x256xf32, #tpu.memory_space<vmem>>, vector<1x16xf32>,
        %get3A_111 = vector.shape_cast %get3A_110 : vector<1x16xf32> to vector<16xf32>
        %mul3A_112 = arith.mulf %get3A_74, %get3A_111 : vector<16xf32>
        %get3A_113 = arith.index_cast %scan3A_69 : i32 to index
        %get3A_114 = arith.constant 16 : index
        %get3A_115 = tpu.vector_load %arg9[%get3A_113, %get3A_114] {strides = array<i32>} : memref<64x256xf32, #tpu.memory_space<vmem>>, vector<1x16xf32>,
        %get3A_116 = vector.shape_cast %get3A_115 : vector<1x16xf32> to vector<16xf32>
        %mul3A_117 = arith.mulf %get3A_80, %get3A_116 : vector<16xf32>
        %add3A_118 = arith.addf %mul3A_112, %mul3A_117 : vector<16xf32>
        %get3A_119 = arith.index_cast %scan3A_69 : i32 to index
        %get3A_120 = arith.constant 16 : index
        %get3A_121 = tpu.vector_load %arg10[%get3A_119, %get3A_120] {strides = array<i32>} : memref<64x256xf32, #tpu.memory_space<vmem>>, vector<1x16xf32>,
        %get3A_122 = vector.shape_cast %get3A_121 : vector<1x16xf32> to vector<16xf32>
        %mul3A_123 = arith.mulf %get3A_86, %get3A_122 : vector<16xf32>
        %add3A_124 = arith.addf %add3A_118, %mul3A_123 : vector<16xf32>
        %swap3A_125 = arith.index_cast %scan3A_69 : i32 to index
        %swap3A_126 = arith.constant 16 : index
        %swap3A_127 = tpu.vector_load %arg11[%swap3A_125, %swap3A_126] {strides = array<i32>} : memref<64x256xf32, #tpu.memory_space<vmem>>, vector<1x16xf32>,
        %swap3A_128 = vector.shape_cast %swap3A_127 : vector<1x16xf32> to vector<16xf32>
        %swap3A_129 = vector.shape_cast %add3A_124 : vector<16xf32> to vector<1x16xf32>
        tpu.vector_store %arg11[%swap3A_125, %swap3A_126], %swap3A_129 {strides = array<i32>} : memref<64x256xf32, #tpu.memory_space<vmem>>, vector<1x16xf32>,
        %get3A_130 = arith.index_cast %scan3A_69 : i32 to index
        %get3A_131 = arith.constant 32 : index
        %get3A_132 = tpu.vector_load %arg8[%get3A_130, %get3A_131] {strides = array<i32>} : memref<64x256xf32, #tpu.memory_space<vmem>>, vector<1x16xf32>,
        %get3A_133 = vector.shape_cast %get3A_132 : vector<1x16xf32> to vector<16xf32>
        %mul3A_134 = arith.mulf %get3A_74, %get3A_133 : vector<16xf32>
        %get3A_135 = arith.index_cast %scan3A_69 : i32 to index
        %get3A_136 = arith.constant 32 : index
        %get3A_137 = tpu.vector_load %arg9[%get3A_135, %get3A_136] {strides = array<i32>} : memref<64x256xf32, #tpu.memory_space<vmem>>, vector<1x16xf32>,
        %get3A_138 = vector.shape_cast %get3A_137 : vector<1x16xf32> to vector<16xf32>
        %mul3A_139 = arith.mulf %get3A_80, %get3A_138 : vector<16xf32>
        %add3A_140 = arith.addf %mul3A_134, %mul3A_139 : vector<16xf32>
        %get3A_141 = arith.index_cast %scan3A_69 : i32 to index
        %get3A_142 = arith.constant 32 : index
        %get3A_143 = tpu.vector_load %arg10[%get3A_141, %get3A_142] {strides = array<i32>} : memref<64x256xf32, #tpu.memory_space<vmem>>, vector<1x16xf32>,
        %get3A_144 = vector.shape_cast %get3A_143 : vector<1x16xf32> to vector<16xf32>
        %mul3A_145 = arith.mulf %get3A_86, %get3A_144 : vector<16xf32>
        %add3A_146 = arith.addf %add3A_140, %mul3A_145 : vector<16xf32>
        %swap3A_147 = arith.index_cast %scan3A_69 : i32 to index
        %swap3A_148 = arith.constant 32 : index
        %swap3A_149 = tpu.vector_load %arg11[%swap3A_147, %swap3A_148] {strides = array<i32>} : memref<64x256xf32, #tpu.memory_space<vmem>>, vector<1x16xf32>,
        %swap3A_150 = vector.shape_cast %swap3A_149 : vector<1x16xf32> to vector<16xf32>
        %swap3A_151 = vector.shape_cast %add3A_146 : vector<16xf32> to vector<1x16xf32>
        tpu.vector_store %arg11[%swap3A_147, %swap3A_148], %swap3A_151 {strides = array<i32>} : memref<64x256xf32, #tpu.memory_space<vmem>>, vector<1x16xf32>,
        %get3A_152 = arith.index_cast %scan3A_69 : i32 to index
        %get3A_153 = arith.constant 48 : index
        %get3A_154 = tpu.vector_load %arg8[%get3A_152, %get3A_153] {strides = array<i32>} : memref<64x256xf32, #tpu.memory_space<vmem>>, vector<1x16xf32>,
        %get3A_155 = vector.shape_cast %get3A_154 : vector<1x16xf32> to vector<16xf32>
        %mul3A_156 = arith.mulf %get3A_74, %get3A_155 : vector<16xf32>
        %get3A_157 = arith.index_cast %scan3A_69 : i32 to index
        %get3A_158 = arith.constant 48 : index
        %get3A_159 = tpu.vector_load %arg9[%get3A_157, %get3A_158] {strides = array<i32>} : memref<64x256xf32, #tpu.memory_space<vmem>>, vector<1x16xf32>,
        %get3A_160 = vector.shape_cast %get3A_159 : vector<1x16xf32> to vector<16xf32>
        %mul3A_161 = arith.mulf %get3A_80, %get3A_160 : vector<16xf32>
        %add3A_162 = arith.addf %mul3A_156, %mul3A_161 : vector<16xf32>
        %get3A_163 = arith.index_cast %scan3A_69 : i32 to index
        %get3A_164 = arith.constant 48 : index
        %get3A_165 = tpu.vector_load %arg10[%get3A_163, %get3A_164] {strides = array<i32>} : memref<64x256xf32, #tpu.memory_space<vmem>>, vector<1x16xf32>,
        %get3A_166 = vector.shape_cast %get3A_165 : vector<1x16xf32> to vector<16xf32>
        %mul3A_167 = arith.mulf %get3A_86, %get3A_166 : vector<16xf32>
        %add3A_168 = arith.addf %add3A_162, %mul3A_167 : vector<16xf32>
        %swap3A_169 = arith.index_cast %scan3A_69 : i32 to index
        %swap3A_170 = arith.constant 48 : index
        %swap3A_171 = tpu.vector_load %arg11[%swap3A_169, %swap3A_170] {strides = array<i32>} : memref<64x256xf32, #tpu.memory_space<vmem>>, vector<1x16xf32>,
        %swap3A_172 = vector.shape_cast %swap3A_171 : vector<1x16xf32> to vector<16xf32>
        %swap3A_173 = vector.shape_cast %add3A_168 : vector<16xf32> to vector<1x16xf32>
        tpu.vector_store %arg11[%swap3A_169, %swap3A_170], %swap3A_173 {strides = array<i32>} : memref<64x256xf32, #tpu.memory_space<vmem>>, vector<1x16xf32>,
        %get3A_174 = arith.index_cast %scan3A_69 : i32 to index
        %get3A_175 = arith.constant 64 : index
        %get3A_176 = tpu.vector_load %arg8[%get3A_174, %get3A_175] {strides = array<i32>} : memref<64x256xf32, #tpu.memory_space<vmem>>, vector<1x16xf32>,
        %get3A_177 = vector.shape_cast %get3A_176 : vector<1x16xf32> to vector<16xf32>
        %mul3A_178 = arith.mulf %get3A_74, %get3A_177 : vector<16xf32>
        %get3A_179 = arith.index_cast %scan3A_69 : i32 to index
        %get3A_180 = arith.constant 64 : index
        %get3A_181 = tpu.vector_load %arg9[%get3A_179, %get3A_180] {strides = array<i32>} : memref<64x256xf32, #tpu.memory_space<vmem>>, vector<1x16xf32>,
        %get3A_182 = vector.shape_cast %get3A_181 : vector<1x16xf32> to vector<16xf32>
        %mul3A_183 = arith.mulf %get3A_80, %get3A_182 : vector<16xf32>
        %add3A_184 = arith.addf %mul3A_178, %mul3A_183 : vector<16xf32>
        %get3A_185 = arith.index_cast %scan3A_69 : i32 to index
        %get3A_186 = arith.constant 64 : index
        %get3A_187 = tpu.vector_load %arg10[%get3A_185, %get3A_186] {strides = array<i32>} : memref<64x256xf32, #tpu.memory_space<vmem>>, vector<1x16xf32>,
        %get3A_188 = vector.shape_cast %get3A_187 : vector<1x16xf32> to vector<16xf32>
        %mul3A_189 = arith.mulf %get3A_86, %get3A_188 : vector<16xf32>
        %add3A_190 = arith.addf %add3A_184, %mul3A_189 : vector<16xf32>
        %swap3A_191 = arith.index_cast %scan3A_69 : i32 to index
        %swap3A_192 = arith.constant 64 : index
        %swap3A_193 = tpu.vector_load %arg11[%swap3A_191, %swap3A_192] {strides = array<i32>} : memref<64x256xf32, #tpu.memory_space<vmem>>, vector<1x16xf32>,
        %swap3A_194 = vector.shape_cast %swap3A_193 : vector<1x16xf32> to vector<16xf32>
        %swap3A_195 = vector.shape_cast %add3A_190 : vector<16xf32> to vector<1x16xf32>
        tpu.vector_store %arg11[%swap3A_191, %swap3A_192], %swap3A_195 {strides = array<i32>} : memref<64x256xf32, #tpu.memory_space<vmem>>, vector<1x16xf32>,
        %get3A_196 = arith.index_cast %scan3A_69 : i32 to index
        %get3A_197 = arith.constant 80 : index
        %get3A_198 = tpu.vector_load %arg8[%get3A_196, %get3A_197] {strides = array<i32>} : memref<64x256xf32, #tpu.memory_space<vmem>>, vector<1x16xf32>,
        %get3A_199 = vector.shape_cast %get3A_198 : vector<1x16xf32> to vector<16xf32>
        %mul3A_200 = arith.mulf %get3A_74, %get3A_199 : vector<16xf32>
        %get3A_201 = arith.index_cast %scan3A_69 : i32 to index
        %get3A_202 = arith.constant 80 : index
        %get3A_203 = tpu.vector_load %arg9[%get3A_201, %get3A_202] {strides = array<i32>} : memref<64x256xf32, #tpu.memory_space<vmem>>, vector<1x16xf32>,
        %get3A_204 = vector.shape_cast %get3A_203 : vector<1x16xf32> to vector<16xf32>
        %mul3A_205 = arith.mulf %get3A_80, %get3A_204 : vector<16xf32>
        %add3A_206 = arith.addf %mul3A_200, %mul3A_205 : vector<16xf32>
        %get3A_207 = arith.index_cast %scan3A_69 : i32 to index
        %get3A_208 = arith.constant 80 : index
        %get3A_209 = tpu.vector_load %arg10[%get3A_207, %get3A_208] {strides = array<i32>} : memref<64x256xf32, #tpu.memory_space<vmem>>, vector<1x16xf32>,
        %get3A_210 = vector.shape_cast %get3A_209 : vector<1x16xf32> to vector<16xf32>
        %mul3A_211 = arith.mulf %get3A_86, %get3A_210 : vector<16xf32>
        %add3A_212 = arith.addf %add3A_206, %mul3A_211 : vector<16xf32>
        %swap3A_213 = arith.index_cast %scan3A_69 : i32 to index
        %swap3A_214 = arith.constant 80 : index
        %swap3A_215 = tpu.vector_load %arg11[%swap3A_213, %swap3A_214] {strides = array<i32>} : memref<64x256xf32, #tpu.memory_space<vmem>>, vector<1x16xf32>,
        %swap3A_216 = vector.shape_cast %swap3A_215 : vector<1x16xf32> to vector<16xf32>
        %swap3A_217 = vector.shape_cast %add3A_212 : vector<16xf32> to vector<1x16xf32>
        tpu.vector_store %arg11[%swap3A_213, %swap3A_214], %swap3A_217 {strides = array<i32>} : memref<64x256xf32, #tpu.memory_space<vmem>>, vector<1x16xf32>,
        %get3A_218 = arith.index_cast %scan3A_69 : i32 to index
        %get3A_219 = arith.constant 96 : index
        %get3A_220 = tpu.vector_load %arg8[%get3A_218, %get3A_219] {strides = array<i32>} : memref<64x256xf32, #tpu.memory_space<vmem>>, vector<1x16xf32>,
        %get3A_221 = vector.shape_cast %get3A_220 : vector<1x16xf32> to vector<16xf32>
        %mul3A_222 = arith.mulf %get3A_74, %get3A_221 : vector<16xf32>
        %get3A_223 = arith.index_cast %scan3A_69 : i32 to index
        %get3A_224 = arith.constant 96 : index
        %get3A_225 = tpu.vector_load %arg9[%get3A_223, %get3A_224] {strides = array<i32>} : memref<64x256xf32, #tpu.memory_space<vmem>>, vector<1x16xf32>,
        %get3A_226 = vector.shape_cast %get3A_225 : vector<1x16xf32> to vector<16xf32>
        %mul3A_227 = arith.mulf %get3A_80, %get3A_226 : vector<16xf32>
        %add3A_228 = arith.addf %mul3A_222, %mul3A_227 : vector<16xf32>
        %get3A_229 = arith.index_cast %scan3A_69 : i32 to index
        %get3A_230 = arith.constant 96 : index
        %get3A_231 = tpu.vector_load %arg10[%get3A_229, %get3A_230] {strides = array<i32>} : memref<64x256xf32, #tpu.memory_space<vmem>>, vector<1x16xf32>,
        %get3A_232 = vector.shape_cast %get3A_231 : vector<1x16xf32> to vector<16xf32>
        %mul3A_233 = arith.mulf %get3A_86, %get3A_232 : vector<16xf32>
        %add3A_234 = arith.addf %add3A_228, %mul3A_233 : vector<16xf32>
        %swap3A_235 = arith.index_cast %scan3A_69 : i32 to index
        %swap3A_236 = arith.constant 96 : index
        %swap3A_237 = tpu.vector_load %arg11[%swap3A_235, %swap3A_236] {strides = array<i32>} : memref<64x256xf32, #tpu.memory_space<vmem>>, vector<1x16xf32>,
        %swap3A_238 = vector.shape_cast %swap3A_237 : vector<1x16xf32> to vector<16xf32>
        %swap3A_239 = vector.shape_cast %add3A_234 : vector<16xf32> to vector<1x16xf32>
        tpu.vector_store %arg11[%swap3A_235, %swap3A_236], %swap3A_239 {strides = array<i32>} : memref<64x256xf32, #tpu.memory_space<vmem>>, vector<1x16xf32>,
        %get3A_240 = arith.index_cast %scan3A_69 : i32 to index
        %get3A_241 = arith.constant 112 : index
        %get3A_242 = tpu.vector_load %arg8[%get3A_240, %get3A_241] {strides = array<i32>} : memref<64x256xf32, #tpu.memory_space<vmem>>, vector<1x16xf32>,
        %get3A_243 = vector.shape_cast %get3A_242 : vector<1x16xf32> to vector<16xf32>
        %mul3A_244 = arith.mulf %get3A_74, %get3A_243 : vector<16xf32>
        %get3A_245 = arith.index_cast %scan3A_69 : i32 to index
        %get3A_246 = arith.constant 112 : index
        %get3A_247 = tpu.vector_load %arg9[%get3A_245, %get3A_246] {strides = array<i32>} : memref<64x256xf32, #tpu.memory_space<vmem>>, vector<1x16xf32>,
        %get3A_248 = vector.shape_cast %get3A_247 : vector<1x16xf32> to vector<16xf32>
        %mul3A_249 = arith.mulf %get3A_80, %get3A_248 : vector<16xf32>
        %add3A_250 = arith.addf %mul3A_244, %mul3A_249 : vector<16xf32>
        %get3A_251 = arith.index_cast %scan3A_69 : i32 to index
        %get3A_252 = arith.constant 112 : index
        %get3A_253 = tpu.vector_load %arg10[%get3A_251, %get3A_252] {strides = array<i32>} : memref<64x256xf32, #tpu.memory_space<vmem>>, vector<1x16xf32>,
        %get3A_254 = vector.shape_cast %get3A_253 : vector<1x16xf32> to vector<16xf32>
        %mul3A_255 = arith.mulf %get3A_86, %get3A_254 : vector<16xf32>
        %add3A_256 = arith.addf %add3A_250, %mul3A_255 : vector<16xf32>
        %swap3A_257 = arith.index_cast %scan3A_69 : i32 to index
        %swap3A_258 = arith.constant 112 : index
        %swap3A_259 = tpu.vector_load %arg11[%swap3A_257, %swap3A_258] {strides = array<i32>} : memref<64x256xf32, #tpu.memory_space<vmem>>, vector<1x16xf32>,
        %swap3A_260 = vector.shape_cast %swap3A_259 : vector<1x16xf32> to vector<16xf32>
        %swap3A_261 = vector.shape_cast %add3A_256 : vector<16xf32> to vector<1x16xf32>
        tpu.vector_store %arg11[%swap3A_257, %swap3A_258], %swap3A_261 {strides = array<i32>} : memref<64x256xf32, #tpu.memory_space<vmem>>, vector<1x16xf32>,
        %get3A_262 = arith.index_cast %scan3A_69 : i32 to index
        %get3A_263 = arith.constant 128 : index
        %get3A_264 = tpu.vector_load %arg8[%get3A_262, %get3A_263] {strides = array<i32>} : memref<64x256xf32, #tpu.memory_space<vmem>>, vector<1x16xf32>,
        %get3A_265 = vector.shape_cast %get3A_264 : vector<1x16xf32> to vector<16xf32>
        %mul3A_266 = arith.mulf %get3A_74, %get3A_265 : vector<16xf32>
        %get3A_267 = arith.index_cast %scan3A_69 : i32 to index
        %get3A_268 = arith.constant 128 : index
        %get3A_269 = tpu.vector_load %arg9[%get3A_267, %get3A_268] {strides = array<i32>} : memref<64x256xf32, #tpu.memory_space<vmem>>, vector<1x16xf32>,
        %get3A_270 = vector.shape_cast %get3A_269 : vector<1x16xf32> to vector<16xf32>
        %mul3A_271 = arith.mulf %get3A_80, %get3A_270 : vector<16xf32>
        %add3A_272 = arith.addf %mul3A_266, %mul3A_271 : vector<16xf32>
        %get3A_273 = arith.index_cast %scan3A_69 : i32 to index
        %get3A_274 = arith.constant 128 : index
        %get3A_275 = tpu.vector_load %arg10[%get3A_273, %get3A_274] {strides = array<i32>} : memref<64x256xf32, #tpu.memory_space<vmem>>, vector<1x16xf32>,
        %get3A_276 = vector.shape_cast %get3A_275 : vector<1x16xf32> to vector<16xf32>
        %mul3A_277 = arith.mulf %get3A_86, %get3A_276 : vector<16xf32>
        %add3A_278 = arith.addf %add3A_272, %mul3A_277 : vector<16xf32>
        %swap3A_279 = arith.index_cast %scan3A_69 : i32 to index
        %swap3A_280 = arith.constant 128 : index
        %swap3A_281 = tpu.vector_load %arg11[%swap3A_279, %swap3A_280] {strides = array<i32>} : memref<64x256xf32, #tpu.memory_space<vmem>>, vector<1x16xf32>,
        %swap3A_282 = vector.shape_cast %swap3A_281 : vector<1x16xf32> to vector<16xf32>
        %swap3A_283 = vector.shape_cast %add3A_278 : vector<16xf32> to vector<1x16xf32>
        tpu.vector_store %arg11[%swap3A_279, %swap3A_280], %swap3A_283 {strides = array<i32>} : memref<64x256xf32, #tpu.memory_space<vmem>>, vector<1x16xf32>,
        %get3A_284 = arith.index_cast %scan3A_69 : i32 to index
        %get3A_285 = arith.constant 144 : index
        %get3A_286 = tpu.vector_load %arg8[%get3A_284, %get3A_285] {strides = array<i32>} : memref<64x256xf32, #tpu.memory_space<vmem>>, vector<1x16xf32>,
        %get3A_287 = vector.shape_cast %get3A_286 : vector<1x16xf32> to vector<16xf32>
        %mul3A_288 = arith.mulf %get3A_74, %get3A_287 : vector<16xf32>
        %get3A_289 = arith.index_cast %scan3A_69 : i32 to index
        %get3A_290 = arith.constant 144 : index
        %get3A_291 = tpu.vector_load %arg9[%get3A_289, %get3A_290] {strides = array<i32>} : memref<64x256xf32, #tpu.memory_space<vmem>>, vector<1x16xf32>,
        %get3A_292 = vector.shape_cast %get3A_291 : vector<1x16xf32> to vector<16xf32>
        %mul3A_293 = arith.mulf %get3A_80, %get3A_292 : vector<16xf32>
        %add3A_294 = arith.addf %mul3A_288, %mul3A_293 : vector<16xf32>
        %get3A_295 = arith.index_cast %scan3A_69 : i32 to index
        %get3A_296 = arith.constant 144 : index
        %get3A_297 = tpu.vector_load %arg10[%get3A_295, %get3A_296] {strides = array<i32>} : memref<64x256xf32, #tpu.memory_space<vmem>>, vector<1x16xf32>,
        %get3A_298 = vector.shape_cast %get3A_297 : vector<1x16xf32> to vector<16xf32>
        %mul3A_299 = arith.mulf %get3A_86, %get3A_298 : vector<16xf32>
        %add3A_300 = arith.addf %add3A_294, %mul3A_299 : vector<16xf32>
        %swap3A_301 = arith.index_cast %scan3A_69 : i32 to index
        %swap3A_302 = arith.constant 144 : index
        %swap3A_303 = tpu.vector_load %arg11[%swap3A_301, %swap3A_302] {strides = array<i32>} : memref<64x256xf32, #tpu.memory_space<vmem>>, vector<1x16xf32>,
        %swap3A_304 = vector.shape_cast %swap3A_303 : vector<1x16xf32> to vector<16xf32>
        %swap3A_305 = vector.shape_cast %add3A_300 : vector<16xf32> to vector<1x16xf32>
        tpu.vector_store %arg11[%swap3A_301, %swap3A_302], %swap3A_305 {strides = array<i32>} : memref<64x256xf32, #tpu.memory_space<vmem>>, vector<1x16xf32>,
        %get3A_306 = arith.index_cast %scan3A_69 : i32 to index
        %get3A_307 = arith.constant 160 : index
        %get3A_308 = tpu.vector_load %arg8[%get3A_306, %get3A_307] {strides = array<i32>} : memref<64x256xf32, #tpu.memory_space<vmem>>, vector<1x16xf32>,
        %get3A_309 = vector.shape_cast %get3A_308 : vector<1x16xf32> to vector<16xf32>
        %mul3A_310 = arith.mulf %get3A_74, %get3A_309 : vector<16xf32>
        %get3A_311 = arith.index_cast %scan3A_69 : i32 to index
        %get3A_312 = arith.constant 160 : index
        %get3A_313 = tpu.vector_load %arg9[%get3A_311, %get3A_312] {strides = array<i32>} : memref<64x256xf32, #tpu.memory_space<vmem>>, vector<1x16xf32>,
        %get3A_314 = vector.shape_cast %get3A_313 : vector<1x16xf32> to vector<16xf32>
        %mul3A_315 = arith.mulf %get3A_80, %get3A_314 : vector<16xf32>
        %add3A_316 = arith.addf %mul3A_310, %mul3A_315 : vector<16xf32>
        %get3A_317 = arith.index_cast %scan3A_69 : i32 to index
        %get3A_318 = arith.constant 160 : index
        %get3A_319 = tpu.vector_load %arg10[%get3A_317, %get3A_318] {strides = array<i32>} : memref<64x256xf32, #tpu.memory_space<vmem>>, vector<1x16xf32>,
        %get3A_320 = vector.shape_cast %get3A_319 : vector<1x16xf32> to vector<16xf32>
        %mul3A_321 = arith.mulf %get3A_86, %get3A_320 : vector<16xf32>
        %add3A_322 = arith.addf %add3A_316, %mul3A_321 : vector<16xf32>
        %swap3A_323 = arith.index_cast %scan3A_69 : i32 to index
        %swap3A_324 = arith.constant 160 : index
        %swap3A_325 = tpu.vector_load %arg11[%swap3A_323, %swap3A_324] {strides = array<i32>} : memref<64x256xf32, #tpu.memory_space<vmem>>, vector<1x16xf32>,
        %swap3A_326 = vector.shape_cast %swap3A_325 : vector<1x16xf32> to vector<16xf32>
        %swap3A_327 = vector.shape_cast %add3A_322 : vector<16xf32> to vector<1x16xf32>
        tpu.vector_store %arg11[%swap3A_323, %swap3A_324], %swap3A_327 {strides = array<i32>} : memref<64x256xf32, #tpu.memory_space<vmem>>, vector<1x16xf32>,
        %get3A_328 = arith.index_cast %scan3A_69 : i32 to index
        %get3A_329 = arith.constant 176 : index
        %get3A_330 = tpu.vector_load %arg8[%get3A_328, %get3A_329] {strides = array<i32>} : memref<64x256xf32, #tpu.memory_space<vmem>>, vector<1x16xf32>,
        %get3A_331 = vector.shape_cast %get3A_330 : vector<1x16xf32> to vector<16xf32>
        %mul3A_332 = arith.mulf %get3A_74, %get3A_331 : vector<16xf32>
        %get3A_333 = arith.index_cast %scan3A_69 : i32 to index
        %get3A_334 = arith.constant 176 : index
        %get3A_335 = tpu.vector_load %arg9[%get3A_333, %get3A_334] {strides = array<i32>} : memref<64x256xf32, #tpu.memory_space<vmem>>, vector<1x16xf32>,
        %get3A_336 = vector.shape_cast %get3A_335 : vector<1x16xf32> to vector<16xf32>
        %mul3A_337 = arith.mulf %get3A_80, %get3A_336 : vector<16xf32>
        %add3A_338 = arith.addf %mul3A_332, %mul3A_337 : vector<16xf32>
        %get3A_339 = arith.index_cast %scan3A_69 : i32 to index
        %get3A_340 = arith.constant 176 : index
        %get3A_341 = tpu.vector_load %arg10[%get3A_339, %get3A_340] {strides = array<i32>} : memref<64x256xf32, #tpu.memory_space<vmem>>, vector<1x16xf32>,
        %get3A_342 = vector.shape_cast %get3A_341 : vector<1x16xf32> to vector<16xf32>
        %mul3A_343 = arith.mulf %get3A_86, %get3A_342 : vector<16xf32>
        %add3A_344 = arith.addf %add3A_338, %mul3A_343 : vector<16xf32>
        %swap3A_345 = arith.index_cast %scan3A_69 : i32 to index
        %swap3A_346 = arith.constant 176 : index
        %swap3A_347 = tpu.vector_load %arg11[%swap3A_345, %swap3A_346] {strides = array<i32>} : memref<64x256xf32, #tpu.memory_space<vmem>>, vector<1x16xf32>,
        %swap3A_348 = vector.shape_cast %swap3A_347 : vector<1x16xf32> to vector<16xf32>
        %swap3A_349 = vector.shape_cast %add3A_344 : vector<16xf32> to vector<1x16xf32>
        tpu.vector_store %arg11[%swap3A_345, %swap3A_346], %swap3A_349 {strides = array<i32>} : memref<64x256xf32, #tpu.memory_space<vmem>>, vector<1x16xf32>,
        %get3A_350 = arith.index_cast %scan3A_69 : i32 to index
        %get3A_351 = arith.constant 192 : index
        %get3A_352 = tpu.vector_load %arg8[%get3A_350, %get3A_351] {strides = array<i32>} : memref<64x256xf32, #tpu.memory_space<vmem>>, vector<1x16xf32>,
        %get3A_353 = vector.shape_cast %get3A_352 : vector<1x16xf32> to vector<16xf32>
        %mul3A_354 = arith.mulf %get3A_74, %get3A_353 : vector<16xf32>
        %get3A_355 = arith.index_cast %scan3A_69 : i32 to index
        %get3A_356 = arith.constant 192 : index
        %get3A_357 = tpu.vector_load %arg9[%get3A_355, %get3A_356] {strides = array<i32>} : memref<64x256xf32, #tpu.memory_space<vmem>>, vector<1x16xf32>,
        %get3A_358 = vector.shape_cast %get3A_357 : vector<1x16xf32> to vector<16xf32>
        %mul3A_359 = arith.mulf %get3A_80, %get3A_358 : vector<16xf32>
        %add3A_360 = arith.addf %mul3A_354, %mul3A_359 : vector<16xf32>
        %get3A_361 = arith.index_cast %scan3A_69 : i32 to index
        %get3A_362 = arith.constant 192 : index
        %get3A_363 = tpu.vector_load %arg10[%get3A_361, %get3A_362] {strides = array<i32>} : memref<64x256xf32, #tpu.memory_space<vmem>>, vector<1x16xf32>,
        %get3A_364 = vector.shape_cast %get3A_363 : vector<1x16xf32> to vector<16xf32>
        %mul3A_365 = arith.mulf %get3A_86, %get3A_364 : vector<16xf32>
        %add3A_366 = arith.addf %add3A_360, %mul3A_365 : vector<16xf32>
        %swap3A_367 = arith.index_cast %scan3A_69 : i32 to index
        %swap3A_368 = arith.constant 192 : index
        %swap3A_369 = tpu.vector_load %arg11[%swap3A_367, %swap3A_368] {strides = array<i32>} : memref<64x256xf32, #tpu.memory_space<vmem>>, vector<1x16xf32>,
        %swap3A_370 = vector.shape_cast %swap3A_369 : vector<1x16xf32> to vector<16xf32>
        %swap3A_371 = vector.shape_cast %add3A_366 : vector<16xf32> to vector<1x16xf32>
        tpu.vector_store %arg11[%swap3A_367, %swap3A_368], %swap3A_371 {strides = array<i32>} : memref<64x256xf32, #tpu.memory_space<vmem>>, vector<1x16xf32>,
        %get3A_372 = arith.index_cast %scan3A_69 : i32 to index
        %get3A_373 = arith.constant 208 : index
        %get3A_374 = tpu.vector_load %arg8[%get3A_372, %get3A_373] {strides = array<i32>} : memref<64x256xf32, #tpu.memory_space<vmem>>, vector<1x16xf32>,
        %get3A_375 = vector.shape_cast %get3A_374 : vector<1x16xf32> to vector<16xf32>
        %mul3A_376 = arith.mulf %get3A_74, %get3A_375 : vector<16xf32>
        %get3A_377 = arith.index_cast %scan3A_69 : i32 to index
        %get3A_378 = arith.constant 208 : index
        %get3A_379 = tpu.vector_load %arg9[%get3A_377, %get3A_378] {strides = array<i32>} : memref<64x256xf32, #tpu.memory_space<vmem>>, vector<1x16xf32>,
        %get3A_380 = vector.shape_cast %get3A_379 : vector<1x16xf32> to vector<16xf32>
        %mul3A_381 = arith.mulf %get3A_80, %get3A_380 : vector<16xf32>
        %add3A_382 = arith.addf %mul3A_376, %mul3A_381 : vector<16xf32>
        %get3A_383 = arith.index_cast %scan3A_69 : i32 to index
        %get3A_384 = arith.constant 208 : index
        %get3A_385 = tpu.vector_load %arg10[%get3A_383, %get3A_384] {strides = array<i32>} : memref<64x256xf32, #tpu.memory_space<vmem>>, vector<1x16xf32>,
        %get3A_386 = vector.shape_cast %get3A_385 : vector<1x16xf32> to vector<16xf32>
        %mul3A_387 = arith.mulf %get3A_86, %get3A_386 : vector<16xf32>
        %add3A_388 = arith.addf %add3A_382, %mul3A_387 : vector<16xf32>
        %swap3A_389 = arith.index_cast %scan3A_69 : i32 to index
        %swap3A_390 = arith.constant 208 : index
        %swap3A_391 = tpu.vector_load %arg11[%swap3A_389, %swap3A_390] {strides = array<i32>} : memref<64x256xf32, #tpu.memory_space<vmem>>, vector<1x16xf32>,
        %swap3A_392 = vector.shape_cast %swap3A_391 : vector<1x16xf32> to vector<16xf32>
        %swap3A_393 = vector.shape_cast %add3A_388 : vector<16xf32> to vector<1x16xf32>
        tpu.vector_store %arg11[%swap3A_389, %swap3A_390], %swap3A_393 {strides = array<i32>} : memref<64x256xf32, #tpu.memory_space<vmem>>, vector<1x16xf32>,
        %get3A_394 = arith.index_cast %scan3A_69 : i32 to index
        %get3A_395 = arith.constant 224 : index
        %get3A_396 = tpu.vector_load %arg8[%get3A_394, %get3A_395] {strides = array<i32>} : memref<64x256xf32, #tpu.memory_space<vmem>>, vector<1x16xf32>,
        %get3A_397 = vector.shape_cast %get3A_396 : vector<1x16xf32> to vector<16xf32>
        %mul3A_398 = arith.mulf %get3A_74, %get3A_397 : vector<16xf32>
        %get3A_399 = arith.index_cast %scan3A_69 : i32 to index
        %get3A_400 = arith.constant 224 : index
        %get3A_401 = tpu.vector_load %arg9[%get3A_399, %get3A_400] {strides = array<i32>} : memref<64x256xf32, #tpu.memory_space<vmem>>, vector<1x16xf32>,
        %get3A_402 = vector.shape_cast %get3A_401 : vector<1x16xf32> to vector<16xf32>
        %mul3A_403 = arith.mulf %get3A_80, %get3A_402 : vector<16xf32>
        %add3A_404 = arith.addf %mul3A_398, %mul3A_403 : vector<16xf32>
        %get3A_405 = arith.index_cast %scan3A_69 : i32 to index
        %get3A_406 = arith.constant 224 : index
        %get3A_407 = tpu.vector_load %arg10[%get3A_405, %get3A_406] {strides = array<i32>} : memref<64x256xf32, #tpu.memory_space<vmem>>, vector<1x16xf32>,
        %get3A_408 = vector.shape_cast %get3A_407 : vector<1x16xf32> to vector<16xf32>
        %mul3A_409 = arith.mulf %get3A_86, %get3A_408 : vector<16xf32>
        %add3A_410 = arith.addf %add3A_404, %mul3A_409 : vector<16xf32>
        %swap3A_411 = arith.index_cast %scan3A_69 : i32 to index
        %swap3A_412 = arith.constant 224 : index
        %swap3A_413 = tpu.vector_load %arg11[%swap3A_411, %swap3A_412] {strides = array<i32>} : memref<64x256xf32, #tpu.memory_space<vmem>>, vector<1x16xf32>,
        %swap3A_414 = vector.shape_cast %swap3A_413 : vector<1x16xf32> to vector<16xf32>
        %swap3A_415 = vector.shape_cast %add3A_410 : vector<16xf32> to vector<1x16xf32>
        tpu.vector_store %arg11[%swap3A_411, %swap3A_412], %swap3A_415 {strides = array<i32>} : memref<64x256xf32, #tpu.memory_space<vmem>>, vector<1x16xf32>,
        %get3A_416 = arith.index_cast %scan3A_69 : i32 to index
        %get3A_417 = arith.constant 240 : index
        %get3A_418 = tpu.vector_load %arg8[%get3A_416, %get3A_417] {strides = array<i32>} : memref<64x256xf32, #tpu.memory_space<vmem>>, vector<1x16xf32>,
        %get3A_419 = vector.shape_cast %get3A_418 : vector<1x16xf32> to vector<16xf32>
        %mul3A_420 = arith.mulf %get3A_74, %get3A_419 : vector<16xf32>
        %get3A_421 = arith.index_cast %scan3A_69 : i32 to index
        %get3A_422 = arith.constant 240 : index
        %get3A_423 = tpu.vector_load %arg9[%get3A_421, %get3A_422] {strides = array<i32>} : memref<64x256xf32, #tpu.memory_space<vmem>>, vector<1x16xf32>,
        %get3A_424 = vector.shape_cast %get3A_423 : vector<1x16xf32> to vector<16xf32>
        %mul3A_425 = arith.mulf %get3A_80, %get3A_424 : vector<16xf32>
        %add3A_426 = arith.addf %mul3A_420, %mul3A_425 : vector<16xf32>
        %get3A_427 = arith.index_cast %scan3A_69 : i32 to index
        %get3A_428 = arith.constant 240 : index
        %get3A_429 = tpu.vector_load %arg10[%get3A_427, %get3A_428] {strides = array<i32>} : memref<64x256xf32, #tpu.memory_space<vmem>>, vector<1x16xf32>,
        %get3A_430 = vector.shape_cast %get3A_429 : vector<1x16xf32> to vector<16xf32>
        %mul3A_431 = arith.mulf %get3A_86, %get3A_430 : vector<16xf32>
        %add3A_432 = arith.addf %add3A_426, %mul3A_431 : vector<16xf32>
        %swap3A_433 = arith.index_cast %scan3A_69 : i32 to index
        %swap3A_434 = arith.constant 240 : index
        %swap3A_435 = tpu.vector_load %arg11[%swap3A_433, %swap3A_434] {strides = array<i32>} : memref<64x256xf32, #tpu.memory_space<vmem>>, vector<1x16xf32>,
        %swap3A_436 = vector.shape_cast %swap3A_435 : vector<1x16xf32> to vector<16xf32>
        %swap3A_437 = vector.shape_cast %add3A_432 : vector<16xf32> to vector<1x16xf32>
        tpu.vector_store %arg11[%swap3A_433, %swap3A_434], %swap3A_437 {strides = array<i32>} : memref<64x256xf32, #tpu.memory_space<vmem>>, vector<1x16xf32>,
      }
      %scan3A_68 = arith.constant 64 : i32
      "tpu.region"() ({
        %run_scoped3A_69 = tpu.sem_alloc : memref<!tpu.dma_semaphore, #tpu.memory_space<semaphore_mem>>
        %dma_start3A_70 = arith.constant 0 : i32
        %dma_start3A_71 = tpu.memref_slice %arg5[%add3A_11, %dma_start3A_70] : memref<32768x256xf32, #tpu.memory_space<hbm>> -> memref<64x256xf32, #tpu.memory_space<hbm>>
        %dma_start3A_72 = arith.constant 0 : i32
        %dma_start3A_73 = tpu.memref_slice %arg5[%add3A_11, %dma_start3A_72] : memref<32768x256xf32, #tpu.memory_space<hbm>> -> memref<64x256xf32, #tpu.memory_space<hbm>>
        tpu.enqueue_dma source(%arg11 : memref<64x256xf32, #tpu.memory_space<vmem>>) target(%dma_start3A_73 : memref<64x256xf32, #tpu.memory_space<hbm>>) target_semaphore(%run_scoped3A_69 : memref<!tpu.dma_semaphore, #tpu.memory_space<semaphore_mem>>)
        %dma_wait3A_74 = arith.constant 0 : i32
        %dma_wait3A_75 = tpu.memref_slice %arg5[%add3A_11, %dma_wait3A_74] : memref<32768x256xf32, #tpu.memory_space<hbm>> -> memref<64x256xf32, #tpu.memory_space<hbm>>
        %dma_wait3A_76 = arith.constant 0 : i32
        %dma_wait3A_77 = tpu.memref_slice %arg5[%add3A_11, %dma_wait3A_76] : memref<32768x256xf32, #tpu.memory_space<hbm>> -> memref<64x256xf32, #tpu.memory_space<hbm>>
        tpu.wait_dma2 semaphore(%run_scoped3A_69 : memref<!tpu.dma_semaphore, #tpu.memory_space<semaphore_mem>>) src(%arg11 : memref<64x256xf32, #tpu.memory_space<vmem>>) dst(%dma_wait3A_77 : memref<64x256xf32, #tpu.memory_space<hbm>>)
        tpu.yield
      }) : () -> ()
    }
    %scan3A_5 = arith.constant 16 : i32
    return
  }
}

module attributes {stable_mosaic.version = 14 : i64} {
  func.func @_topk_kernel(%arg0: i32, %arg1: i32, %arg2: memref<1x8x512xf32, #tpu.memory_space<vmem>>, %arg3: memref<1x1024x8xf32, #tpu.memory_space<vmem>>, %arg4: memref<3x512xi32, #tpu.memory_space<vmem>>, %arg5: memref<3x512x16xf32, #tpu.memory_space<vmem>>) attributes {dimension_semantics = [#tpu.dimension_semantics<arbitrary>, #tpu.dimension_semantics<arbitrary>], iteration_bounds = array<i64: 8, 8>, scalar_prefetch = 0 : i64, scratch_operands = 0 : i64, tpu.core_type = #tpu.core_type<tc>, window_params = [{transform_indices = @transform_0, window_bounds = array<i64: 1, 8, 512>}, {transform_indices = @transform_1, window_bounds = array<i64: 1, 1024, 8>}, {transform_indices = @transform_2, window_bounds = array<i64: 3, 512>}, {transform_indices = @transform_3, window_bounds = array<i64: 3, 512, 16>}]} {
    %get3A = arith.constant 0 : index
    %get3A_0 = arith.constant 0 : index
    %get3A_1 = arith.constant 0 : index
    %get3A_2 = vector.load %arg2[%get3A, %get3A_0, %get3A_1] : memref<1x8x512xf32, #tpu.memory_space<vmem>>, vector<1x8x512xf32>
    %get3A_3 = vector.shape_cast %get3A_2 : vector<1x8x512xf32> to vector<8x512xf32>
    %get3A_4 = arith.constant 0 : index
    %get3A_5 = arith.constant 0 : index
    %get3A_6 = arith.constant 0 : index
    %get3A_7 = vector.load %arg3[%get3A_4, %get3A_5, %get3A_6] : memref<1x1024x8xf32, #tpu.memory_space<vmem>>, vector<1x1024x8xf32>
    %get3A_8 = vector.shape_cast %get3A_7 : vector<1x1024x8xf32> to vector<1024x8xf32>
    %mul3A = arith.constant -2.000000e+00 : f32
    %mul3A_9 = vector.broadcast %mul3A : f32 to vector<1024x8xf32>
    %mul3A_10 = arith.mulf %mul3A_9, %get3A_8 : vector<1024x8xf32>
    %convert_element_type3A = arith.truncf %mul3A_10 : vector<1024x8xf32> to vector<1024x8xbf16>
    %convert_element_type3A_11 = arith.truncf %get3A_3 : vector<8x512xf32> to vector<8x512xbf16>
    %dot_general3A = arith.constant dense<0.000000e+00> : vector<1024x512xf32>
    %dot_general3A_12 = tpu.matmul %convert_element_type3A, %convert_element_type3A_11, %dot_general3A {dimension_numbers = #tpu.dot_dimension_numbers<[1], [0], [0], [1], [0, 0, 1, 1], [], []>, transpose_lhs_hint = false} : vector<1024x8xbf16>, vector<8x512xbf16>, vector<1024x512xf32> -> vector<1024x512xf32>
    %slice3A = vector.extract_strided_slice %get3A_3 {offsets = [0, 0], sizes = [1, 512], strides = [1, 1]} : vector<8x512xf32> to vector<1x512xf32>
    %slice3A_13 = vector.extract_strided_slice %get3A_3 {offsets = [0, 0], sizes = [1, 512], strides = [1, 1]} : vector<8x512xf32> to vector<1x512xf32>
    %mul3A_14 = arith.mulf %slice3A, %slice3A_13 : vector<1x512xf32>
    %slice3A_15 = vector.extract_strided_slice %get3A_3 {offsets = [1, 0], sizes = [1, 512], strides = [1, 1]} : vector<8x512xf32> to vector<1x512xf32>
    %slice3A_16 = vector.extract_strided_slice %get3A_3 {offsets = [1, 0], sizes = [1, 512], strides = [1, 1]} : vector<8x512xf32> to vector<1x512xf32>
    %mul3A_17 = arith.mulf %slice3A_15, %slice3A_16 : vector<1x512xf32>
    %add3A = arith.addf %mul3A_14, %mul3A_17 : vector<1x512xf32>
    %slice3A_18 = vector.extract_strided_slice %get3A_3 {offsets = [2, 0], sizes = [1, 512], strides = [1, 1]} : vector<8x512xf32> to vector<1x512xf32>
    %slice3A_19 = vector.extract_strided_slice %get3A_3 {offsets = [2, 0], sizes = [1, 512], strides = [1, 1]} : vector<8x512xf32> to vector<1x512xf32>
    %mul3A_20 = arith.mulf %slice3A_18, %slice3A_19 : vector<1x512xf32>
    %add3A_21 = arith.addf %add3A, %mul3A_20 : vector<1x512xf32>
    %slice3A_22 = vector.extract_strided_slice %get3A_8 {offsets = [0, 0], sizes = [1024, 1], strides = [1, 1]} : vector<1024x8xf32> to vector<1024x1xf32>
    %slice3A_23 = vector.extract_strided_slice %get3A_8 {offsets = [0, 0], sizes = [1024, 1], strides = [1, 1]} : vector<1024x8xf32> to vector<1024x1xf32>
    %mul3A_24 = arith.mulf %slice3A_22, %slice3A_23 : vector<1024x1xf32>
    %slice3A_25 = vector.extract_strided_slice %get3A_8 {offsets = [0, 1], sizes = [1024, 1], strides = [1, 1]} : vector<1024x8xf32> to vector<1024x1xf32>
    %slice3A_26 = vector.extract_strided_slice %get3A_8 {offsets = [0, 1], sizes = [1024, 1], strides = [1, 1]} : vector<1024x8xf32> to vector<1024x1xf32>
    %mul3A_27 = arith.mulf %slice3A_25, %slice3A_26 : vector<1024x1xf32>
    %add3A_28 = arith.addf %mul3A_24, %mul3A_27 : vector<1024x1xf32>
    %slice3A_29 = vector.extract_strided_slice %get3A_8 {offsets = [0, 2], sizes = [1024, 1], strides = [1, 1]} : vector<1024x8xf32> to vector<1024x1xf32>
    %slice3A_30 = vector.extract_strided_slice %get3A_8 {offsets = [0, 2], sizes = [1024, 1], strides = [1, 1]} : vector<1024x8xf32> to vector<1024x1xf32>
    %mul3A_31 = arith.mulf %slice3A_29, %slice3A_30 : vector<1024x1xf32>
    %add3A_32 = arith.addf %add3A_28, %mul3A_31 : vector<1024x1xf32>
    %add3A_33 = vector.broadcast %add3A_21 : vector<1x512xf32> to vector<1024x512xf32>
    %add3A_34 = arith.addf %dot_general3A_12, %add3A_33 : vector<1024x512xf32>
    %add3A_35 = vector.broadcast %add3A_32 : vector<1024x1xf32> to vector<1024x512xf32>
    %add3A_36 = arith.addf %add3A_34, %add3A_35 : vector<1024x512xf32>
    %iota3A = tpu.iota {dimensions = array<i32: 0>} : vector<1024x512xi32>
    %convert_element_type3A_37 = arith.sitofp %iota3A : vector<1024x512xi32> to vector<1024x512xf32>
    %reduce_min3A = arith.constant dense<0x7F800000> : vector<512xf32>
    %reduce_min3A_38 = vector.multi_reduction <minimumf>, %add3A_36, %reduce_min3A [0] : vector<1024x512xf32> to vector<512xf32>
    %broadcast_in_dim3A = vector.shape_cast %reduce_min3A_38 : vector<512xf32> to vector<1x512xf32>
    %eq3A = vector.broadcast %broadcast_in_dim3A : vector<1x512xf32> to vector<1024x512xf32>
    %eq3A_39 = arith.cmpf oeq, %add3A_36, %eq3A : vector<1024x512xf32>
    %jit3A = arith.constant 1.024000e+03 : f32
    %broadcast_in_dim3A_40 = vector.broadcast %jit3A : f32 to vector<1024x512xf32>
    %select_n3A = arith.select %eq3A_39, %convert_element_type3A_37, %broadcast_in_dim3A_40 : vector<1024x512xi1>, vector<1024x512xf32>
    %reduce_min3A_41 = arith.constant dense<0x7F800000> : vector<512xf32>
    %reduce_min3A_42 = vector.multi_reduction <minimumf>, %select_n3A, %reduce_min3A_41 [0] : vector<1024x512xf32> to vector<512xf32>
    %broadcast_in_dim3A_43 = vector.shape_cast %reduce_min3A_42 : vector<512xf32> to vector<1x512xf32>
    %eq3A_44 = vector.broadcast %broadcast_in_dim3A_43 : vector<1x512xf32> to vector<1024x512xf32>
    %eq3A_45 = arith.cmpf oeq, %convert_element_type3A_37, %eq3A_44 : vector<1024x512xf32>
    %jit3A_46 = arith.constant 3.000000e+38 : f32
    %broadcast_in_dim3A_47 = vector.broadcast %jit3A_46 : f32 to vector<1024x512xf32>
    %select_n3A_48 = arith.select %eq3A_45, %broadcast_in_dim3A_47, %add3A_36 : vector<1024x512xi1>, vector<1024x512xf32>
    %reduce_min3A_49 = arith.constant dense<0x7F800000> : vector<512xf32>
    %reduce_min3A_50 = vector.multi_reduction <minimumf>, %select_n3A_48, %reduce_min3A_49 [0] : vector<1024x512xf32> to vector<512xf32>
    %broadcast_in_dim3A_51 = vector.shape_cast %reduce_min3A_50 : vector<512xf32> to vector<1x512xf32>
    %eq3A_52 = vector.broadcast %broadcast_in_dim3A_51 : vector<1x512xf32> to vector<1024x512xf32>
    %eq3A_53 = arith.cmpf oeq, %select_n3A_48, %eq3A_52 : vector<1024x512xf32>
    %jit3A_54 = arith.constant 1.024000e+03 : f32
    %broadcast_in_dim3A_55 = vector.broadcast %jit3A_54 : f32 to vector<1024x512xf32>
    %select_n3A_56 = arith.select %eq3A_53, %convert_element_type3A_37, %broadcast_in_dim3A_55 : vector<1024x512xi1>, vector<1024x512xf32>
    %reduce_min3A_57 = arith.constant dense<0x7F800000> : vector<512xf32>
    %reduce_min3A_58 = vector.multi_reduction <minimumf>, %select_n3A_56, %reduce_min3A_57 [0] : vector<1024x512xf32> to vector<512xf32>
    %broadcast_in_dim3A_59 = vector.shape_cast %reduce_min3A_58 : vector<512xf32> to vector<1x512xf32>
    %eq3A_60 = vector.broadcast %broadcast_in_dim3A_59 : vector<1x512xf32> to vector<1024x512xf32>
    %eq3A_61 = arith.cmpf oeq, %convert_element_type3A_37, %eq3A_60 : vector<1024x512xf32>
    %jit3A_62 = arith.constant 3.000000e+38 : f32
    %broadcast_in_dim3A_63 = vector.broadcast %jit3A_62 : f32 to vector<1024x512xf32>
    %select_n3A_64 = arith.select %eq3A_61, %broadcast_in_dim3A_63, %select_n3A_48 : vector<1024x512xi1>, vector<1024x512xf32>
    %reduce_min3A_65 = arith.constant dense<0x7F800000> : vector<512xf32>
    %reduce_min3A_66 = vector.multi_reduction <minimumf>, %select_n3A_64, %reduce_min3A_65 [0] : vector<1024x512xf32> to vector<512xf32>
    %broadcast_in_dim3A_67 = vector.shape_cast %reduce_min3A_66 : vector<512xf32> to vector<1x512xf32>
    %eq3A_68 = vector.broadcast %broadcast_in_dim3A_67 : vector<1x512xf32> to vector<1024x512xf32>
    %eq3A_69 = arith.cmpf oeq, %select_n3A_64, %eq3A_68 : vector<1024x512xf32>
    %jit3A_70 = arith.constant 1.024000e+03 : f32
    %broadcast_in_dim3A_71 = vector.broadcast %jit3A_70 : f32 to vector<1024x512xf32>
    %select_n3A_72 = arith.select %eq3A_69, %convert_element_type3A_37, %broadcast_in_dim3A_71 : vector<1024x512xi1>, vector<1024x512xf32>
    %reduce_min3A_73 = arith.constant dense<0x7F800000> : vector<512xf32>
    %reduce_min3A_74 = vector.multi_reduction <minimumf>, %select_n3A_72, %reduce_min3A_73 [0] : vector<1024x512xf32> to vector<512xf32>
    %broadcast_in_dim3A_75 = vector.shape_cast %reduce_min3A_74 : vector<512xf32> to vector<1x512xf32>
    %add3A_76 = arith.constant 9.99999993E-9 : f32
    %add3A_77 = vector.broadcast %add3A_76 : f32 to vector<1x512xf32>
    %add3A_78 = arith.addf %broadcast_in_dim3A, %add3A_77 : vector<1x512xf32>
    %div3A = arith.constant 1.000000e+00 : f32
    %div3A_79 = vector.broadcast %div3A : f32 to vector<1x512xf32>
    %div3A_80 = arith.divf %div3A_79, %add3A_78 : vector<1x512xf32>
    %add3A_81 = arith.constant 9.99999993E-9 : f32
    %add3A_82 = vector.broadcast %add3A_81 : f32 to vector<1x512xf32>
    %add3A_83 = arith.addf %broadcast_in_dim3A_51, %add3A_82 : vector<1x512xf32>
    %div3A_84 = arith.constant 1.000000e+00 : f32
    %div3A_85 = vector.broadcast %div3A_84 : f32 to vector<1x512xf32>
    %div3A_86 = arith.divf %div3A_85, %add3A_83 : vector<1x512xf32>
    %add3A_87 = arith.constant 9.99999993E-9 : f32
    %add3A_88 = vector.broadcast %add3A_87 : f32 to vector<1x512xf32>
    %add3A_89 = arith.addf %broadcast_in_dim3A_67, %add3A_88 : vector<1x512xf32>
    %div3A_90 = arith.constant 1.000000e+00 : f32
    %div3A_91 = vector.broadcast %div3A_90 : f32 to vector<1x512xf32>
    %div3A_92 = arith.divf %div3A_91, %add3A_89 : vector<1x512xf32>
    %add3A_93 = arith.addf %div3A_80, %div3A_86 : vector<1x512xf32>
    %add3A_94 = arith.addf %add3A_93, %div3A_92 : vector<1x512xf32>
    %add3A_95 = arith.constant 8 : i32
    %add3A_96 = arith.addi %arg0, %add3A_95 : i32
    %mul3A_97 = arith.constant 1024 : i32
    %mul3A_98 = arith.muli %add3A_96, %mul3A_97 : i32
    %convert_element_type3A_99 = arith.sitofp %mul3A_98 : i32 to f32
    %concatenate3A = tpu.concatenate %broadcast_in_dim3A_43, %broadcast_in_dim3A_59, %broadcast_in_dim3A_75 in 0 : vector<1x512xf32>, vector<1x512xf32>, vector<1x512xf32> -> vector<3x512xf32>
    %add3A_100 = vector.broadcast %convert_element_type3A_99 : f32 to vector<3x512xf32>
    %add3A_101 = arith.addf %concatenate3A, %add3A_100 : vector<3x512xf32>
    %add3A_102 = arith.constant 5.000000e-01 : f32
    %add3A_103 = vector.broadcast %add3A_102 : f32 to vector<3x512xf32>
    %add3A_104 = arith.addf %add3A_101, %add3A_103 : vector<3x512xf32>
    %convert_element_type3A_105 = arith.fptosi %add3A_104 : vector<3x512xf32> to vector<3x512xi32>
    %swap3A = arith.constant 0 : index
    %swap3A_106 = arith.constant 0 : index
    %swap3A_107 = vector.load %arg4[%swap3A, %swap3A_106] : memref<3x512xi32, #tpu.memory_space<vmem>>, vector<3x512xi32>
    tpu.vector_store %arg4[%swap3A, %swap3A_106], %convert_element_type3A_105 {strides = array<i32>} : memref<3x512xi32, #tpu.memory_space<vmem>>, vector<3x512xi32>,
    %div3A_108 = arith.divf %div3A_80, %add3A_94 : vector<1x512xf32>
    %reshape3A = vector.shape_cast %div3A_108 : vector<1x512xf32> to vector<512x1xf32>
    %broadcast_in_dim3A_109 = vector.shape_cast %reshape3A : vector<512x1xf32> to vector<512x1xf32>
    %broadcast_in_dim3A_110 = vector.broadcast %broadcast_in_dim3A_109 : vector<512x1xf32> to vector<512x16xf32>
    %swap3A_111 = arith.constant 0 : index
    %swap3A_112 = arith.constant 0 : index
    %swap3A_113 = arith.constant 0 : index
    %swap3A_114 = vector.load %arg5[%swap3A_111, %swap3A_112, %swap3A_113] : memref<3x512x16xf32, #tpu.memory_space<vmem>>, vector<1x512x16xf32>
    %swap3A_115 = vector.shape_cast %swap3A_114 : vector<1x512x16xf32> to vector<512x16xf32>
    %swap3A_116 = vector.shape_cast %broadcast_in_dim3A_110 : vector<512x16xf32> to vector<1x512x16xf32>
    tpu.vector_store %arg5[%swap3A_111, %swap3A_112, %swap3A_113], %swap3A_116 {strides = array<i32>} : memref<3x512x16xf32, #tpu.memory_space<vmem>>, vector<1x512x16xf32>,
    %div3A_117 = arith.divf %div3A_86, %add3A_94 : vector<1x512xf32>
    %reshape3A_118 = vector.shape_cast %div3A_117 : vector<1x512xf32> to vector<512x1xf32>
    %broadcast_in_dim3A_119 = vector.shape_cast %reshape3A_118 : vector<512x1xf32> to vector<512x1xf32>
    %broadcast_in_dim3A_120 = vector.broadcast %broadcast_in_dim3A_119 : vector<512x1xf32> to vector<512x16xf32>
    %swap3A_121 = arith.constant 1 : index
    %swap3A_122 = arith.constant 0 : index
    %swap3A_123 = arith.constant 0 : index
    %swap3A_124 = vector.load %arg5[%swap3A_121, %swap3A_122, %swap3A_123] : memref<3x512x16xf32, #tpu.memory_space<vmem>>, vector<1x512x16xf32>
    %swap3A_125 = vector.shape_cast %swap3A_124 : vector<1x512x16xf32> to vector<512x16xf32>
    %swap3A_126 = vector.shape_cast %broadcast_in_dim3A_120 : vector<512x16xf32> to vector<1x512x16xf32>
    tpu.vector_store %arg5[%swap3A_121, %swap3A_122, %swap3A_123], %swap3A_126 {strides = array<i32>} : memref<3x512x16xf32, #tpu.memory_space<vmem>>, vector<1x512x16xf32>,
    %div3A_127 = arith.divf %div3A_92, %add3A_94 : vector<1x512xf32>
    %reshape3A_128 = vector.shape_cast %div3A_127 : vector<1x512xf32> to vector<512x1xf32>
    %broadcast_in_dim3A_129 = vector.shape_cast %reshape3A_128 : vector<512x1xf32> to vector<512x1xf32>
    %broadcast_in_dim3A_130 = vector.broadcast %broadcast_in_dim3A_129 : vector<512x1xf32> to vector<512x16xf32>
    %swap3A_131 = arith.constant 2 : index
    %swap3A_132 = arith.constant 0 : index
    %swap3A_133 = arith.constant 0 : index
    %swap3A_134 = vector.load %arg5[%swap3A_131, %swap3A_132, %swap3A_133] : memref<3x512x16xf32, #tpu.memory_space<vmem>>, vector<1x512x16xf32>
    %swap3A_135 = vector.shape_cast %swap3A_134 : vector<1x512x16xf32> to vector<512x16xf32>
    %swap3A_136 = vector.shape_cast %broadcast_in_dim3A_130 : vector<512x16xf32> to vector<1x512x16xf32>
    tpu.vector_store %arg5[%swap3A_131, %swap3A_132, %swap3A_133], %swap3A_136 {strides = array<i32>} : memref<3x512x16xf32, #tpu.memory_space<vmem>>, vector<1x512x16xf32>,
    return
  }
  func.func @transform_0(%arg0: i32, %arg1: i32) -> (i32, i32, i32) {
    %add3A = arith.constant 8 : i32
    %add3A_0 = arith.addi %arg0, %add3A : i32
    %c0_i32 = arith.constant 0 : i32
    %c0_i32_1 = arith.constant 0 : i32
    return %add3A_0, %c0_i32, %arg1 : i32, i32, i32
  }
  func.func @transform_1(%arg0: i32, %arg1: i32) -> (i32, i32, i32) {
    %add3A = arith.constant 8 : i32
    %add3A_0 = arith.addi %arg0, %add3A : i32
    %c0_i32 = arith.constant 0 : i32
    %c0_i32_1 = arith.constant 0 : i32
    %c0_i32_2 = arith.constant 0 : i32
    return %add3A_0, %c0_i32, %c0_i32_1 : i32, i32, i32
  }
  func.func @transform_2(%arg0: i32, %arg1: i32) -> (i32, i32) {
    %mul3A = arith.constant 8 : i32
    %mul3A_0 = arith.muli %arg0, %mul3A : i32
    %add3A = arith.addi %mul3A_0, %arg1 : i32
    %c0_i32 = arith.constant 0 : i32
    %c0_i32_1 = arith.constant 0 : i32
    return %c0_i32, %add3A : i32, i32
  }
  func.func @transform_3(%arg0: i32, %arg1: i32) -> (i32, i32, i32) {
    %mul3A = arith.constant 8 : i32
    %mul3A_0 = arith.muli %arg0, %mul3A : i32
    %add3A = arith.addi %mul3A_0, %arg1 : i32
    %c0_i32 = arith.constant 0 : i32
    %c0_i32_1 = arith.constant 0 : i32
    %c0_i32_2 = arith.constant 0 : i32
    return %c0_i32, %add3A, %c0_i32_1 : i32, i32, i32
  }
}

module attributes {stable_mosaic.version = 14 : i64} {
  func.func @_topk_kernel(%arg0: i32, %arg1: i32, %arg2: memref<1x8x512xf32, #tpu.memory_space<vmem>>, %arg3: memref<1x1024x8xf32, #tpu.memory_space<vmem>>, %arg4: memref<3x512xi32, #tpu.memory_space<vmem>>, %arg5: memref<3x512x16xf32, #tpu.memory_space<vmem>>) attributes {dimension_semantics = [#tpu.dimension_semantics<arbitrary>, #tpu.dimension_semantics<arbitrary>], iteration_bounds = array<i64: 8, 8>, scalar_prefetch = 0 : i64, scratch_operands = 0 : i64, tpu.core_type = #tpu.core_type<tc>, window_params = [{transform_indices = @transform_0, window_bounds = array<i64: 1, 8, 512>}, {transform_indices = @transform_1, window_bounds = array<i64: 1, 1024, 8>}, {transform_indices = @transform_2, window_bounds = array<i64: 3, 512>}, {transform_indices = @transform_3, window_bounds = array<i64: 3, 512, 16>}]} {
    %get3A = arith.constant 0 : index
    %get3A_0 = arith.constant 0 : index
    %get3A_1 = arith.constant 0 : index
    %get3A_2 = vector.load %arg2[%get3A, %get3A_0, %get3A_1] : memref<1x8x512xf32, #tpu.memory_space<vmem>>, vector<1x8x512xf32>
    %get3A_3 = vector.shape_cast %get3A_2 : vector<1x8x512xf32> to vector<8x512xf32>
    %get3A_4 = arith.constant 0 : index
    %get3A_5 = arith.constant 0 : index
    %get3A_6 = arith.constant 0 : index
    %get3A_7 = vector.load %arg3[%get3A_4, %get3A_5, %get3A_6] : memref<1x1024x8xf32, #tpu.memory_space<vmem>>, vector<1x1024x8xf32>
    %get3A_8 = vector.shape_cast %get3A_7 : vector<1x1024x8xf32> to vector<1024x8xf32>
    %mul3A = arith.constant -2.000000e+00 : f32
    %mul3A_9 = vector.broadcast %mul3A : f32 to vector<1024x8xf32>
    %mul3A_10 = arith.mulf %mul3A_9, %get3A_8 : vector<1024x8xf32>
    %convert_element_type3A = arith.truncf %mul3A_10 : vector<1024x8xf32> to vector<1024x8xbf16>
    %convert_element_type3A_11 = arith.truncf %get3A_3 : vector<8x512xf32> to vector<8x512xbf16>
    %dot_general3A = arith.constant dense<0.000000e+00> : vector<1024x512xf32>
    %dot_general3A_12 = tpu.matmul %convert_element_type3A, %convert_element_type3A_11, %dot_general3A {dimension_numbers = #tpu.dot_dimension_numbers<[1], [0], [0], [1], [0, 0, 1, 1], [], []>, transpose_lhs_hint = false} : vector<1024x8xbf16>, vector<8x512xbf16>, vector<1024x512xf32> -> vector<1024x512xf32>
    %slice3A = vector.extract_strided_slice %get3A_3 {offsets = [0, 0], sizes = [1, 512], strides = [1, 1]} : vector<8x512xf32> to vector<1x512xf32>
    %slice3A_13 = vector.extract_strided_slice %get3A_3 {offsets = [0, 0], sizes = [1, 512], strides = [1, 1]} : vector<8x512xf32> to vector<1x512xf32>
    %mul3A_14 = arith.mulf %slice3A, %slice3A_13 : vector<1x512xf32>
    %slice3A_15 = vector.extract_strided_slice %get3A_3 {offsets = [1, 0], sizes = [1, 512], strides = [1, 1]} : vector<8x512xf32> to vector<1x512xf32>
    %slice3A_16 = vector.extract_strided_slice %get3A_3 {offsets = [1, 0], sizes = [1, 512], strides = [1, 1]} : vector<8x512xf32> to vector<1x512xf32>
    %mul3A_17 = arith.mulf %slice3A_15, %slice3A_16 : vector<1x512xf32>
    %add3A = arith.addf %mul3A_14, %mul3A_17 : vector<1x512xf32>
    %slice3A_18 = vector.extract_strided_slice %get3A_3 {offsets = [2, 0], sizes = [1, 512], strides = [1, 1]} : vector<8x512xf32> to vector<1x512xf32>
    %slice3A_19 = vector.extract_strided_slice %get3A_3 {offsets = [2, 0], sizes = [1, 512], strides = [1, 1]} : vector<8x512xf32> to vector<1x512xf32>
    %mul3A_20 = arith.mulf %slice3A_18, %slice3A_19 : vector<1x512xf32>
    %add3A_21 = arith.addf %add3A, %mul3A_20 : vector<1x512xf32>
    %slice3A_22 = vector.extract_strided_slice %get3A_8 {offsets = [0, 0], sizes = [1024, 1], strides = [1, 1]} : vector<1024x8xf32> to vector<1024x1xf32>
    %slice3A_23 = vector.extract_strided_slice %get3A_8 {offsets = [0, 0], sizes = [1024, 1], strides = [1, 1]} : vector<1024x8xf32> to vector<1024x1xf32>
    %mul3A_24 = arith.mulf %slice3A_22, %slice3A_23 : vector<1024x1xf32>
    %slice3A_25 = vector.extract_strided_slice %get3A_8 {offsets = [0, 1], sizes = [1024, 1], strides = [1, 1]} : vector<1024x8xf32> to vector<1024x1xf32>
    %slice3A_26 = vector.extract_strided_slice %get3A_8 {offsets = [0, 1], sizes = [1024, 1], strides = [1, 1]} : vector<1024x8xf32> to vector<1024x1xf32>
    %mul3A_27 = arith.mulf %slice3A_25, %slice3A_26 : vector<1024x1xf32>
    %add3A_28 = arith.addf %mul3A_24, %mul3A_27 : vector<1024x1xf32>
    %slice3A_29 = vector.extract_strided_slice %get3A_8 {offsets = [0, 2], sizes = [1024, 1], strides = [1, 1]} : vector<1024x8xf32> to vector<1024x1xf32>
    %slice3A_30 = vector.extract_strided_slice %get3A_8 {offsets = [0, 2], sizes = [1024, 1], strides = [1, 1]} : vector<1024x8xf32> to vector<1024x1xf32>
    %mul3A_31 = arith.mulf %slice3A_29, %slice3A_30 : vector<1024x1xf32>
    %add3A_32 = arith.addf %add3A_28, %mul3A_31 : vector<1024x1xf32>
    %add3A_33 = vector.broadcast %add3A_21 : vector<1x512xf32> to vector<1024x512xf32>
    %add3A_34 = arith.addf %dot_general3A_12, %add3A_33 : vector<1024x512xf32>
    %add3A_35 = vector.broadcast %add3A_32 : vector<1024x1xf32> to vector<1024x512xf32>
    %add3A_36 = arith.addf %add3A_34, %add3A_35 : vector<1024x512xf32>
    %iota3A = tpu.iota {dimensions = array<i32: 0>} : vector<1024x512xi32>
    %convert_element_type3A_37 = arith.sitofp %iota3A : vector<1024x512xi32> to vector<1024x512xf32>
    %reduce_min3A = arith.constant dense<0x7F800000> : vector<512xf32>
    %reduce_min3A_38 = vector.multi_reduction <minimumf>, %add3A_36, %reduce_min3A [0] : vector<1024x512xf32> to vector<512xf32>
    %broadcast_in_dim3A = vector.shape_cast %reduce_min3A_38 : vector<512xf32> to vector<1x512xf32>
    %eq3A = vector.broadcast %broadcast_in_dim3A : vector<1x512xf32> to vector<1024x512xf32>
    %eq3A_39 = arith.cmpf oeq, %add3A_36, %eq3A : vector<1024x512xf32>
    %jit3A = arith.constant 1.024000e+03 : f32
    %broadcast_in_dim3A_40 = vector.broadcast %jit3A : f32 to vector<1024x512xf32>
    %select_n3A = arith.select %eq3A_39, %convert_element_type3A_37, %broadcast_in_dim3A_40 : vector<1024x512xi1>, vector<1024x512xf32>
    %reduce_min3A_41 = arith.constant dense<0x7F800000> : vector<512xf32>
    %reduce_min3A_42 = vector.multi_reduction <minimumf>, %select_n3A, %reduce_min3A_41 [0] : vector<1024x512xf32> to vector<512xf32>
    %broadcast_in_dim3A_43 = vector.shape_cast %reduce_min3A_42 : vector<512xf32> to vector<1x512xf32>
    %eq3A_44 = vector.broadcast %broadcast_in_dim3A_43 : vector<1x512xf32> to vector<1024x512xf32>
    %eq3A_45 = arith.cmpf oeq, %convert_element_type3A_37, %eq3A_44 : vector<1024x512xf32>
    %jit3A_46 = arith.constant 3.000000e+38 : f32
    %broadcast_in_dim3A_47 = vector.broadcast %jit3A_46 : f32 to vector<1024x512xf32>
    %select_n3A_48 = arith.select %eq3A_45, %broadcast_in_dim3A_47, %add3A_36 : vector<1024x512xi1>, vector<1024x512xf32>
    %reduce_min3A_49 = arith.constant dense<0x7F800000> : vector<512xf32>
    %reduce_min3A_50 = vector.multi_reduction <minimumf>, %select_n3A_48, %reduce_min3A_49 [0] : vector<1024x512xf32> to vector<512xf32>
    %broadcast_in_dim3A_51 = vector.shape_cast %reduce_min3A_50 : vector<512xf32> to vector<1x512xf32>
    %eq3A_52 = vector.broadcast %broadcast_in_dim3A_51 : vector<1x512xf32> to vector<1024x512xf32>
    %eq3A_53 = arith.cmpf oeq, %select_n3A_48, %eq3A_52 : vector<1024x512xf32>
    %jit3A_54 = arith.constant 1.024000e+03 : f32
    %broadcast_in_dim3A_55 = vector.broadcast %jit3A_54 : f32 to vector<1024x512xf32>
    %select_n3A_56 = arith.select %eq3A_53, %convert_element_type3A_37, %broadcast_in_dim3A_55 : vector<1024x512xi1>, vector<1024x512xf32>
    %reduce_min3A_57 = arith.constant dense<0x7F800000> : vector<512xf32>
    %reduce_min3A_58 = vector.multi_reduction <minimumf>, %select_n3A_56, %reduce_min3A_57 [0] : vector<1024x512xf32> to vector<512xf32>
    %broadcast_in_dim3A_59 = vector.shape_cast %reduce_min3A_58 : vector<512xf32> to vector<1x512xf32>
    %eq3A_60 = vector.broadcast %broadcast_in_dim3A_59 : vector<1x512xf32> to vector<1024x512xf32>
    %eq3A_61 = arith.cmpf oeq, %convert_element_type3A_37, %eq3A_60 : vector<1024x512xf32>
    %jit3A_62 = arith.constant 3.000000e+38 : f32
    %broadcast_in_dim3A_63 = vector.broadcast %jit3A_62 : f32 to vector<1024x512xf32>
    %select_n3A_64 = arith.select %eq3A_61, %broadcast_in_dim3A_63, %select_n3A_48 : vector<1024x512xi1>, vector<1024x512xf32>
    %reduce_min3A_65 = arith.constant dense<0x7F800000> : vector<512xf32>
    %reduce_min3A_66 = vector.multi_reduction <minimumf>, %select_n3A_64, %reduce_min3A_65 [0] : vector<1024x512xf32> to vector<512xf32>
    %broadcast_in_dim3A_67 = vector.shape_cast %reduce_min3A_66 : vector<512xf32> to vector<1x512xf32>
    %eq3A_68 = vector.broadcast %broadcast_in_dim3A_67 : vector<1x512xf32> to vector<1024x512xf32>
    %eq3A_69 = arith.cmpf oeq, %select_n3A_64, %eq3A_68 : vector<1024x512xf32>
    %jit3A_70 = arith.constant 1.024000e+03 : f32
    %broadcast_in_dim3A_71 = vector.broadcast %jit3A_70 : f32 to vector<1024x512xf32>
    %select_n3A_72 = arith.select %eq3A_69, %convert_element_type3A_37, %broadcast_in_dim3A_71 : vector<1024x512xi1>, vector<1024x512xf32>
    %reduce_min3A_73 = arith.constant dense<0x7F800000> : vector<512xf32>
    %reduce_min3A_74 = vector.multi_reduction <minimumf>, %select_n3A_72, %reduce_min3A_73 [0] : vector<1024x512xf32> to vector<512xf32>
    %broadcast_in_dim3A_75 = vector.shape_cast %reduce_min3A_74 : vector<512xf32> to vector<1x512xf32>
    %add3A_76 = arith.constant 9.99999993E-9 : f32
    %add3A_77 = vector.broadcast %add3A_76 : f32 to vector<1x512xf32>
    %add3A_78 = arith.addf %broadcast_in_dim3A, %add3A_77 : vector<1x512xf32>
    %div3A = arith.constant 1.000000e+00 : f32
    %div3A_79 = vector.broadcast %div3A : f32 to vector<1x512xf32>
    %div3A_80 = arith.divf %div3A_79, %add3A_78 : vector<1x512xf32>
    %add3A_81 = arith.constant 9.99999993E-9 : f32
    %add3A_82 = vector.broadcast %add3A_81 : f32 to vector<1x512xf32>
    %add3A_83 = arith.addf %broadcast_in_dim3A_51, %add3A_82 : vector<1x512xf32>
    %div3A_84 = arith.constant 1.000000e+00 : f32
    %div3A_85 = vector.broadcast %div3A_84 : f32 to vector<1x512xf32>
    %div3A_86 = arith.divf %div3A_85, %add3A_83 : vector<1x512xf32>
    %add3A_87 = arith.constant 9.99999993E-9 : f32
    %add3A_88 = vector.broadcast %add3A_87 : f32 to vector<1x512xf32>
    %add3A_89 = arith.addf %broadcast_in_dim3A_67, %add3A_88 : vector<1x512xf32>
    %div3A_90 = arith.constant 1.000000e+00 : f32
    %div3A_91 = vector.broadcast %div3A_90 : f32 to vector<1x512xf32>
    %div3A_92 = arith.divf %div3A_91, %add3A_89 : vector<1x512xf32>
    %add3A_93 = arith.addf %div3A_80, %div3A_86 : vector<1x512xf32>
    %add3A_94 = arith.addf %add3A_93, %div3A_92 : vector<1x512xf32>
    %add3A_95 = arith.constant 0 : i32
    %add3A_96 = arith.addi %arg0, %add3A_95 : i32
    %mul3A_97 = arith.constant 1024 : i32
    %mul3A_98 = arith.muli %add3A_96, %mul3A_97 : i32
    %convert_element_type3A_99 = arith.sitofp %mul3A_98 : i32 to f32
    %concatenate3A = tpu.concatenate %broadcast_in_dim3A_43, %broadcast_in_dim3A_59, %broadcast_in_dim3A_75 in 0 : vector<1x512xf32>, vector<1x512xf32>, vector<1x512xf32> -> vector<3x512xf32>
    %add3A_100 = vector.broadcast %convert_element_type3A_99 : f32 to vector<3x512xf32>
    %add3A_101 = arith.addf %concatenate3A, %add3A_100 : vector<3x512xf32>
    %add3A_102 = arith.constant 5.000000e-01 : f32
    %add3A_103 = vector.broadcast %add3A_102 : f32 to vector<3x512xf32>
    %add3A_104 = arith.addf %add3A_101, %add3A_103 : vector<3x512xf32>
    %convert_element_type3A_105 = arith.fptosi %add3A_104 : vector<3x512xf32> to vector<3x512xi32>
    %swap3A = arith.constant 0 : index
    %swap3A_106 = arith.constant 0 : index
    %swap3A_107 = vector.load %arg4[%swap3A, %swap3A_106] : memref<3x512xi32, #tpu.memory_space<vmem>>, vector<3x512xi32>
    tpu.vector_store %arg4[%swap3A, %swap3A_106], %convert_element_type3A_105 {strides = array<i32>} : memref<3x512xi32, #tpu.memory_space<vmem>>, vector<3x512xi32>,
    %div3A_108 = arith.divf %div3A_80, %add3A_94 : vector<1x512xf32>
    %reshape3A = vector.shape_cast %div3A_108 : vector<1x512xf32> to vector<512x1xf32>
    %broadcast_in_dim3A_109 = vector.shape_cast %reshape3A : vector<512x1xf32> to vector<512x1xf32>
    %broadcast_in_dim3A_110 = vector.broadcast %broadcast_in_dim3A_109 : vector<512x1xf32> to vector<512x16xf32>
    %swap3A_111 = arith.constant 0 : index
    %swap3A_112 = arith.constant 0 : index
    %swap3A_113 = arith.constant 0 : index
    %swap3A_114 = vector.load %arg5[%swap3A_111, %swap3A_112, %swap3A_113] : memref<3x512x16xf32, #tpu.memory_space<vmem>>, vector<1x512x16xf32>
    %swap3A_115 = vector.shape_cast %swap3A_114 : vector<1x512x16xf32> to vector<512x16xf32>
    %swap3A_116 = vector.shape_cast %broadcast_in_dim3A_110 : vector<512x16xf32> to vector<1x512x16xf32>
    tpu.vector_store %arg5[%swap3A_111, %swap3A_112, %swap3A_113], %swap3A_116 {strides = array<i32>} : memref<3x512x16xf32, #tpu.memory_space<vmem>>, vector<1x512x16xf32>,
    %div3A_117 = arith.divf %div3A_86, %add3A_94 : vector<1x512xf32>
    %reshape3A_118 = vector.shape_cast %div3A_117 : vector<1x512xf32> to vector<512x1xf32>
    %broadcast_in_dim3A_119 = vector.shape_cast %reshape3A_118 : vector<512x1xf32> to vector<512x1xf32>
    %broadcast_in_dim3A_120 = vector.broadcast %broadcast_in_dim3A_119 : vector<512x1xf32> to vector<512x16xf32>
    %swap3A_121 = arith.constant 1 : index
    %swap3A_122 = arith.constant 0 : index
    %swap3A_123 = arith.constant 0 : index
    %swap3A_124 = vector.load %arg5[%swap3A_121, %swap3A_122, %swap3A_123] : memref<3x512x16xf32, #tpu.memory_space<vmem>>, vector<1x512x16xf32>
    %swap3A_125 = vector.shape_cast %swap3A_124 : vector<1x512x16xf32> to vector<512x16xf32>
    %swap3A_126 = vector.shape_cast %broadcast_in_dim3A_120 : vector<512x16xf32> to vector<1x512x16xf32>
    tpu.vector_store %arg5[%swap3A_121, %swap3A_122, %swap3A_123], %swap3A_126 {strides = array<i32>} : memref<3x512x16xf32, #tpu.memory_space<vmem>>, vector<1x512x16xf32>,
    %div3A_127 = arith.divf %div3A_92, %add3A_94 : vector<1x512xf32>
    %reshape3A_128 = vector.shape_cast %div3A_127 : vector<1x512xf32> to vector<512x1xf32>
    %broadcast_in_dim3A_129 = vector.shape_cast %reshape3A_128 : vector<512x1xf32> to vector<512x1xf32>
    %broadcast_in_dim3A_130 = vector.broadcast %broadcast_in_dim3A_129 : vector<512x1xf32> to vector<512x16xf32>
    %swap3A_131 = arith.constant 2 : index
    %swap3A_132 = arith.constant 0 : index
    %swap3A_133 = arith.constant 0 : index
    %swap3A_134 = vector.load %arg5[%swap3A_131, %swap3A_132, %swap3A_133] : memref<3x512x16xf32, #tpu.memory_space<vmem>>, vector<1x512x16xf32>
    %swap3A_135 = vector.shape_cast %swap3A_134 : vector<1x512x16xf32> to vector<512x16xf32>
    %swap3A_136 = vector.shape_cast %broadcast_in_dim3A_130 : vector<512x16xf32> to vector<1x512x16xf32>
    tpu.vector_store %arg5[%swap3A_131, %swap3A_132, %swap3A_133], %swap3A_136 {strides = array<i32>} : memref<3x512x16xf32, #tpu.memory_space<vmem>>, vector<1x512x16xf32>,
    return
  }
  func.func @transform_0(%arg0: i32, %arg1: i32) -> (i32, i32, i32) {
    %add3A = arith.constant 0 : i32
    %add3A_0 = arith.addi %arg0, %add3A : i32
    %c0_i32 = arith.constant 0 : i32
    %c0_i32_1 = arith.constant 0 : i32
    return %add3A_0, %c0_i32, %arg1 : i32, i32, i32
  }
  func.func @transform_1(%arg0: i32, %arg1: i32) -> (i32, i32, i32) {
    %add3A = arith.constant 0 : i32
    %add3A_0 = arith.addi %arg0, %add3A : i32
    %c0_i32 = arith.constant 0 : i32
    %c0_i32_1 = arith.constant 0 : i32
    %c0_i32_2 = arith.constant 0 : i32
    return %add3A_0, %c0_i32, %c0_i32_1 : i32, i32, i32
  }
  func.func @transform_2(%arg0: i32, %arg1: i32) -> (i32, i32) {
    %mul3A = arith.constant 8 : i32
    %mul3A_0 = arith.muli %arg0, %mul3A : i32
    %add3A = arith.addi %mul3A_0, %arg1 : i32
    %c0_i32 = arith.constant 0 : i32
    %c0_i32_1 = arith.constant 0 : i32
    return %c0_i32, %add3A : i32, i32
  }
  func.func @transform_3(%arg0: i32, %arg1: i32) -> (i32, i32, i32) {
    %mul3A = arith.constant 8 : i32
    %mul3A_0 = arith.muli %arg0, %mul3A : i32
    %add3A = arith.addi %mul3A_0, %arg1 : i32
    %c0_i32 = arith.constant 0 : i32
    %c0_i32_1 = arith.constant 0 : i32
    %c0_i32_2 = arith.constant 0 : i32
    return %c0_i32, %add3A, %c0_i32_1 : i32, i32, i32
  }
}

module attributes {stable_mosaic.version = 14 : i64} {
  func.func @_mlp_kernel(%arg0: i32, %arg1: i32, %arg2: memref<1x256x512xbf16, #tpu.memory_space<vmem>>, %arg3: memref<512x256xf32, #tpu.memory_space<vmem>>, %arg4: memref<512x256xbf16, #tpu.memory_space<vmem>>, %arg5: memref<512x256xbf16, #tpu.memory_space<vmem>>, %arg6: memref<512x1xf32, #tpu.memory_space<vmem>>, %arg7: memref<512x512xbf16, #tpu.memory_space<vmem>>, %arg8: memref<512x1xf32, #tpu.memory_space<vmem>>, %arg9: memref<256x512xbf16, #tpu.memory_space<vmem>>, %arg10: memref<256x1xf32, #tpu.memory_space<vmem>>, %arg11: memref<1x256x512xf32, #tpu.memory_space<vmem>>) attributes {dimension_semantics = [#tpu.dimension_semantics<arbitrary>, #tpu.dimension_semantics<arbitrary>], iteration_bounds = array<i64: 8, 8>, scalar_prefetch = 0 : i64, scratch_operands = 0 : i64, tpu.core_type = #tpu.core_type<tc>, window_params = [{transform_indices = @transform_0, window_bounds = array<i64: 1, 256, 512>}, {transform_indices = @transform_1, window_bounds = array<i64: 512, 256>}, {pipeline_mode = #tpu.pipeline_mode<synchronous>, transform_indices = @transform_2, window_bounds = array<i64: 512, 256>}, {pipeline_mode = #tpu.pipeline_mode<synchronous>, transform_indices = @transform_3, window_bounds = array<i64: 512, 256>}, {pipeline_mode = #tpu.pipeline_mode<synchronous>, transform_indices = @transform_4, window_bounds = array<i64: 512, 1>}, {pipeline_mode = #tpu.pipeline_mode<synchronous>, transform_indices = @transform_5, window_bounds = array<i64: 512, 512>}, {pipeline_mode = #tpu.pipeline_mode<synchronous>, transform_indices = @transform_6, window_bounds = array<i64: 512, 1>}, {pipeline_mode = #tpu.pipeline_mode<synchronous>, transform_indices = @transform_7, window_bounds = array<i64: 256, 512>}, {pipeline_mode = #tpu.pipeline_mode<synchronous>, transform_indices = @transform_8, window_bounds = array<i64: 256, 1>}, {transform_indices = @transform_9, window_bounds = array<i64: 1, 256, 512>}]} {
    %get3A = arith.constant 0 : index
    %get3A_0 = arith.constant 0 : index
    %get3A_1 = vector.load %arg4[%get3A, %get3A_0] : memref<512x256xbf16, #tpu.memory_space<vmem>>, vector<512x256xbf16>
    %get3A_2 = arith.constant 0 : index
    %get3A_3 = arith.constant 0 : index
    %get3A_4 = arith.constant 0 : index
    %get3A_5 = vector.load %arg2[%get3A_2, %get3A_3, %get3A_4] : memref<1x256x512xbf16, #tpu.memory_space<vmem>>, vector<1x256x512xbf16>
    %get3A_6 = vector.shape_cast %get3A_5 : vector<1x256x512xbf16> to vector<256x512xbf16>
    %dot_general3A = arith.constant dense<0.000000e+00> : vector<512x512xf32>
    %dot_general3A_7 = tpu.matmul %get3A_1, %get3A_6, %dot_general3A {dimension_numbers = #tpu.dot_dimension_numbers<[1], [0], [0], [1], [0, 0, 1, 1], [], []>, transpose_lhs_hint = false} : vector<512x256xbf16>, vector<256x512xbf16>, vector<512x512xf32> -> vector<512x512xf32>
    %get3A_8 = arith.constant 0 : index
    %get3A_9 = arith.constant 0 : index
    %get3A_10 = vector.load %arg5[%get3A_8, %get3A_9] : memref<512x256xbf16, #tpu.memory_space<vmem>>, vector<512x256xbf16>
    %get3A_11 = arith.constant 0 : index
    %get3A_12 = arith.constant 0 : index
    %get3A_13 = vector.load %arg3[%get3A_11, %get3A_12] : memref<512x256xf32, #tpu.memory_space<vmem>>, vector<512x256xf32>
    %convert_element_type3A = arith.truncf %get3A_13 : vector<512x256xf32> to vector<512x256xbf16>
    %dot_general3A_14 = arith.constant dense<0.000000e+00> : vector<512x512xf32>
    %dot_general3A_15 = tpu.matmul %get3A_10, %convert_element_type3A, %dot_general3A_14 {dimension_numbers = #tpu.dot_dimension_numbers<[1], [1], [0], [0], [0, 0, 1, 0], [], []>, transpose_lhs_hint = false} : vector<512x256xbf16>, vector<512x256xbf16>, vector<512x512xf32> -> vector<512x512xf32>
    %add3A = arith.addf %dot_general3A_7, %dot_general3A_15 : vector<512x512xf32>
    %get3A_16 = arith.constant 0 : index
    %get3A_17 = arith.constant 0 : index
    %get3A_18 = vector.load %arg6[%get3A_16, %get3A_17] : memref<512x1xf32, #tpu.memory_space<vmem>>, vector<512x1xf32>
    %add3A_19 = vector.broadcast %get3A_18 : vector<512x1xf32> to vector<512x512xf32>
    %add3A_20 = arith.addf %add3A, %add3A_19 : vector<512x512xf32>
    %max3A = arith.constant 0.000000e+00 : f32
    %max3A_21 = vector.broadcast %max3A : f32 to vector<512x512xf32>
    %max3A_22 = arith.maximumf %add3A_20, %max3A_21 : vector<512x512xf32>
    %get3A_23 = arith.constant 0 : index
    %get3A_24 = arith.constant 0 : index
    %get3A_25 = vector.load %arg7[%get3A_23, %get3A_24] : memref<512x512xbf16, #tpu.memory_space<vmem>>, vector<512x512xbf16>
    %convert_element_type3A_26 = arith.truncf %max3A_22 : vector<512x512xf32> to vector<512x512xbf16>
    %dot_general3A_27 = arith.constant dense<0.000000e+00> : vector<512x512xf32>
    %dot_general3A_28 = tpu.matmul %get3A_25, %convert_element_type3A_26, %dot_general3A_27 {dimension_numbers = #tpu.dot_dimension_numbers<[1], [0], [0], [1], [0, 0, 1, 1], [], []>, transpose_lhs_hint = false} : vector<512x512xbf16>, vector<512x512xbf16>, vector<512x512xf32> -> vector<512x512xf32>
    %get3A_29 = arith.constant 0 : index
    %get3A_30 = arith.constant 0 : index
    %get3A_31 = vector.load %arg8[%get3A_29, %get3A_30] : memref<512x1xf32, #tpu.memory_space<vmem>>, vector<512x1xf32>
    %add3A_32 = vector.broadcast %get3A_31 : vector<512x1xf32> to vector<512x512xf32>
    %add3A_33 = arith.addf %dot_general3A_28, %add3A_32 : vector<512x512xf32>
    %max3A_34 = arith.constant 0.000000e+00 : f32
    %max3A_35 = vector.broadcast %max3A_34 : f32 to vector<512x512xf32>
    %max3A_36 = arith.maximumf %add3A_33, %max3A_35 : vector<512x512xf32>
    %get3A_37 = arith.constant 0 : index
    %get3A_38 = arith.constant 0 : index
    %get3A_39 = vector.load %arg9[%get3A_37, %get3A_38] : memref<256x512xbf16, #tpu.memory_space<vmem>>, vector<256x512xbf16>
    %convert_element_type3A_40 = arith.truncf %max3A_36 : vector<512x512xf32> to vector<512x512xbf16>
    %dot_general3A_41 = arith.constant dense<0.000000e+00> : vector<256x512xf32>
    %dot_general3A_42 = tpu.matmul %get3A_39, %convert_element_type3A_40, %dot_general3A_41 {dimension_numbers = #tpu.dot_dimension_numbers<[1], [0], [0], [1], [0, 0, 1, 1], [], []>, transpose_lhs_hint = false} : vector<256x512xbf16>, vector<512x512xbf16>, vector<256x512xf32> -> vector<256x512xf32>
    %get3A_43 = arith.constant 0 : index
    %get3A_44 = arith.constant 0 : index
    %get3A_45 = vector.load %arg10[%get3A_43, %get3A_44] : memref<256x1xf32, #tpu.memory_space<vmem>>, vector<256x1xf32>
    %add3A_46 = vector.broadcast %get3A_45 : vector<256x1xf32> to vector<256x512xf32>
    %add3A_47 = arith.addf %dot_general3A_42, %add3A_46 : vector<256x512xf32>
    %max3A_48 = arith.constant 0.000000e+00 : f32
    %max3A_49 = vector.broadcast %max3A_48 : f32 to vector<256x512xf32>
    %max3A_50 = arith.maximumf %add3A_47, %max3A_49 : vector<256x512xf32>
    %swap3A = arith.constant 0 : index
    %swap3A_51 = arith.constant 0 : index
    %swap3A_52 = arith.constant 0 : index
    %swap3A_53 = vector.load %arg11[%swap3A, %swap3A_51, %swap3A_52] : memref<1x256x512xf32, #tpu.memory_space<vmem>>, vector<1x256x512xf32>
    %swap3A_54 = vector.shape_cast %swap3A_53 : vector<1x256x512xf32> to vector<256x512xf32>
    %swap3A_55 = vector.shape_cast %max3A_50 : vector<256x512xf32> to vector<1x256x512xf32>
    tpu.vector_store %arg11[%swap3A, %swap3A_51, %swap3A_52], %swap3A_55 {strides = array<i32>} : memref<1x256x512xf32, #tpu.memory_space<vmem>>, vector<1x256x512xf32>,
    return
  }
  func.func @transform_0(%arg0: i32, %arg1: i32) -> (i32, i32, i32) {
    %add3A = arith.constant 8 : i32
    %add3A_0 = arith.addi %arg0, %add3A : i32
    %c0_i32 = arith.constant 0 : i32
    %c0_i32_1 = arith.constant 0 : i32
    return %add3A_0, %c0_i32, %arg1 : i32, i32, i32
  }
  func.func @transform_1(%arg0: i32, %arg1: i32) -> (i32, i32) {
    %mul3A = arith.constant 8 : i32
    %mul3A_0 = arith.muli %arg0, %mul3A : i32
    %add3A = arith.addi %mul3A_0, %arg1 : i32
    %c0_i32 = arith.constant 0 : i32
    %c0_i32_1 = arith.constant 0 : i32
    return %add3A, %c0_i32 : i32, i32
  }
  func.func @transform_2(%arg0: i32, %arg1: i32) -> (i32, i32) {
    %c0_i32 = arith.constant 0 : i32
    %c0_i32_0 = arith.constant 0 : i32
    %c0_i32_1 = arith.constant 0 : i32
    return %c0_i32, %c0_i32_0 : i32, i32
  }
  func.func @transform_3(%arg0: i32, %arg1: i32) -> (i32, i32) {
    %c0_i32 = arith.constant 0 : i32
    %c0_i32_0 = arith.constant 0 : i32
    %c0_i32_1 = arith.constant 0 : i32
    return %c0_i32, %c0_i32_0 : i32, i32
  }
  func.func @transform_4(%arg0: i32, %arg1: i32) -> (i32, i32) {
    %c0_i32 = arith.constant 0 : i32
    %c0_i32_0 = arith.constant 0 : i32
    %c0_i32_1 = arith.constant 0 : i32
    return %c0_i32, %c0_i32_0 : i32, i32
  }
  func.func @transform_5(%arg0: i32, %arg1: i32) -> (i32, i32) {
    %c0_i32 = arith.constant 0 : i32
    %c0_i32_0 = arith.constant 0 : i32
    %c0_i32_1 = arith.constant 0 : i32
    return %c0_i32, %c0_i32_0 : i32, i32
  }
  func.func @transform_6(%arg0: i32, %arg1: i32) -> (i32, i32) {
    %c0_i32 = arith.constant 0 : i32
    %c0_i32_0 = arith.constant 0 : i32
    %c0_i32_1 = arith.constant 0 : i32
    return %c0_i32, %c0_i32_0 : i32, i32
  }
  func.func @transform_7(%arg0: i32, %arg1: i32) -> (i32, i32) {
    %c0_i32 = arith.constant 0 : i32
    %c0_i32_0 = arith.constant 0 : i32
    %c0_i32_1 = arith.constant 0 : i32
    return %c0_i32, %c0_i32_0 : i32, i32
  }
  func.func @transform_8(%arg0: i32, %arg1: i32) -> (i32, i32) {
    %c0_i32 = arith.constant 0 : i32
    %c0_i32_0 = arith.constant 0 : i32
    %c0_i32_1 = arith.constant 0 : i32
    return %c0_i32, %c0_i32_0 : i32, i32
  }
  func.func @transform_9(%arg0: i32, %arg1: i32) -> (i32, i32, i32) {
    %c0_i32 = arith.constant 0 : i32
    %c0_i32_0 = arith.constant 0 : i32
    return %arg0, %c0_i32, %arg1 : i32, i32, i32
  }
}

module attributes {stable_mosaic.version = 14 : i64} {
  func.func @_mlp_kernel(%arg0: i32, %arg1: i32, %arg2: memref<1x256x512xbf16, #tpu.memory_space<vmem>>, %arg3: memref<512x256xf32, #tpu.memory_space<vmem>>, %arg4: memref<512x256xbf16, #tpu.memory_space<vmem>>, %arg5: memref<512x256xbf16, #tpu.memory_space<vmem>>, %arg6: memref<512x1xf32, #tpu.memory_space<vmem>>, %arg7: memref<512x512xbf16, #tpu.memory_space<vmem>>, %arg8: memref<512x1xf32, #tpu.memory_space<vmem>>, %arg9: memref<256x512xbf16, #tpu.memory_space<vmem>>, %arg10: memref<256x1xf32, #tpu.memory_space<vmem>>, %arg11: memref<1x256x512xf32, #tpu.memory_space<vmem>>) attributes {dimension_semantics = [#tpu.dimension_semantics<arbitrary>, #tpu.dimension_semantics<arbitrary>], iteration_bounds = array<i64: 8, 8>, scalar_prefetch = 0 : i64, scratch_operands = 0 : i64, tpu.core_type = #tpu.core_type<tc>, window_params = [{transform_indices = @transform_0, window_bounds = array<i64: 1, 256, 512>}, {transform_indices = @transform_1, window_bounds = array<i64: 512, 256>}, {pipeline_mode = #tpu.pipeline_mode<synchronous>, transform_indices = @transform_2, window_bounds = array<i64: 512, 256>}, {pipeline_mode = #tpu.pipeline_mode<synchronous>, transform_indices = @transform_3, window_bounds = array<i64: 512, 256>}, {pipeline_mode = #tpu.pipeline_mode<synchronous>, transform_indices = @transform_4, window_bounds = array<i64: 512, 1>}, {pipeline_mode = #tpu.pipeline_mode<synchronous>, transform_indices = @transform_5, window_bounds = array<i64: 512, 512>}, {pipeline_mode = #tpu.pipeline_mode<synchronous>, transform_indices = @transform_6, window_bounds = array<i64: 512, 1>}, {pipeline_mode = #tpu.pipeline_mode<synchronous>, transform_indices = @transform_7, window_bounds = array<i64: 256, 512>}, {pipeline_mode = #tpu.pipeline_mode<synchronous>, transform_indices = @transform_8, window_bounds = array<i64: 256, 1>}, {transform_indices = @transform_9, window_bounds = array<i64: 1, 256, 512>}]} {
    %get3A = arith.constant 0 : index
    %get3A_0 = arith.constant 0 : index
    %get3A_1 = vector.load %arg4[%get3A, %get3A_0] : memref<512x256xbf16, #tpu.memory_space<vmem>>, vector<512x256xbf16>
    %get3A_2 = arith.constant 0 : index
    %get3A_3 = arith.constant 0 : index
    %get3A_4 = arith.constant 0 : index
    %get3A_5 = vector.load %arg2[%get3A_2, %get3A_3, %get3A_4] : memref<1x256x512xbf16, #tpu.memory_space<vmem>>, vector<1x256x512xbf16>
    %get3A_6 = vector.shape_cast %get3A_5 : vector<1x256x512xbf16> to vector<256x512xbf16>
    %dot_general3A = arith.constant dense<0.000000e+00> : vector<512x512xf32>
    %dot_general3A_7 = tpu.matmul %get3A_1, %get3A_6, %dot_general3A {dimension_numbers = #tpu.dot_dimension_numbers<[1], [0], [0], [1], [0, 0, 1, 1], [], []>, transpose_lhs_hint = false} : vector<512x256xbf16>, vector<256x512xbf16>, vector<512x512xf32> -> vector<512x512xf32>
    %get3A_8 = arith.constant 0 : index
    %get3A_9 = arith.constant 0 : index
    %get3A_10 = vector.load %arg5[%get3A_8, %get3A_9] : memref<512x256xbf16, #tpu.memory_space<vmem>>, vector<512x256xbf16>
    %get3A_11 = arith.constant 0 : index
    %get3A_12 = arith.constant 0 : index
    %get3A_13 = vector.load %arg3[%get3A_11, %get3A_12] : memref<512x256xf32, #tpu.memory_space<vmem>>, vector<512x256xf32>
    %convert_element_type3A = arith.truncf %get3A_13 : vector<512x256xf32> to vector<512x256xbf16>
    %dot_general3A_14 = arith.constant dense<0.000000e+00> : vector<512x512xf32>
    %dot_general3A_15 = tpu.matmul %get3A_10, %convert_element_type3A, %dot_general3A_14 {dimension_numbers = #tpu.dot_dimension_numbers<[1], [1], [0], [0], [0, 0, 1, 0], [], []>, transpose_lhs_hint = false} : vector<512x256xbf16>, vector<512x256xbf16>, vector<512x512xf32> -> vector<512x512xf32>
    %add3A = arith.addf %dot_general3A_7, %dot_general3A_15 : vector<512x512xf32>
    %get3A_16 = arith.constant 0 : index
    %get3A_17 = arith.constant 0 : index
    %get3A_18 = vector.load %arg6[%get3A_16, %get3A_17] : memref<512x1xf32, #tpu.memory_space<vmem>>, vector<512x1xf32>
    %add3A_19 = vector.broadcast %get3A_18 : vector<512x1xf32> to vector<512x512xf32>
    %add3A_20 = arith.addf %add3A, %add3A_19 : vector<512x512xf32>
    %max3A = arith.constant 0.000000e+00 : f32
    %max3A_21 = vector.broadcast %max3A : f32 to vector<512x512xf32>
    %max3A_22 = arith.maximumf %add3A_20, %max3A_21 : vector<512x512xf32>
    %get3A_23 = arith.constant 0 : index
    %get3A_24 = arith.constant 0 : index
    %get3A_25 = vector.load %arg7[%get3A_23, %get3A_24] : memref<512x512xbf16, #tpu.memory_space<vmem>>, vector<512x512xbf16>
    %convert_element_type3A_26 = arith.truncf %max3A_22 : vector<512x512xf32> to vector<512x512xbf16>
    %dot_general3A_27 = arith.constant dense<0.000000e+00> : vector<512x512xf32>
    %dot_general3A_28 = tpu.matmul %get3A_25, %convert_element_type3A_26, %dot_general3A_27 {dimension_numbers = #tpu.dot_dimension_numbers<[1], [0], [0], [1], [0, 0, 1, 1], [], []>, transpose_lhs_hint = false} : vector<512x512xbf16>, vector<512x512xbf16>, vector<512x512xf32> -> vector<512x512xf32>
    %get3A_29 = arith.constant 0 : index
    %get3A_30 = arith.constant 0 : index
    %get3A_31 = vector.load %arg8[%get3A_29, %get3A_30] : memref<512x1xf32, #tpu.memory_space<vmem>>, vector<512x1xf32>
    %add3A_32 = vector.broadcast %get3A_31 : vector<512x1xf32> to vector<512x512xf32>
    %add3A_33 = arith.addf %dot_general3A_28, %add3A_32 : vector<512x512xf32>
    %max3A_34 = arith.constant 0.000000e+00 : f32
    %max3A_35 = vector.broadcast %max3A_34 : f32 to vector<512x512xf32>
    %max3A_36 = arith.maximumf %add3A_33, %max3A_35 : vector<512x512xf32>
    %get3A_37 = arith.constant 0 : index
    %get3A_38 = arith.constant 0 : index
    %get3A_39 = vector.load %arg9[%get3A_37, %get3A_38] : memref<256x512xbf16, #tpu.memory_space<vmem>>, vector<256x512xbf16>
    %convert_element_type3A_40 = arith.truncf %max3A_36 : vector<512x512xf32> to vector<512x512xbf16>
    %dot_general3A_41 = arith.constant dense<0.000000e+00> : vector<256x512xf32>
    %dot_general3A_42 = tpu.matmul %get3A_39, %convert_element_type3A_40, %dot_general3A_41 {dimension_numbers = #tpu.dot_dimension_numbers<[1], [0], [0], [1], [0, 0, 1, 1], [], []>, transpose_lhs_hint = false} : vector<256x512xbf16>, vector<512x512xbf16>, vector<256x512xf32> -> vector<256x512xf32>
    %get3A_43 = arith.constant 0 : index
    %get3A_44 = arith.constant 0 : index
    %get3A_45 = vector.load %arg10[%get3A_43, %get3A_44] : memref<256x1xf32, #tpu.memory_space<vmem>>, vector<256x1xf32>
    %add3A_46 = vector.broadcast %get3A_45 : vector<256x1xf32> to vector<256x512xf32>
    %add3A_47 = arith.addf %dot_general3A_42, %add3A_46 : vector<256x512xf32>
    %max3A_48 = arith.constant 0.000000e+00 : f32
    %max3A_49 = vector.broadcast %max3A_48 : f32 to vector<256x512xf32>
    %max3A_50 = arith.maximumf %add3A_47, %max3A_49 : vector<256x512xf32>
    %swap3A = arith.constant 0 : index
    %swap3A_51 = arith.constant 0 : index
    %swap3A_52 = arith.constant 0 : index
    %swap3A_53 = vector.load %arg11[%swap3A, %swap3A_51, %swap3A_52] : memref<1x256x512xf32, #tpu.memory_space<vmem>>, vector<1x256x512xf32>
    %swap3A_54 = vector.shape_cast %swap3A_53 : vector<1x256x512xf32> to vector<256x512xf32>
    %swap3A_55 = vector.shape_cast %max3A_50 : vector<256x512xf32> to vector<1x256x512xf32>
    tpu.vector_store %arg11[%swap3A, %swap3A_51, %swap3A_52], %swap3A_55 {strides = array<i32>} : memref<1x256x512xf32, #tpu.memory_space<vmem>>, vector<1x256x512xf32>,
    return
  }
  func.func @transform_0(%arg0: i32, %arg1: i32) -> (i32, i32, i32) {
    %add3A = arith.constant 0 : i32
    %add3A_0 = arith.addi %arg0, %add3A : i32
    %c0_i32 = arith.constant 0 : i32
    %c0_i32_1 = arith.constant 0 : i32
    return %add3A_0, %c0_i32, %arg1 : i32, i32, i32
  }
  func.func @transform_1(%arg0: i32, %arg1: i32) -> (i32, i32) {
    %mul3A = arith.constant 8 : i32
    %mul3A_0 = arith.muli %arg0, %mul3A : i32
    %add3A = arith.addi %mul3A_0, %arg1 : i32
    %c0_i32 = arith.constant 0 : i32
    %c0_i32_1 = arith.constant 0 : i32
    return %add3A, %c0_i32 : i32, i32
  }
  func.func @transform_2(%arg0: i32, %arg1: i32) -> (i32, i32) {
    %c0_i32 = arith.constant 0 : i32
    %c0_i32_0 = arith.constant 0 : i32
    %c0_i32_1 = arith.constant 0 : i32
    return %c0_i32, %c0_i32_0 : i32, i32
  }
  func.func @transform_3(%arg0: i32, %arg1: i32) -> (i32, i32) {
    %c0_i32 = arith.constant 0 : i32
    %c0_i32_0 = arith.constant 0 : i32
    %c0_i32_1 = arith.constant 0 : i32
    return %c0_i32, %c0_i32_0 : i32, i32
  }
  func.func @transform_4(%arg0: i32, %arg1: i32) -> (i32, i32) {
    %c0_i32 = arith.constant 0 : i32
    %c0_i32_0 = arith.constant 0 : i32
    %c0_i32_1 = arith.constant 0 : i32
    return %c0_i32, %c0_i32_0 : i32, i32
  }
  func.func @transform_5(%arg0: i32, %arg1: i32) -> (i32, i32) {
    %c0_i32 = arith.constant 0 : i32
    %c0_i32_0 = arith.constant 0 : i32
    %c0_i32_1 = arith.constant 0 : i32
    return %c0_i32, %c0_i32_0 : i32, i32
  }
  func.func @transform_6(%arg0: i32, %arg1: i32) -> (i32, i32) {
    %c0_i32 = arith.constant 0 : i32
    %c0_i32_0 = arith.constant 0 : i32
    %c0_i32_1 = arith.constant 0 : i32
    return %c0_i32, %c0_i32_0 : i32, i32
  }
  func.func @transform_7(%arg0: i32, %arg1: i32) -> (i32, i32) {
    %c0_i32 = arith.constant 0 : i32
    %c0_i32_0 = arith.constant 0 : i32
    %c0_i32_1 = arith.constant 0 : i32
    return %c0_i32, %c0_i32_0 : i32, i32
  }
  func.func @transform_8(%arg0: i32, %arg1: i32) -> (i32, i32) {
    %c0_i32 = arith.constant 0 : i32
    %c0_i32_0 = arith.constant 0 : i32
    %c0_i32_1 = arith.constant 0 : i32
    return %c0_i32, %c0_i32_0 : i32, i32
  }
  func.func @transform_9(%arg0: i32, %arg1: i32) -> (i32, i32, i32) {
    %c0_i32 = arith.constant 0 : i32
    %c0_i32_0 = arith.constant 0 : i32
    return %arg0, %c0_i32, %arg1 : i32, i32, i32
  }
}

</mosaic_0001>

<sc_bundles>
// kernel: kernel.11.cloned.1.call-start
scs
__scs_entry_jumppad:
0x0: {  	(pc) =	sbr.rel $0x88, $3  }
0x1: {  	(tag) =	ssettag $0x0;
	lr =	simm.s32 $0x1  }
0x2: {  	[smem:$0x3F97] =	sst lr;
	_ =	strace $0xD0000000  }
0x3: {  	_ = 	snop  }
0x4: {  	_ = 	snop  }
0x5: {  	_ = 	snop  }
0x6: {  	_ = 	snop  }
0x7: {  	_ = 	snop  }
__scs_overlays_trampoline_lowered:
0x8: {  	[smem:$0x3FA6] =	sst s0  }
0x9: {  	[smem:$0x3FA7] =	sst s1  }
0xa: {  	[smem:$0x3FA8] =	sst s2  }
0xb: {  	[smem:$0x3FA9] =	sst s3  }
0xc: {  	[smem:$0x3FAA] =	sst s4  }
0xd: {  	[smem:$0x3FAB] =	sst s5  }
0xe: {  	[smem:$0x3FAC] =	sst s6  }
0xf: {  	[smem:$0x3FAD] =	sst s7  }
0x10: {  	[smem:$0x3FAE] =	sst s8  }
0x11: {  	[smem:$0x3FAF] =	sst s9;
	s0 =	simm.s32 @!p0 $0x0  }
0x12: {  	s1 =	sld [smem:$0x3F95];
	s0 =	simm.s32 @p0 $0x1  }
0x13: {  	[smem:$0x3FB0] =	sst s0;
	s0 =	simm.s32 @!p1 $0x0  }
0x14: {  	s2 =	sld [smem:$0x3F94];
	s0 =	simm.s32 @p1 $0x1  }
0x15: {  	[smem:$0x3FB1] =	sst s0;
	s0 =	simm.s32 @!p2 $0x0  }
0x16: {  	s3 =	sld [smem:$0x3FDB];
	s0 =	simm.s32 @p2 $0x1  }
0x17: {  	s4 =	simm.s32 $0x1BF5;
	[smem:$0x3FB3] =	sst s0  }
0x18: {  	s0 =	sld [smem:$0x3F96];
	_ =	swait.ge [sflag:s4], $0x0  }
0x19: {  	s7 =	sld [smem:$0x3F97]  }
0x1a: {  	s8 =	sadd.s32 $0xFFFFE003, lr  }
0x1b: {  	s9 =	sadd.s32 $0xFFFFFEF7, lr;
	s5 =	simm.s32 $0xFFFFFFFF;
	p2 =	slt.u32 s8, $0xFFFFF086  }
0x1c: {  	p1 =	slt.u32 s9, $0xF7A;
	s5 =	simm.s32 @!p2 $0x0  }
0x1d: {  	s5 =	simm.s32 @p1 $0x1;
	p0 =	seq.s32 s7, s2  }
0x1e: {  	s7 =	smul.u32 @!p0 $0xF7A, s2;
	p2 =	seq.s32 @!p0 s5, $0x0  }
0x1f: {  	s9 =	smul.u32 $0xF7A, s1;
	s8 =	simm.s32 @!p0 $0x1BF5;
	p2 =	por !p2, p0  }
0x20: {  	[sflag:s8] =	ssyncset.s32 @!p0 $0xFFFFF086;
	s6 =	sadd.s32 @!p0 s3, s7;
	s7 =	simm.s32 @!p0 $0x108  }
0x21: {  	s3 =	sadd.s32 s3, s9;
	s6 =	sadd.s32 @!p0 $0x88, s6;
	s7 =	simm.s32 @p2 $0x1082  }
0x22: {  	[simem:s7], [sflag:s8] =	dma.local @!p0 [hbm:s6], $0xF7A  }
0x23: {  	s9 =	sor.u32 $0xD0000000, s2;
	s6 =	simm.s32 $0x108;
	_ =	swait.ge @!p0 [sflag:s8], $0x0  }
0x24: {  	s3 =	sadd.s32 $0x88, s3;
	s6 =	simm.s32 @!p1 $0x1082;
	[sflag:s4] =	ssyncset.s32 $0xFFFFF086  }
0x25: {  	[simem:s6], [sflag:s4] =	dma.local [hbm:s3], $0xF7A  }
0x26: {  	[smem:$0x3F97] =	sst s1;
	(tag) =	ssettag s2;
	_ =	strace s9  }
0x27: {  	s1 =	sld [smem:$0x3FA7]  }
0x28: {  	s2 =	sld [smem:$0x3FA8]  }
0x29: {  	s4 =	sld [smem:$0x3FAA]  }
0x2a: {  	p0 =	seq.s32 s5, $0x0;
	s5 =	sld [smem:$0x3FAB]  }
0x2b: {  	s6 =	sld [smem:$0x3FAC]  }
0x2c: {  	s7 =	sld [smem:$0x3FAD]  }
0x2d: {  	s3 =	simm.s32 $0x108;
	s8 =	sld [smem:$0x3FAE]  }
0x2e: {  	s3 =	simm.s32 @!p0 $0x1082;
	s9 =	sld [smem:$0x3FAF]  }
0x2f: {  	lr =	sadd.s32 s0, s3;
	s0 =	sld [smem:$0x3FA6]  }
0x30: {  	s3 =	sld [smem:$0x3FA9]  }
0x31: {  	[smem:$0x3FB2] =	sst s10  }
0x32: {  	s10 =	sld [smem:$0x3FB0];
	_ =	sdelay $0x3  }
0x33: {  	p0 =	seq.s32 s10, $0x1;
	s10 =	sld [smem:$0x3FB2];
	_ =	sdelay $0x3  }
0x34: {  	[smem:$0x3FB2] =	sst s10  }
0x35: {  	s10 =	sld [smem:$0x3FB1];
	_ =	sdelay $0x3  }
0x36: {  	p1 =	seq.s32 s10, $0x1;
	s10 =	sld [smem:$0x3FB2];
	_ =	sdelay $0x3  }
0x37: {  	[smem:$0x3FB2] =	sst s10  }
0x38: {  	s10 =	sld [smem:$0x3FB3]  }
0x39: {  	_ = 	snop;
	(pc) =	sbr.ind lr, $3  }
0x3a: {  	_ = 	snop  }
0x3b: {  	_ = 	snop  }
0x3c: {  	p2 =	seq.s32 s10, $0x1;
	s10 =	sld [smem:$0x3FB2]  }
0x3d: {  	_ =	shalt  }
0x3e: {  	_ =	shalt  }
0x3f: {  	_ =	shalt  }
0x40: {  	_ =	shalt  }
0x41: {  	_ =	shalt  }
0x42: {  	_ =	shalt  }
0x43: {  	_ =	shalt  }
0x44: {  	_ =	shalt  }
0x45: {  	_ =	shalt  }
0x46: {  	_ =	shalt  }
0x47: {  	_ =	shalt  }
0x48: {  	_ =	shalt  }
0x49: {  	_ =	shalt  }
0x4a: {  	_ =	shalt  }
0x4b: {  	_ =	shalt  }
0x4c: {  	_ =	shalt  }
0x4d: {  	_ =	shalt  }
0x4e: {  	_ =	shalt  }
0x4f: {  	_ =	shalt  }
0x50: {  	_ =	shalt  }
0x51: {  	_ =	shalt  }
0x52: {  	_ =	shalt  }
0x53: {  	_ =	shalt  }
0x54: {  	_ =	shalt  }
0x55: {  	_ =	shalt  }
0x56: {  	_ =	shalt  }
0x57: {  	_ =	shalt  }
0x58: {  	_ =	shalt  }
0x59: {  	_ =	shalt  }
0x5a: {  	_ =	shalt  }
0x5b: {  	_ =	shalt  }
0x5c: {  	_ =	shalt  }
0x5d: {  	_ =	shalt  }
0x5e: {  	_ =	shalt  }
0x5f: {  	_ =	shalt  }
0x60: {  	_ =	shalt  }
0x61: {  	_ =	shalt  }
0x62: {  	_ =	shalt  }
0x63: {  	_ =	shalt  }
0x64: {  	_ =	shalt  }
0x65: {  	_ =	shalt  }
0x66: {  	_ =	shalt  }
0x67: {  	_ =	shalt  }
0x68: {  	_ =	shalt  }
0x69: {  	_ =	shalt  }
0x6a: {  	_ =	shalt  }
0x6b: {  	_ =	shalt  }
0x6c: {  	_ =	shalt  }
0x6d: {  	_ =	shalt  }
0x6e: {  	_ =	shalt  }
0x6f: {  	_ =	shalt  }
0x70: {  	_ =	shalt  }
0x71: {  	_ =	shalt  }
0x72: {  	_ =	shalt  }
0x73: {  	_ =	shalt  }
0x74: {  	_ =	shalt  }
0x75: {  	_ =	shalt  }
0x76: {  	_ =	shalt  }
0x77: {  	_ =	shalt  }
0x78: {  	_ =	shalt  }
0x79: {  	_ =	shalt  }
0x7a: {  	_ =	shalt  }
0x7b: {  	_ =	shalt  }
0x7c: {  	_ =	shalt  }
0x7d: {  	_ =	shalt  }
0x7e: {  	_ =	shalt  }
0x7f: {  	_ =	shalt  }
0x80: {  	_ =	shalt  }
0x81: {  	_ =	shalt  }
0x82: {  	_ =	shalt  }
0x83: {  	_ =	shalt  }
0x84: {  	_ =	shalt  }
0x85: {  	_ =	shalt  }
0x86: {  	_ =	shalt  }
0x87: {  	_ =	shalt  }
.Lfunc_end0:
.L_simem_size_0:
called_computation.1_lowered:
.L_overlay_start_0:
0x88: {  	s2 =	sld [smem:$0x3FD9]  }
0x89: {  	s3 =	sld [smem:$0x3FFE];
	_ =	sdelay $0x1  }
0x8a: {  	s1 =	srdreg.scid  }
0x8b: {  	s0 =	sand.u32 $0x1, s1  }
0x8c: {  	s17 =	sshll.u32 s0, $0xA;
	s2 =	sadd.s32 s3, s2  }
0x8d: {  	s2 =	sadd.s32 s2, s17  }
0x8e: {  	[smem:$0x3FBE] =	sst s2  }
0x8f: {  	_ = 	snop  }
0x90: {  	s2 =	sld [smem:$0x3FD0];
	(tm) =	ssettm $0x1  }
0x91: {  	s18 =	sld [smem:$0x3FFB];
	_ =	sdelay $0x3  }
0x92: {  	_ =	strace s18  }
0x93: {  	s3 =	sld [smem:$0x3FFC];
	_ =	sdelay $0x3  }
0x94: {  	_ =	strace s3  }
0x95: {  	s3 =	sld [smem:$0x3FFD];
	_ =	sdelay $0x3  }
0x96: {  	_ =	strace s3  }
0x97: {  	_ =	strace $0x8FFFFFFF  }
0x98: {  	s19 =	sld [smem:$0x3FDB];
	_ =	sdelay $0x1  }
0x99: {  	s4 =	simm.s32 $_scs_section_size  }
0x9a: {  	s5 =	simm.s32 $_size__tile_overlayer_lowered;
	s6 =	simm.s32 $_tile_overlayer_lowered  }
0x9b: {  	s22 =	simm.s32 $0x1BFF;
	s21 =	sshll.u32 s6, $0x1;
	s3 =	sadd.s32 s4, s19  }
0x9c: {  	s7 =	simm.s32 $0x0;
	s20 =	sshll.u32 s5, $0x1;
	s5 =	sadd.s32 s21, s3  }
0x9d: {  	[timem:s7], [sflag:s22] =	dma.local [hbm:s5], s20  }
0x9e: {  	_ =	swait.ge [sflag:s22], s20  }
0x9f: {  	s4 =	ssub.s32 $0x0, s20;
	[sflag:s22] =	ssyncset.done $0x0  }
0xa0: {  	[sflag:s22] =	ssyncadd.s32 s4;
	_ =	sdelay $0x1  }
0xa1: {  	s23 =	simm.s32 $0x1B8B  }
0xa2: {  	_ =	swait.ge [sflag:s23], $0x1  }
0xa3: {  	[sflag:s23] =	ssyncset.done $0x0  }
0xa4: {  	s25 =	simm.s32 $0x1B8E;
	s24 =	sld [smem:$0x3FFE];
	[sflag:s23] =	ssyncadd.s32 $0xFFFFFFFF  }
0xa5: {  	s26 =	simm.s32 $execute0_lowered;
	[smem:$0x3FD2] =	sst s25  }
0xa6: {  	s5 =	sshll.u32 s26, $0x1;
	_ =	strace $0x80000046;
	[dreg:$0x1] =	wrdreg $0xFFFFFFFF  }
0xa7: {  	s28 =	simm.s32 $_size_execute0_lowered;
	s3 =	sadd.s32 s3, s5;
	[dreg:$0x0] =	wrdreg $0x0  }
0xa8: {  	s5 =	sshll.u32 s28, $0x1;
	[dreg:$0x2] =	wrdreg s3  }
0xa9: {  	[dreg:$0x3] =	wrdreg s5  }
0xaa: {  	[dreg:$0x4] =	wrdreg $0xC0  }
0xab: {  	_ =	task [dreg:s7], $0x5FFFF  }
0xac: {  	[dreg:$0x1] =	wrdreg $0xFFFFFFFF  }
0xad: {  	[dreg:$0x0] =	wrdreg $0x60  }
0xae: {  	[dreg:$0x2] =	wrdreg s24  }
0xaf: {  	[dreg:$0x3] =	wrdreg s2  }
0xb0: {  	[dreg:$0x4] =	wrdreg $0xA  }
0xb1: {  	_ =	task.clear_ibuf [dreg:s7], $0x5FFFF;
	_ =	strace $0x90000046  }
0xb2: {  	s29 =	simm.s32 $0xA;
	_ =	strace $0x80000048  }
0xb3: {  	_ =	swait.ge [sflag:s29], $0x1  }
0xb4: {  	[sflag:s29] =	ssyncadd.s32 $0xFFFFFFFF  }
0xb5: {  	_ =	strace $0x90000048  }
0xb6: {  	_ =	sfence  }
0xb7: {  	s30 =	sld [smem:$0x0];
	_ =	sdelay $0x2  }
0xb8: {  	s31 =	sshll.u32 s1, $0xD;
	s1 =	sshrl.u32 s1, $0x2  }
0xb9: {  	s3 =	sand.u32 $0x4000, s31;
	s1 =	sadd.s32 s1, s30  }
0xba: {  	s0 =	sor.u32 s3, s0;
	s1 =	sshll.u32 s1, $0x11  }
0xbb: {  	s0 =	sor.u32 s1, s0  }
0xbc: {  	s0 =	sadd.s32 $0x8F2B, s0  }
0xbd: {  	[sflag:s0] =	ssyncadd.remote.s32 $0x1  }
0xbe: {  	_ =	sfence.sel $0xFFFF  }
0xbf: {  	[dreg:$0x0] =	wrdreg $0xFFFFFFFF;
	(pc) =	sbr.abs _section_cstart, $3  }
0xc0: {  	[dreg:$0x1] =	wrdreg $0xFFFFFFFF  }
0xc1: {  	_ =	task.clear_ibuf [dreg:s7], $0x2FFFF;
	_ =	strace $0x9FFFFFFF  }
0xc2: {  	(tm) =	ssettm $0x7FFFFFFF  }
0xc3: {  	_ =	shalt  }
tec
execute0_lowered:
.L_overlay_start_1:
0x0: {  	(tag) =	ssettag $0x1  }
0x1: {  	s0 =	rddreg [dreg:$0x0]  }
0x2: {  	s10 =	rddreg [dreg:$0x1]  }
0x3: {  	s1 =	simm.s32 $0x0;
	s28 =	srdreg.scid;
	s6 =	stileid.u32  }
0x4: {  	s12 =	simm.s32 $0x2;
	s30 =	simm.s32 $0xC200;
	s31 =	simm.s32 $0xCA00  }
0x5: {  	s11 =	simm.s32 $0xE200;
	s13 =	simm.s32 $0xFA00;
	s14 =	simm.s32 $0x10200  }
0x6: {  	s15 =	simm.s32 $0x10A00;
	s16 =	simm.s32 $0x11200;
	s17 =	simm.s32 $0x11A00  }
0x7: {  	s18 =	simm.s32 $0x1;
	s19 =	simm.s32 $0x12200;
	s21 =	simm.s32 $0x0  }
0x8: {  	[smem:$0x7FF] =	sst s1;
	s4 =	sadd.s32 $0x1E00, s0;
	s1 =	sand.u32 $0x1, s28  }
0x9: {  	s5 =	sadd.s32 $0x81E00, s0;
	s7 =	sshll.u32 s6, $0xB;
	s6 =	sadd.s32 $0x85E00, s0  }
0xa: {  	s8 =	sadd.s32 $0x81E10, s0;
	s9 =	sadd.s32 $0x80000, s10;
	s2 =	ssub.s32 $0x2, s1  }
0xb: {  	s10 =	sadd.s32 $0x100000, s10;
	s0 =	simm.s32 $0xD200;
	s3 =	sshrl.u32 s2, $0x1  }
0xc: {  	v2 =	vlaneseq.u32;
	_ =	strace $0x80000047;
	s1 =	sshll.u32 s1, $0xA;
	s2 =	ssub.s32 s2, s3  }
0xd: {  	vm0 =	vmmov $0xffff;
	v1 =	vshrl.u32 v2, $0x3;
	s7 =	sor.u32 s1, s7;
	s1 =	simm.s32 $0xEA00;
	s29 =	smax.u32 s2, $0x1  }
0xe: {  	v0 =	vand.u32 $0x7, v2;
	v2 =	vor.u32 $0x8, v2;
	v1 =	vmul.u32 $0x8, v1;
	s3 =	simm.s32 $0xDA00;
	s2 =	simm.s32 $0xF200;
	[dreg:$0x3] =	wrdreg s29  }
.LBB2_1:
0xf: {  	[dreg:$0x4] =	wrdreg s21;
	s20 =	simm.s32 $0x0  }
.LBB2_2:
0x10: {  	s22 =	sshll.u32 s20, $0x6  }
0x11: {  	s21 =	sadd.s32 s7, s22  }
0x12: {  	s23 =	sshll.u32 s21, $0x2  }
0x13: {  	s24 =	sand.u32 $0x40, s22;
	s28 =	sand.u32 $0x1FE00, s23  }
0x14: {  	s22 =	sor.u32 s24, s28  }
0x15: {  	s25 =	sshrl.u32 s22, $0x3  }
0x16: {  	s22 =	simm.s32 $0x0;
	s26 =	sadd.s32 s5, s25  }
0x17: {  	[tilespmem:s22], [sflag:$0x2] =	stream.linear.gather [hbm4b:s26+s22], $0x40, $0x38;
	[tilespmem:$0x16200] =	vst v63  }
0x18: {  	_ =	swait.ge [sflag:s12], $0x40  }
0x19: {  	[sflag:s12] =	ssyncset.done $0x0  }
0x1a: {  	[sflag:s12] =	ssyncadd.s32 $0xFFFFFFC0  }
0x1b: {  	s26 =	sshll.u32 s21, $0x4;
	s28 =	rddreg [dreg:$0x1]  }
0x1c: {  	s29 =	simm.s32 $0x200;
	s28 =	sadd.s32 s28, s26  }
0x1d: {  	[tilespmem:s29], [sflag:$0x2] =	stream.linear.gather [hbm4b:s28+s22], $0x2000, $0x38;
	[tilespmem:$0x16200] =	vst v63  }
0x1e: {  	_ =	swait.ge [sflag:s12], $0x2000  }
0x1f: {  	[sflag:s12] =	ssyncset.done $0x0  }
0x20: {  	s25 =	sadd.s32 s25, s8;
	s29 =	simm.s32 $0x80;
	[sflag:s12] =	ssyncadd.s32 $0xFFFFE000  }
0x21: {  	[tilespmem:s29], [sflag:$0x2] =	stream.linear.gather [hbm4b:s25+s22], $0x40, $0x38;
	[tilespmem:$0x16200] =	vst v63  }
0x22: {  	_ =	swait.ge [sflag:s12], $0x40  }
0x23: {  	s23 =	sor.u32 s24, s23;
	[sflag:s12] =	ssyncset.done $0x0  }
0x24: {  	s25 =	sadd.s32 s26, s9;
	s29 =	simm.s32 $0x2200;
	[sflag:s12] =	ssyncadd.s32 $0xFFFFFFC0  }
0x25: {  	[tilespmem:s29], [sflag:$0x2] =	stream.linear.gather [hbm4b:s25+s22], $0x2000, $0x38;
	[tilespmem:$0x16200] =	vst v63  }
0x26: {  	s23 =	sshrl.u32 s23, $0x3;
	_ =	swait.ge [sflag:s12], $0x2000  }
0x27: {  	s23 =	sor.u32 $0x20, s23;
	[sflag:s12] =	ssyncset.done $0x0  }
0x28: {  	s23 =	sadd.s32 s5, s23;
	s25 =	simm.s32 $0x100;
	[sflag:s12] =	ssyncadd.s32 $0xFFFFE000  }
0x29: {  	[tilespmem:s25], [sflag:$0x2] =	stream.linear.gather [hbm4b:s23+s22], $0x40, $0x38;
	[tilespmem:$0x16200] =	vst v63  }
0x2a: {  	_ =	swait.ge [sflag:s12], $0x40  }
0x2b: {  	[sflag:s12] =	ssyncset.done $0x0  }
0x2c: {  	s28 =	sadd.s32 s26, s10;
	s23 =	simm.s32 $0x4200;
	[sflag:s12] =	ssyncadd.s32 $0xFFFFFFC0  }
0x2d: {  	[tilespmem:s23], [sflag:$0x2] =	stream.linear.gather [hbm4b:s28+s22], $0x2000, $0x38;
	[tilespmem:$0x16200] =	vst v63  }
0x2e: {  	_ =	swait.ge [sflag:s12], $0x2000  }
0x2f: {  	[sflag:s12] =	ssyncset.done $0x0  }
0x30: {  	[sflag:s12] =	ssyncadd.s32 $0xFFFFE000  }
0x31: {  	v3 =	vld [tilespmem:$0x0];
	_ =	sdelay $0x4  }
0x32: {  	v4 =	vshll.u32 v3, $0x1  }
0x33: {  	v3 =	vand.u32 $0x7, v3;
	v4 =	vand.u32 $0xFFFFFFF0, v4  }
0x34: {  	v3 =	vor.u32 v3, v4  }
0x35: {  	v4 =	vperm.xlane v3, v0;
	_ =	sdelay $0x1  }
0x36: {  	v3 =	vperm.xlane v3, v2;
	v4 =	vadd.s32 v1, v4;
	_ =	sdelay $0x1  }
0x37: {  	v3 =	vadd.s32 v1, v3;
	_ =	sdelay $0x1  }
0x38: {  	s29 =	simm.s32 $0x6200  }
0x39: {  	[tilespmem:s29], [sflag:$0x1] =	stream.indirect_vreg.gather [hbm4b:s4+s22], $0x80, v4, vm0, $0xb8;
	[tilespmem:$0x16200] =	vst v63  }
0x3a: {  	s25 =	simm.s32 $0x6A00  }
0x3b: {  	[tilespmem:s25], [sflag:$0x1] =	stream.indirect_vreg.gather [hbm4b:s4+s22], $0x80, v3, vm0, $0xb8;
	[tilespmem:$0x16200] =	vst v63  }
0x3c: {  	v3 =	vld [tilespmem:$0x10];
	_ =	sdelay $0x4  }
0x3d: {  	v4 =	vshll.u32 v3, $0x1  }
0x3e: {  	v3 =	vand.u32 $0x7, v3;
	v4 =	vand.u32 $0xFFFFFFF0, v4  }
0x3f: {  	v3 =	vor.u32 v3, v4  }
0x40: {  	v4 =	vperm.xlane v3, v0;
	_ =	sdelay $0x1  }
0x41: {  	v3 =	vperm.xlane v3, v2;
	v4 =	vadd.s32 v1, v4;
	_ =	sdelay $0x1  }
0x42: {  	v3 =	vadd.s32 v1, v3;
	_ =	sdelay $0x1  }
0x43: {  	s26 =	simm.s32 $0x7200  }
0x44: {  	[tilespmem:s26], [sflag:$0x1] =	stream.indirect_vreg.gather [hbm4b:s4+s22], $0x80, v4, vm0, $0xb8;
	[tilespmem:$0x16200] =	vst v63  }
0x45: {  	s28 =	simm.s32 $0x7A00  }
0x46: {  	[tilespmem:s28], [sflag:$0x1] =	stream.indirect_vreg.gather [hbm4b:s4+s22], $0x80, v3, vm0, $0xb8;
	[tilespmem:$0x16200] =	vst v63  }
0x47: {  	v3 =	vld [tilespmem:$0x20];
	_ =	sdelay $0x4  }
0x48: {  	v4 =	vshll.u32 v3, $0x1  }
0x49: {  	v3 =	vand.u32 $0x7, v3;
	v4 =	vand.u32 $0xFFFFFFF0, v4  }
0x4a: {  	v3 =	vor.u32 v3, v4  }
0x4b: {  	v4 =	vperm.xlane v3, v0;
	_ =	sdelay $0x1  }
0x4c: {  	v3 =	vperm.xlane v3, v2;
	v4 =	vadd.s32 v1, v4;
	_ =	sdelay $0x1  }
0x4d: {  	v3 =	vadd.s32 v1, v3;
	_ =	sdelay $0x1  }
0x4e: {  	s29 =	simm.s32 $0x8200  }
0x4f: {  	[tilespmem:s29], [sflag:$0x1] =	stream.indirect_vreg.gather [hbm4b:s4+s22], $0x80, v4, vm0, $0xb8;
	[tilespmem:$0x16200] =	vst v63  }
0x50: {  	s25 =	simm.s32 $0x8A00  }
0x51: {  	[tilespmem:s25], [sflag:$0x1] =	stream.indirect_vreg.gather [hbm4b:s4+s22], $0x80, v3, vm0, $0xb8;
	[tilespmem:$0x16200] =	vst v63  }
0x52: {  	v3 =	vld [tilespmem:$0x30];
	_ =	sdelay $0x4  }
0x53: {  	v4 =	vshll.u32 v3, $0x1  }
0x54: {  	v3 =	vand.u32 $0x7, v3;
	v4 =	vand.u32 $0xFFFFFFF0, v4  }
0x55: {  	v3 =	vor.u32 v3, v4  }
0x56: {  	v4 =	vperm.xlane v3, v0;
	_ =	sdelay $0x1  }
0x57: {  	v3 =	vperm.xlane v3, v2;
	v4 =	vadd.s32 v1, v4;
	_ =	sdelay $0x1  }
0x58: {  	v3 =	vadd.s32 v1, v3;
	_ =	sdelay $0x1  }
0x59: {  	s26 =	simm.s32 $0x9200  }
0x5a: {  	[tilespmem:s26], [sflag:$0x1] =	stream.indirect_vreg.gather [hbm4b:s4+s22], $0x80, v4, vm0, $0xb8;
	[tilespmem:$0x16200] =	vst v63  }
0x5b: {  	s28 =	simm.s32 $0x9A00  }
0x5c: {  	[tilespmem:s28], [sflag:$0x1] =	stream.indirect_vreg.gather [hbm4b:s4+s22], $0x80, v3, vm0, $0xb8;
	[tilespmem:$0x16200] =	vst v63  }
0x5d: {  	v3 =	vld [tilespmem:$0x80];
	_ =	sdelay $0x4  }
0x5e: {  	v4 =	vshll.u32 v3, $0x1  }
0x5f: {  	v3 =	vand.u32 $0x7, v3;
	v4 =	vand.u32 $0xFFFFFFF0, v4  }
0x60: {  	v3 =	vor.u32 v3, v4  }
0x61: {  	v4 =	vperm.xlane v3, v0;
	_ =	sdelay $0x1  }
0x62: {  	v3 =	vperm.xlane v3, v2;
	v4 =	vadd.s32 v1, v4;
	_ =	sdelay $0x1  }
0x63: {  	v3 =	vadd.s32 v1, v3;
	_ =	sdelay $0x1  }
0x64: {  	s29 =	simm.s32 $0xA200  }
0x65: {  	[tilespmem:s29], [sflag:$0x1] =	stream.indirect_vreg.gather [hbm4b:s4+s22], $0x80, v4, vm0, $0xb8;
	[tilespmem:$0x16200] =	vst v63  }
0x66: {  	s25 =	simm.s32 $0xAA00  }
0x67: {  	[tilespmem:s25], [sflag:$0x1] =	stream.indirect_vreg.gather [hbm4b:s4+s22], $0x80, v3, vm0, $0xb8;
	[tilespmem:$0x16200] =	vst v63  }
0x68: {  	v3 =	vld [tilespmem:$0x90];
	_ =	sdelay $0x4  }
0x69: {  	v4 =	vshll.u32 v3, $0x1  }
0x6a: {  	v3 =	vand.u32 $0x7, v3;
	v4 =	vand.u32 $0xFFFFFFF0, v4  }
0x6b: {  	v3 =	vor.u32 v3, v4  }
0x6c: {  	v4 =	vperm.xlane v3, v0;
	_ =	sdelay $0x1  }
0x6d: {  	v3 =	vperm.xlane v3, v2;
	v4 =	vadd.s32 v1, v4;
	_ =	sdelay $0x1  }
0x6e: {  	v3 =	vadd.s32 v1, v3;
	_ =	sdelay $0x1  }
0x6f: {  	s26 =	simm.s32 $0xB200  }
0x70: {  	[tilespmem:s26], [sflag:$0x1] =	stream.indirect_vreg.gather [hbm4b:s4+s22], $0x80, v4, vm0, $0xb8;
	[tilespmem:$0x16200] =	vst v63  }
0x71: {  	s28 =	simm.s32 $0xBA00  }
0x72: {  	[tilespmem:s28], [sflag:$0x1] =	stream.indirect_vreg.gather [hbm4b:s4+s22], $0x80, v3, vm0, $0xb8;
	[tilespmem:$0x16200] =	vst v63  }
0x73: {  	v3 =	vld [tilespmem:$0xA0];
	_ =	sdelay $0x4  }
0x74: {  	v4 =	vshll.u32 v3, $0x1  }
0x75: {  	v3 =	vand.u32 $0x7, v3;
	v4 =	vand.u32 $0xFFFFFFF0, v4  }
0x76: {  	v3 =	vor.u32 v3, v4  }
0x77: {  	v4 =	vperm.xlane v3, v0;
	_ =	sdelay $0x1  }
0x78: {  	v3 =	vperm.xlane v3, v2;
	v4 =	vadd.s32 v1, v4;
	_ =	sdelay $0x1  }
0x79: {  	v3 =	vadd.s32 v1, v3;
	_ =	sdelay $0x2  }
0x7a: {  	[tilespmem:s30], [sflag:$0x1] =	stream.indirect_vreg.gather [hbm4b:s4+s22], $0x80, v4, vm0, $0xb8;
	[tilespmem:$0x16200] =	vst v63  }
0x7b: {  	_ = 	snop  }
0x7c: {  	[tilespmem:s31], [sflag:$0x1] =	stream.indirect_vreg.gather [hbm4b:s4+s22], $0x80, v3, vm0, $0xb8;
	[tilespmem:$0x16200] =	vst v63  }
0x7d: {  	v3 =	vld [tilespmem:$0xB0];
	_ =	sdelay $0x4  }
0x7e: {  	v4 =	vshll.u32 v3, $0x1  }
0x7f: {  	v3 =	vand.u32 $0x7, v3;
	v4 =	vand.u32 $0xFFFFFFF0, v4  }
0x80: {  	v3 =	vor.u32 v3, v4  }
0x81: {  	v4 =	vperm.xlane v3, v0;
	_ =	sdelay $0x1  }
0x82: {  	v3 =	vperm.xlane v3, v2;
	v4 =	vadd.s32 v1, v4;
	_ =	sdelay $0x1  }
0x83: {  	v3 =	vadd.s32 v1, v3;
	_ =	sdelay $0x2  }
0x84: {  	[tilespmem:s0], [sflag:$0x1] =	stream.indirect_vreg.gather [hbm4b:s4+s22], $0x80, v4, vm0, $0xb8;
	[tilespmem:$0x16200] =	vst v63  }
0x85: {  	_ = 	snop  }
0x86: {  	[tilespmem:s3], [sflag:$0x1] =	stream.indirect_vreg.gather [hbm4b:s4+s22], $0x80, v3, vm0, $0xb8;
	[tilespmem:$0x16200] =	vst v63  }
0x87: {  	v3 =	vld [tilespmem:$0x100];
	_ =	sdelay $0x4  }
0x88: {  	v4 =	vshll.u32 v3, $0x1  }
0x89: {  	v3 =	vand.u32 $0x7, v3;
	v4 =	vand.u32 $0xFFFFFFF0, v4  }
0x8a: {  	v3 =	vor.u32 v3, v4  }
0x8b: {  	v4 =	vperm.xlane v3, v0;
	_ =	sdelay $0x1  }
0x8c: {  	v3 =	vperm.xlane v3, v2;
	v4 =	vadd.s32 v1, v4;
	_ =	sdelay $0x1  }
0x8d: {  	v3 =	vadd.s32 v1, v3;
	_ =	sdelay $0x2  }
0x8e: {  	[tilespmem:s11], [sflag:$0x1] =	stream.indirect_vreg.gather [hbm4b:s4+s22], $0x80, v4, vm0, $0xb8;
	[tilespmem:$0x16200] =	vst v63  }
0x8f: {  	_ = 	snop  }
0x90: {  	[tilespmem:s1], [sflag:$0x1] =	stream.indirect_vreg.gather [hbm4b:s4+s22], $0x80, v3, vm0, $0xb8;
	[tilespmem:$0x16200] =	vst v63  }
0x91: {  	v3 =	vld [tilespmem:$0x110];
	_ =	sdelay $0x4  }
0x92: {  	v4 =	vshll.u32 v3, $0x1  }
0x93: {  	v3 =	vand.u32 $0x7, v3;
	v4 =	vand.u32 $0xFFFFFFF0, v4  }
0x94: {  	v3 =	vor.u32 v3, v4  }
0x95: {  	v4 =	vperm.xlane v3, v0;
	_ =	sdelay $0x1  }
0x96: {  	v3 =	vperm.xlane v3, v2;
	v4 =	vadd.s32 v1, v4;
	_ =	sdelay $0x1  }
0x97: {  	v3 =	vadd.s32 v1, v3;
	_ =	sdelay $0x2  }
0x98: {  	[tilespmem:s2], [sflag:$0x1] =	stream.indirect_vreg.gather [hbm4b:s4+s22], $0x80, v4, vm0, $0xb8;
	[tilespmem:$0x16200] =	vst v63  }
0x99: {  	_ = 	snop  }
0x9a: {  	[tilespmem:s13], [sflag:$0x1] =	stream.indirect_vreg.gather [hbm4b:s4+s22], $0x80, v3, vm0, $0xb8;
	[tilespmem:$0x16200] =	vst v63  }
0x9b: {  	v3 =	vld [tilespmem:$0x120];
	_ =	sdelay $0x4  }
0x9c: {  	v4 =	vshll.u32 v3, $0x1  }
0x9d: {  	v3 =	vand.u32 $0x7, v3;
	v4 =	vand.u32 $0xFFFFFFF0, v4  }
0x9e: {  	v3 =	vor.u32 v3, v4  }
0x9f: {  	v4 =	vperm.xlane v3, v0;
	_ =	sdelay $0x1  }
0xa0: {  	v3 =	vperm.xlane v3, v2;
	v4 =	vadd.s32 v1, v4;
	_ =	sdelay $0x1  }
0xa1: {  	v3 =	vadd.s32 v1, v3;
	_ =	sdelay $0x2  }
0xa2: {  	[tilespmem:s14], [sflag:$0x1] =	stream.indirect_vreg.gather [hbm4b:s4+s22], $0x80, v4, vm0, $0xb8;
	[tilespmem:$0x16200] =	vst v63  }
0xa3: {  	_ = 	snop  }
0xa4: {  	[tilespmem:s15], [sflag:$0x1] =	stream.indirect_vreg.gather [hbm4b:s4+s22], $0x80, v3, vm0, $0xb8;
	[tilespmem:$0x16200] =	vst v63  }
0xa5: {  	v3 =	vld [tilespmem:$0x130];
	_ =	sdelay $0x4  }
0xa6: {  	v4 =	vshll.u32 v3, $0x1  }
0xa7: {  	v3 =	vand.u32 $0x7, v3;
	v4 =	vand.u32 $0xFFFFFFF0, v4  }
0xa8: {  	v3 =	vor.u32 v3, v4  }
0xa9: {  	v4 =	vperm.xlane v3, v0;
	_ =	sdelay $0x1  }
0xaa: {  	v3 =	vperm.xlane v3, v2;
	v4 =	vadd.s32 v1, v4;
	_ =	sdelay $0x1  }
0xab: {  	v3 =	vadd.s32 v1, v3;
	_ =	sdelay $0x2  }
0xac: {  	[tilespmem:s16], [sflag:$0x1] =	stream.indirect_vreg.gather [hbm4b:s4+s22], $0x80, v4, vm0, $0xb8;
	[tilespmem:$0x16200] =	vst v63  }
0xad: {  	_ = 	snop  }
0xae: {  	[tilespmem:s17], [sflag:$0x1] =	stream.indirect_vreg.gather [hbm4b:s4+s22], $0x80, v3, vm0, $0xb8;
	[tilespmem:$0x16200] =	vst v63  }
0xaf: {  	_ =	swait.ge [sflag:s18], $0x4000  }
0xb0: {  	[sflag:s18] =	ssyncset.done $0x0  }
0xb1: {  	[sflag:s18] =	ssyncadd.s32 $0xFFFFC000  }
0xb2: {  	_ =	swait.ge [sflag:s18], $0x4000  }
0xb3: {  	[sflag:s18] =	ssyncset.done $0x0  }
0xb4: {  	[sflag:s18] =	ssyncadd.s32 $0xFFFFC000  }
0xb5: {  	_ =	swait.ge [sflag:s18], $0x4000  }
0xb6: {  	s29 =	sand.u32 $0x3800, s22;
	s22 =	sand.u32 $0x380, s22;
	[sflag:s18] =	ssyncset.done $0x0  }
0xb7: {  	s22 =	sor.u32 s22, s29;
	[sflag:s18] =	ssyncadd.s32 $0xFFFFC000  }
0xb8: {  	v11 =	vld [tilespmem:s22+$0xE240]  }
0xb9: {  	v12 =	vld [tilespmem:s22+$0xE230]  }
0xba: {  	v15 =	vld [tilespmem:s22+$0xE210]  }
0xbb: {  	v14 =	vld [tilespmem:s22+$0xE200]  }
0xbc: {  	v6 =	vld [tilespmem:s22+$0xA670]  }
0xbd: {  	v13 =	vld [tilespmem:s22+$0x6670]  }
0xbe: {  	v31 =	vld [tilespmem:s22+$0xE600]  }
0xbf: {  	v5 =	vld [tilespmem:s22+$0xA660]  }
0xc0: {  	v7 =	vld [tilespmem:s22+$0xA600]  }
0xc1: {  	v8 =	vld [tilespmem:s22+$0xA260]  }
0xc2: {  	v16 =	vld [tilespmem:s22+$0x6660]  }
0xc3: {  	v10 =	vld [tilespmem:s22+$0xA650]  }
0xc4: {  	v17 =	vld [tilespmem:s22+$0xA270]  }
0xc5: {  	v18 =	vld [tilespmem:s22+$0x6650]  }
0xc6: {  	v21 =	vld [tilespmem:s22+$0xE270]  }
0xc7: {  	v3 =	vld [tilespmem:s23+$0xFFFFC000]  }
0xc8: {  	v19 =	vld [tilespmem:s22+$0xA640]  }
0xc9: {  	v20 =	vld [tilespmem:s22+$0x6270]  }
0xca: {  	v4 =	vld [tilespmem:s23+$0xFFFFE000]  }
0xcb: {  	v22 =	vld [tilespmem:s22+$0x6600]  }
0xcc: {  	v23 =	vld [tilespmem:s22+$0xA620]  }
0xcd: {  	v24 =	vld [tilespmem:s22+$0x6640]  }
0xce: {  	v25 =	vld [tilespmem:s22+$0x6630]  }
0xcf: {  	v26 =	vld [tilespmem:s22+$0xA240]  }
0xd0: {  	v27 =	vld [tilespmem:s22+$0x6620]  }
0xd1: {  	v28 =	vld [tilespmem:s22+$0x6240]  }
0xd2: {  	v9 =	vld [tilespmem:s22+$0xE620]  }
0xd3: {  	v29 =	vld [tilespmem:s22+$0xA230];
	v20 =	vmul.f32 v20, v3  }
0xd4: {  	v30 =	vld [tilespmem:s22+$0x6230];
	v33 =	vmul.f32 v19, v4;
	v35 =	vmul.f32 v5, v4  }
0xd5: {  	v32 =	vld [tilespmem:s22+$0xA220];
	v36 =	vmul.f32 v8, v4;
	v22 =	vmul.f32 v22, v3  }
0xd6: {  	v37 =	vld [tilespmem:s22+$0xA210];
	v17 =	vmul.f32 v17, v4;
	v38 =	vmul.f32 v7, v4  }
0xd7: {  	v39 =	vld [tilespmem:s22+$0x6210];
	v5 =	vmul.f32 v10, v4;
	v8 =	vmul.f32 v6, v4  }
0xd8: {  	v58 =	vld [tilespmem:s22+$0xA630];
	v40 =	vmul.f32 v25, v3;
	v26 =	vmul.f32 v26, v4  }
0xd9: {  	v19 =	vld [tilespmem:s22+$0x6220];
	v10 =	vmul.f32 v23, v4;
	v27 =	vmul.f32 v27, v3  }
0xda: {  	v25 =	vld [tilespmem:s22+$0xA200];
	v24 =	vmul.f32 v24, v3;
	v28 =	vmul.f32 v28, v3  }
0xdb: {  	v23 =	vld [tilespmem:s22+$0x6200];
	v6 =	vmul.f32 v18, v3;
	v29 =	vmul.f32 v29, v4  }
0xdc: {  	v7 =	vld [tilespmem:s23+$0x0];
	v30 =	vmul.f32 v30, v3;
	v32 =	vmul.f32 v32, v4  }
0xdd: {  	v41 =	vld [tilespmem:s22+$0xA250];
	v13 =	vmul.f32 v13, v3;
	v55 =	vmul.f32 v39, v3  }
0xde: {  	v57 =	vld [tilespmem:s22+$0xE220];
	v63 =	vmul.f32 v58, v4;
	v10 =	vadd.f32 v10, v27;
	v27 =	vmul.f32 v16, v3  }
0xdf: {  	v18 =	vld [tilespmem:s22+$0x6250];
	v16 =	vmul.f32 v37, v4;
	v29 =	vadd.f32 v29, v30;
	v56 =	vadd.f32 v17, v20  }
0xe0: {  	v34 =	vld [tilespmem:s22+$0xE660];
	v24 =	vadd.f32 v33, v24;
	v43 =	vmul.f32 v19, v3;
	v25 =	vmul.f32 v25, v4  }
0xe1: {  	v42 =	vld [tilespmem:s22+$0x6260];
	v19 =	vadd.f32 v38, v22;
	v23 =	vmul.f32 v23, v3;
	v17 =	vmul.f32 v14, v7  }
0xe2: {  	v59 =	vld [tilespmem:s22+$0xE630];
	v14 =	vadd.f32 v16, v55;
	v12 =	vmul.f32 v12, v7;
	v16 =	vmul.f32 v15, v7  }
0xe3: {  	v30 =	vld [tilespmem:s22+$0xE260];
	v15 =	vadd.f32 v35, v27;
	v60 =	vmul.f32 v57, v7;
	v20 =	vadd.f32 v25, v23  }
0xe4: {  	v22 =	vld [tilespmem:s22+$0xE250];
	v23 =	vadd.f32 v26, v28;
	v26 =	vmul.f32 v18, v3;
	v28 =	vmul.f32 v41, v4  }
0xe5: {  	v44 =	vld [tilespmem:s22+$0xE610];
	v61 =	vmul.f32 v21, v7;
	v33 =	vmul.f32 v31, v7;
	v12 =	vadd.f32 v12, v29  }
0xe6: {  	v29 =	vmul.f32 v42, v3;
	v18 =	vld [tilespmem:s22+$0xE650];
	v27 =	vadd.f32 v28, v26;
	v26 =	vmul.f32 v11, v7  }
0xe7: {  	v31 =	vadd.f32 v63, v40;
	v25 =	vmul.f32 v34, v7;
	v32 =	vadd.f32 v32, v43;
	v11 =	vld [tilespmem:s22+$0xE640]  }
0xe8: {  	v30 =	vmul.f32 v30, v7;
	[tilespmem:s22+$0x12230] =	vst v12;
	v12 =	vadd.f32 v36, v29;
	v28 =	vld [tilespmem:s22+$0xE670];
	v62 =	vadd.f32 v26, v23  }
0xe9: {  	v21 =	vadd.f32 v60, v32;
	v32 =	vmul.f32 v59, v7;
	v29 =	vmul.f32 v22, v7;
	v26 =	vld [tilespmem:s22+$0x6610]  }
0xea: {  	s24 =	simm.s32 $0x4280;
	s25 =	simm.s32 $0x80;
	s23 =	simm.s32 $0x100;
	v22 =	vmul.f32 v44, v7;
	v30 =	vadd.f32 v30, v12;
	v23 =	vadd.f32 v61, v56;
	v12 =	vld [tilespmem:s22+$0xA610];
	[tilespmem:s22+$0x12240] =	vst v62  }
.LBB2_3:
0xeb: {  	s26 =	smov.u32 s25  }
0xec: {  	s28 =	sand.u32 $0x3800, s23;
	s29 =	sand.u32 $0x380, s25;
	v27 =	vadd.f32 v29, v27;
	[tilespmem:s22+$0x12260] =	vst v30;
	v9 =	vmul.f32 v9, v7;
	v25 =	vadd.f32 v25, v15;
	s26 =	sadd.s32 $0x80, s25  }
0xed: {  	p0 =	sne.s32 s25, $0x1F80;
	s28 =	sor.u32 s29, s28;
	v19 =	vadd.f32 v33, v19;
	v29 =	vadd.f32 v32, v31;
	v30 =	vmul.f32 v11, v7  }
0xee: {  	v8 =	vadd.f32 v8, v13;
	v9 =	vadd.f32 v9, v10;
	v10 =	vmul.f32 v28, v7;
	v11 =	vld [tilespmem:s28+$0xE240];
	[tilespmem:s22+$0x12250] =	vst v27  }
0xef: {  	v13 =	vadd.f32 v17, v20;
	v3 =	vmul.f32 v26, v3;
	v17 =	vadd.f32 v30, v24;
	v15 =	vld [tilespmem:s28+$0xE230];
	[tilespmem:s22+$0x12600] =	vst v19  }
0xf0: {  	v14 =	vadd.f32 v16, v14;
	v4 =	vmul.f32 v12, v4;
	v8 =	vadd.f32 v10, v8;
	v20 =	vld [tilespmem:s28+$0xE210];
	[tilespmem:s22+$0x12620] =	vst v9  }
0xf1: {  	v16 =	vld [tilespmem:s28+$0xE200];
	[tilespmem:s22+$0x12640] =	vst v17  }
0xf2: {  	v3 =	vadd.f32 v4, v3;
	v10 =	vld [tilespmem:s28+$0xA670];
	[tilespmem:s22+$0x12670] =	vst v8  }
0xf3: {  	v17 =	vld [tilespmem:s28+$0x6670];
	[tilespmem:s22+$0x12630] =	vst v29  }
0xf4: {  	v12 =	vld [tilespmem:s28+$0xE600];
	[tilespmem:s22+$0x12660] =	vst v25  }
0xf5: {  	v8 =	vld [tilespmem:s28+$0xA660];
	[tilespmem:s22+$0x12200] =	vst v13  }
0xf6: {  	v9 =	vld [tilespmem:s28+$0xA600];
	[tilespmem:s22+$0x12210] =	vst v14  }
0xf7: {  	v4 =	vadd.f32 v5, v6;
	v5 =	vmul.f32 v18, v7;
	v13 =	vld [tilespmem:s28+$0xA260]  }
0xf8: {  	v7 =	vld [tilespmem:s28+$0x6660]  }
0xf9: {  	v4 =	vadd.f32 v5, v4;
	v6 =	vld [tilespmem:s28+$0xA650];
	[tilespmem:s22+$0x12270] =	vst v23  }
0xfa: {  	v3 =	vadd.f32 v22, v3;
	v5 =	vld [tilespmem:s28+$0xA270];
	[tilespmem:s22+$0x12220] =	vst v21  }
0xfb: {  	v14 =	vld [tilespmem:s28+$0x6650];
	[tilespmem:s22+$0x12650] =	vst v4  }
0xfc: {  	v21 =	vld [tilespmem:s28+$0xE270];
	[tilespmem:s22+$0x12610] =	vst v3;
	s22 =	smov.u32 s28  }
0xfd: {  	v3 =	vld [tilespmem:s24+$0xFFFFC000]  }
0xfe: {  	v18 =	vld [tilespmem:s22+$0xA640]  }
0xff: {  	v19 =	vld [tilespmem:s22+$0x6270]  }
0x100: {  	v4 =	vld [tilespmem:s24+$0xFFFFE000]  }
0x101: {  	v22 =	vld [tilespmem:s22+$0x6600]  }
0x102: {  	v23 =	vld [tilespmem:s22+$0xA620]  }
0x103: {  	v24 =	vld [tilespmem:s22+$0x6640]  }
0x104: {  	v25 =	vmul.f32 v19, v3;
	v19 =	vld [tilespmem:s22+$0x6630]  }
0x105: {  	v26 =	vld [tilespmem:s22+$0xA240];
	v18 =	vmul.f32 v18, v4;
	v27 =	vmul.f32 v8, v4  }
0x106: {  	v28 =	vmul.f32 v13, v4;
	v22 =	vmul.f32 v22, v3;
	v13 =	vld [tilespmem:s22+$0x6620]  }
0x107: {  	v30 =	vmul.f32 v5, v4;
	v31 =	vmul.f32 v9, v4;
	v29 =	vld [tilespmem:s22+$0x6240]  }
0x108: {  	v5 =	vmul.f32 v6, v4;
	v8 =	vmul.f32 v10, v4;
	v9 =	vld [tilespmem:s22+$0xE620]  }
0x109: {  	v32 =	vld [tilespmem:s22+$0xA230];
	v34 =	vmul.f32 v19, v3  }
0x10a: {  	v6 =	vmul.f32 v23, v4;
	v19 =	vld [tilespmem:s22+$0x6230];
	v26 =	vmul.f32 v26, v4  }
0x10b: {  	v24 =	vmul.f32 v24, v3;
	v23 =	vld [tilespmem:s22+$0xA220];
	v10 =	vmul.f32 v13, v3  }
0x10c: {  	v29 =	vmul.f32 v29, v3;
	v33 =	vld [tilespmem:s22+$0xE660]  }
0x10d: {  	v35 =	vld [tilespmem:s22+$0x6220];
	v10 =	vadd.f32 v6, v10;
	v6 =	vmul.f32 v14, v3  }
0x10e: {  	v14 =	vld [tilespmem:s22+$0xA210];
	v32 =	vmul.f32 v32, v4  }
0x10f: {  	v38 =	vmul.f32 v7, v3;
	v36 =	vld [tilespmem:s22+$0x6210];
	v37 =	vmul.f32 v19, v3  }
0x110: {  	v19 =	vld [tilespmem:s22+$0xA200];
	v23 =	vmul.f32 v23, v4  }
0x111: {  	v13 =	vmul.f32 v17, v3;
	v39 =	vld [tilespmem:s22+$0x6200]  }
0x112: {  	v7 =	vld [tilespmem:s24+$0x0];
	v35 =	vmul.f32 v35, v3  }
0x113: {  	v14 =	vmul.f32 v14, v4;
	v40 =	vld [tilespmem:s22+$0x6250]  }
0x114: {  	v36 =	vmul.f32 v36, v3;
	v41 =	vld [tilespmem:s22+$0xA250]  }
0x115: {  	v42 =	vmul.f32 v19, v4;
	v43 =	vld [tilespmem:s22+$0x6260];
	v19 =	vadd.f32 v31, v22  }
0x116: {  	v31 =	vadd.f32 v32, v37;
	v37 =	vadd.f32 v30, v25;
	v22 =	vmul.f32 v39, v3;
	v32 =	vld [tilespmem:s22+$0xE250]  }
0x117: {  	v14 =	vadd.f32 v14, v36;
	v17 =	vmul.f32 v16, v7;
	v16 =	vmul.f32 v20, v7;
	v30 =	vld [tilespmem:s22+$0xE260]  }
0x118: {  	v26 =	vadd.f32 v26, v29;
	v20 =	vadd.f32 v42, v22;
	v22 =	vld [tilespmem:s22+$0xE220];
	v29 =	vmul.f32 v40, v3  }
0x119: {  	v24 =	vadd.f32 v18, v24;
	v36 =	vmul.f32 v15, v7;
	v39 =	vmul.f32 v41, v4;
	v40 =	vld [tilespmem:s22+$0xA630]  }
0x11a: {  	v15 =	vadd.f32 v27, v38;
	v25 =	vmul.f32 v33, v7;
	v18 =	vmul.f32 v43, v3;
	v41 =	vld [tilespmem:s22+$0xE610]  }
0x11b: {  	v31 =	vadd.f32 v36, v31;
	v27 =	vadd.f32 v39, v29;
	v29 =	vmul.f32 v32, v7;
	v32 =	vld [tilespmem:s22+$0xE630]  }
.Ltmp0:
0x11c: {  	v33 =	vmul.f32 v11, v7;
	v28 =	vadd.f32 v28, v18;
	v30 =	vmul.f32 v30, v7;
	v18 =	vld [tilespmem:s22+$0xE650];
	(pc) =	sbr.rel @p0 .LBB2_3-.Ltmp0, $4  }
0x11d: {  	v23 =	vadd.f32 v23, v35;
	v22 =	vmul.f32 v22, v7;
	[tilespmem:s22+$0x12230] =	vst v31;
	v31 =	vmul.f32 v21, v7;
	v11 =	vld [tilespmem:s22+$0xE640]  }
0x11e: {  	v33 =	vadd.f32 v33, v26;
	v30 =	vadd.f32 v30, v28;
	v35 =	vmul.f32 v40, v4;
	v28 =	vld [tilespmem:s22+$0xE670]  }
0x11f: {  	v21 =	vadd.f32 v22, v23;
	v23 =	vadd.f32 v31, v37;
	v26 =	vld [tilespmem:s22+$0x6610];
	v22 =	vmul.f32 v41, v7  }
0x120: {  	s23 =	sadd.s32 $0x100, s23;
	s25 =	smov.u32 s26;
	s24 =	sadd.s32 $0x80, s24;
	[tilespmem:s22+$0x12240] =	vst v33;
	v33 =	vmul.f32 v12, v7;
	v12 =	vld [tilespmem:s22+$0xA610];
	v31 =	vadd.f32 v35, v34;
	v32 =	vmul.f32 v32, v7  }
0x121: {  	[tilespmem:s22+$0x12260] =	vst v30  }
0x122: {  	v27 =	vadd.f32 v29, v27;
	[tilespmem:s22+$0x12270] =	vst v23  }
0x123: {  	v59 =	vadd.f32 v25, v15;
	[tilespmem:s22+$0x12220] =	vst v21  }
0x124: {  	v60 =	vadd.f32 v17, v20;
	[tilespmem:s22+$0x12250] =	vst v27  }
0x125: {  	v61 =	vadd.f32 v16, v14;
	[tilespmem:s22+$0x12660] =	vst v59  }
0x126: {  	v9 =	vmul.f32 v9, v7;
	v5 =	vadd.f32 v5, v6;
	v19 =	vadd.f32 v33, v19;
	[tilespmem:s22+$0x12200] =	vst v60  }
0x127: {  	v62 =	vmul.f32 v18, v7;
	v11 =	vmul.f32 v11, v7;
	v58 =	vadd.f32 v32, v31;
	[tilespmem:s22+$0x12210] =	vst v61  }
0x128: {  	v9 =	vadd.f32 v9, v10;
	[tilespmem:s22+$0x12600] =	vst v19;
	v3 =	vmul.f32 v26, v3;
	v4 =	vmul.f32 v12, v4  }
0x129: {  	v8 =	vadd.f32 v8, v13;
	v57 =	vmul.f32 v28, v7;
	v63 =	vadd.f32 v62, v5;
	[tilespmem:s22+$0x12630] =	vst v58  }
0x12a: {  	v11 =	vadd.f32 v11, v24;
	[tilespmem:s22+$0x12620] =	vst v9;
	v3 =	vadd.f32 v4, v3  }
0x12b: {  	v8 =	vadd.f32 v57, v8;
	[tilespmem:s22+$0x12650] =	vst v63  }
0x12c: {  	s20 =	sadd.s32 $0x1, s20;
	[tilespmem:s22+$0x12640] =	vst v11;
	v3 =	vadd.f32 v22, v3  }
0x12d: {  	s21 =	sshll.u32 s21, $0x5;
	p0 =	sne.s32 s20, $0x10;
	[tilespmem:s22+$0x12670] =	vst v8  }
.Ltmp1:
0x12e: {  	s29 =	simm.s32 $0x0;
	s21 =	sadd.s32 s6, s21;
	[tilespmem:s22+$0x12610] =	vst v3;
	(pc) =	sbr.rel @p0 .LBB2_2-.Ltmp1, $4  }
0x12f: {  	[hbm4b:s21+s29] =	stream.linear.scatter [tilespmem:s19], [sflag:$0x2], $0x4000, $0x38;
	[tilespmem:$0x16200] =	vst v63  }
0x130: {  	_ =	swait.ge [sflag:s12], $0x4000  }
0x131: {  	[sflag:s12] =	ssyncset.done $0x0  }
0x132: {  	[sflag:s12] =	ssyncadd.s32 $0xFFFFC000  }
0x133: {  	s21 =	rddreg [dreg:$0x4]  }
0x134: {  	s20 =	rddreg [dreg:$0x3];
	s21 =	sadd.s32 $0x1, s21  }
0x135: {  	p0 =	sne.s32 s21, s20  }
.Ltmp2:
0x136: {  	_ = 	snop;
	(pc) =	sbr.rel @p0 .LBB2_1-.Ltmp2, $1  }
0x137: {  	_ =	sdelay $0x3  }
0x138: {  	_ =	sfence.sel $0x180000  }
0x139: {  	[bflag:$0x0] =	sbarrier.arrive $0xFFFF  }
0x13a: {  	_ =	strace $0x90000047  }
0x13b: {  	s0 =	stileid.u32;
	[bflag:$0x2] =	sbarrier.arrive $0xFFFF  }
0x13c: {  	p0 =	sne.s32 s0, $0x0;
	s0 =	rddreg [dreg:$0x2]  }
0x13d: {  	s0 =	sadd.s32 @!p0 $0x100000, s0  }
0x13e: {  	[sflag:s0] =	ssyncadd.tile.s32 @!p0 $0x1;
	_ =	shalt  }
.Lfunc_end2:
_tile_overlayer_lowered:
.L_overlay_start_2:
0x13f: {  	(tag) =	ssettag $0x2  }
0x140: {  	s0 =	rddreg [dreg:$0x0];
	s2 =	stileid.u32  }
0x141: {  	s1 =	rddreg [dreg:$0x1];
	p0 =	sne.s32 s2, $0x0  }
0x142: {  	s3 =	rddreg [dreg:$0x2];
	[bflag:$0x3] =	sbarrier.arrive $0xFFFF;
	s2 =	simm.s32 @!p0 $0x1C02  }
0x143: {  	[timem:s3], [sflag:s2] =	dma.local @!p0 [hbm:s0], s1  }
0x144: {  	s0 =	simm.s32 @!p0 $0x2  }
0x145: {  	_ =	swait.ge @!p0 [sflag:s0], s1  }
0x146: {  	s1 =	ssub.s32 @!p0 $0x0, s1;
	[sflag:s0] =	ssyncset.done @!p0 $0x0  }
0x147: {  	[sflag:s0] =	ssyncadd.s32 @!p0 s1  }
0x148: {  	[bflag:$0x3] =	sbarrier.arrive $0xFFFF  }
0x149: {  	_ =	shalt  }

// kernel: kernel.8.cloned.1.call-start
scs
__scs_entry_jumppad:
0x0: {  	(pc) =	sbr.rel $0x88, $3  }
0x1: {  	(tag) =	ssettag $0x0;
	lr =	simm.s32 $0x1  }
0x2: {  	[smem:$0x3F97] =	sst lr;
	_ =	strace $0xD0000000  }
0x3: {  	_ = 	snop  }
0x4: {  	_ = 	snop  }
0x5: {  	_ = 	snop  }
0x6: {  	_ = 	snop  }
0x7: {  	_ = 	snop  }
__scs_overlays_trampoline_lowered:
0x8: {  	[smem:$0x3FA6] =	sst s0  }
0x9: {  	[smem:$0x3FA7] =	sst s1  }
0xa: {  	[smem:$0x3FA8] =	sst s2  }
0xb: {  	[smem:$0x3FA9] =	sst s3  }
0xc: {  	[smem:$0x3FAA] =	sst s4  }
0xd: {  	[smem:$0x3FAB] =	sst s5  }
0xe: {  	[smem:$0x3FAC] =	sst s6  }
0xf: {  	[smem:$0x3FAD] =	sst s7  }
0x10: {  	[smem:$0x3FAE] =	sst s8  }
0x11: {  	[smem:$0x3FAF] =	sst s9;
	s0 =	simm.s32 @!p0 $0x0  }
0x12: {  	s1 =	sld [smem:$0x3F95];
	s0 =	simm.s32 @p0 $0x1  }
0x13: {  	[smem:$0x3FB0] =	sst s0;
	s0 =	simm.s32 @!p1 $0x0  }
0x14: {  	s2 =	sld [smem:$0x3F94];
	s0 =	simm.s32 @p1 $0x1  }
0x15: {  	[smem:$0x3FB1] =	sst s0;
	s0 =	simm.s32 @!p2 $0x0  }
0x16: {  	s3 =	sld [smem:$0x3FDB];
	s0 =	simm.s32 @p2 $0x1  }
0x17: {  	s4 =	simm.s32 $0x1BF5;
	[smem:$0x3FB3] =	sst s0  }
0x18: {  	s0 =	sld [smem:$0x3F96];
	_ =	swait.ge [sflag:s4], $0x0  }
0x19: {  	s7 =	sld [smem:$0x3F97]  }
0x1a: {  	s8 =	sadd.s32 $0xFFFFE003, lr  }
0x1b: {  	s9 =	sadd.s32 $0xFFFFFEF7, lr;
	s5 =	simm.s32 $0xFFFFFFFF;
	p2 =	slt.u32 s8, $0xFFFFF086  }
0x1c: {  	p1 =	slt.u32 s9, $0xF7A;
	s5 =	simm.s32 @!p2 $0x0  }
0x1d: {  	s5 =	simm.s32 @p1 $0x1;
	p0 =	seq.s32 s7, s2  }
0x1e: {  	s7 =	smul.u32 @!p0 $0xF7A, s2;
	p2 =	seq.s32 @!p0 s5, $0x0  }
0x1f: {  	s9 =	smul.u32 $0xF7A, s1;
	s8 =	simm.s32 @!p0 $0x1BF5;
	p2 =	por !p2, p0  }
0x20: {  	[sflag:s8] =	ssyncset.s32 @!p0 $0xFFFFF086;
	s6 =	sadd.s32 @!p0 s3, s7;
	s7 =	simm.s32 @!p0 $0x108  }
0x21: {  	s3 =	sadd.s32 s3, s9;
	s6 =	sadd.s32 @!p0 $0x88, s6;
	s7 =	simm.s32 @p2 $0x1082  }
0x22: {  	[simem:s7], [sflag:s8] =	dma.local @!p0 [hbm:s6], $0xF7A  }
0x23: {  	s9 =	sor.u32 $0xD0000000, s2;
	s6 =	simm.s32 $0x108;
	_ =	swait.ge @!p0 [sflag:s8], $0x0  }
0x24: {  	s3 =	sadd.s32 $0x88, s3;
	s6 =	simm.s32 @!p1 $0x1082;
	[sflag:s4] =	ssyncset.s32 $0xFFFFF086  }
0x25: {  	[simem:s6], [sflag:s4] =	dma.local [hbm:s3], $0xF7A  }
0x26: {  	[smem:$0x3F97] =	sst s1;
	(tag) =	ssettag s2;
	_ =	strace s9  }
0x27: {  	s1 =	sld [smem:$0x3FA7]  }
0x28: {  	s2 =	sld [smem:$0x3FA8]  }
0x29: {  	s4 =	sld [smem:$0x3FAA]  }
0x2a: {  	p0 =	seq.s32 s5, $0x0;
	s5 =	sld [smem:$0x3FAB]  }
0x2b: {  	s6 =	sld [smem:$0x3FAC]  }
0x2c: {  	s7 =	sld [smem:$0x3FAD]  }
0x2d: {  	s3 =	simm.s32 $0x108;
	s8 =	sld [smem:$0x3FAE]  }
0x2e: {  	s3 =	simm.s32 @!p0 $0x1082;
	s9 =	sld [smem:$0x3FAF]  }
0x2f: {  	lr =	sadd.s32 s0, s3;
	s0 =	sld [smem:$0x3FA6]  }
0x30: {  	s3 =	sld [smem:$0x3FA9]  }
0x31: {  	[smem:$0x3FB2] =	sst s10  }
0x32: {  	s10 =	sld [smem:$0x3FB0];
	_ =	sdelay $0x3  }
0x33: {  	p0 =	seq.s32 s10, $0x1;
	s10 =	sld [smem:$0x3FB2];
	_ =	sdelay $0x3  }
0x34: {  	[smem:$0x3FB2] =	sst s10  }
0x35: {  	s10 =	sld [smem:$0x3FB1];
	_ =	sdelay $0x3  }
0x36: {  	p1 =	seq.s32 s10, $0x1;
	s10 =	sld [smem:$0x3FB2];
	_ =	sdelay $0x3  }
0x37: {  	[smem:$0x3FB2] =	sst s10  }
0x38: {  	s10 =	sld [smem:$0x3FB3]  }
0x39: {  	_ = 	snop;
	(pc) =	sbr.ind lr, $3  }
0x3a: {  	_ = 	snop  }
0x3b: {  	_ = 	snop  }
0x3c: {  	p2 =	seq.s32 s10, $0x1;
	s10 =	sld [smem:$0x3FB2]  }
0x3d: {  	_ =	shalt  }
0x3e: {  	_ =	shalt  }
0x3f: {  	_ =	shalt  }
0x40: {  	_ =	shalt  }
0x41: {  	_ =	shalt  }
0x42: {  	_ =	shalt  }
0x43: {  	_ =	shalt  }
0x44: {  	_ =	shalt  }
0x45: {  	_ =	shalt  }
0x46: {  	_ =	shalt  }
0x47: {  	_ =	shalt  }
0x48: {  	_ =	shalt  }
0x49: {  	_ =	shalt  }
0x4a: {  	_ =	shalt  }
0x4b: {  	_ =	shalt  }
0x4c: {  	_ =	shalt  }
0x4d: {  	_ =	shalt  }
0x4e: {  	_ =	shalt  }
0x4f: {  	_ =	shalt  }
0x50: {  	_ =	shalt  }
0x51: {  	_ =	shalt  }
0x52: {  	_ =	shalt  }
0x53: {  	_ =	shalt  }
0x54: {  	_ =	shalt  }
0x55: {  	_ =	shalt  }
0x56: {  	_ =	shalt  }
0x57: {  	_ =	shalt  }
0x58: {  	_ =	shalt  }
0x59: {  	_ =	shalt  }
0x5a: {  	_ =	shalt  }
0x5b: {  	_ =	shalt  }
0x5c: {  	_ =	shalt  }
0x5d: {  	_ =	shalt  }
0x5e: {  	_ =	shalt  }
0x5f: {  	_ =	shalt  }
0x60: {  	_ =	shalt  }
0x61: {  	_ =	shalt  }
0x62: {  	_ =	shalt  }
0x63: {  	_ =	shalt  }
0x64: {  	_ =	shalt  }
0x65: {  	_ =	shalt  }
0x66: {  	_ =	shalt  }
0x67: {  	_ =	shalt  }
0x68: {  	_ =	shalt  }
0x69: {  	_ =	shalt  }
0x6a: {  	_ =	shalt  }
0x6b: {  	_ =	shalt  }
0x6c: {  	_ =	shalt  }
0x6d: {  	_ =	shalt  }
0x6e: {  	_ =	shalt  }
0x6f: {  	_ =	shalt  }
0x70: {  	_ =	shalt  }
0x71: {  	_ =	shalt  }
0x72: {  	_ =	shalt  }
0x73: {  	_ =	shalt  }
0x74: {  	_ =	shalt  }
0x75: {  	_ =	shalt  }
0x76: {  	_ =	shalt  }
0x77: {  	_ =	shalt  }
0x78: {  	_ =	shalt  }
0x79: {  	_ =	shalt  }
0x7a: {  	_ =	shalt  }
0x7b: {  	_ =	shalt  }
0x7c: {  	_ =	shalt  }
0x7d: {  	_ =	shalt  }
0x7e: {  	_ =	shalt  }
0x7f: {  	_ =	shalt  }
0x80: {  	_ =	shalt  }
0x81: {  	_ =	shalt  }
0x82: {  	_ =	shalt  }
0x83: {  	_ =	shalt  }
0x84: {  	_ =	shalt  }
0x85: {  	_ =	shalt  }
0x86: {  	_ =	shalt  }
0x87: {  	_ =	shalt  }
.Lfunc_end0:
.L_simem_size_0:
called_computation_lowered:
.L_overlay_start_0:
0x88: {  	s2 =	sld [smem:$0x3FD9]  }
0x89: {  	s3 =	sld [smem:$0x3FFE];
	_ =	sdelay $0x1  }
0x8a: {  	s1 =	srdreg.scid  }
0x8b: {  	s0 =	sand.u32 $0x1, s1  }
0x8c: {  	s17 =	sshll.u32 s0, $0xA;
	s2 =	sadd.s32 s3, s2  }
0x8d: {  	s2 =	sadd.s32 s2, s17  }
0x8e: {  	[smem:$0x3FBE] =	sst s2  }
0x8f: {  	_ = 	snop  }
0x90: {  	(tm) =	ssettm $0x1  }
0x91: {  	s18 =	sld [smem:$0x3FFB];
	_ =	sdelay $0x3  }
0x92: {  	_ =	strace s18  }
0x93: {  	s2 =	sld [smem:$0x3FFC];
	_ =	sdelay $0x3  }
0x94: {  	_ =	strace s2  }
0x95: {  	s2 =	sld [smem:$0x3FFD];
	_ =	sdelay $0x3  }
0x96: {  	_ =	strace s2  }
0x97: {  	_ =	strace $0x8FFFFFFF  }
0x98: {  	s19 =	sld [smem:$0x3FDB];
	_ =	sdelay $0x1  }
0x99: {  	s20 =	simm.s32 $_scs_section_size  }
0x9a: {  	s4 =	simm.s32 $_size__tile_overlayer_lowered;
	s5 =	simm.s32 $_tile_overlayer_lowered  }
0x9b: {  	s6 =	simm.s32 $0x1BFF;
	s21 =	sshll.u32 s5, $0x1;
	s3 =	sadd.s32 s20, s19  }
0x9c: {  	s22 =	simm.s32 $0x0;
	s4 =	sshll.u32 s4, $0x1;
	s5 =	sadd.s32 s21, s3  }
0x9d: {  	[timem:s22], [sflag:s6] =	dma.local [hbm:s5], s4  }
0x9e: {  	_ =	swait.ge [sflag:s6], s4  }
0x9f: {  	s4 =	ssub.s32 $0x0, s4;
	[sflag:s6] =	ssyncset.done $0x0  }
0xa0: {  	[sflag:s6] =	ssyncadd.s32 s4;
	_ =	sdelay $0x1  }
0xa1: {  	s23 =	simm.s32 $0x1B8B  }
0xa2: {  	_ =	swait.ge [sflag:s23], $0x1  }
0xa3: {  	[sflag:s23] =	ssyncset.done $0x0  }
0xa4: {  	[sflag:s23] =	ssyncadd.s32 $0xFFFFFFFF  }
0xa5: {  	s4 =	sld [smem:$0x0]  }
0xa6: {  	s5 =	sand.u32 $0xFFFFFFFE, s1  }
0xa7: {  	p0 =	sne.s32 s1, s5  }
0xa8: {  	s5 =	sshll.u32 @p0 s5, $0xE  }
0xa9: {  	s5 =	sadd.s32 @p0 $0x11B8D, s5;
	s6 =	sshll.u32 @p0 s4, $0x11  }
0xaa: {  	s5 =	sor.u32 @p0 s6, s5  }
0xab: {  	[sflag:s5] =	ssyncadd.remote.s32 @p0 $0x1;
	_ =	sdelay $0x1  }
0xac: {  	s5 =	simm.s32 @p0 $0x1B8D  }
0xad: {  	_ =	swait.eq @p0 [sflag:s5], $0x1  }
0xae: {  	[sflag:s5] =	ssyncadd.s32 @p0 $0xFFFFFFFF  }
0xaf: {  	s6 =	sshll.u32 @!p0 s1, $0xE  }
0xb0: {  	s6 =	sor.u32 @!p0 $0x4000, s6;
	s5 =	simm.s32 @!p0 $0x1B8D  }
0xb1: {  	s4 =	sshll.u32 @!p0 s4, $0x11;
	s6 =	sadd.s32 @!p0 $0x11B8D, s6;
	_ =	swait.eq @!p0 [sflag:s5], $0x1  }
0xb2: {  	s4 =	sor.u32 @!p0 s4, s6;
	[sflag:s5] =	ssyncadd.s32 @!p0 $0xFFFFFFFF  }
0xb3: {  	s25 =	simm.s32 $0x1B8E;
	s24 =	sld [smem:$0x3FFE];
	[sflag:s4] =	ssyncadd.remote.s32 @!p0 $0x1  }
0xb4: {  	s26 =	simm.s32 $execute0_lowered;
	[smem:$0x3FD2] =	sst s25  }
0xb5: {  	s5 =	sshll.u32 s26, $0x1;
	_ =	strace $0x80000049;
	[dreg:$0x1] =	wrdreg $0xFFFFFFFF  }
0xb6: {  	s28 =	simm.s32 $_size_execute0_lowered;
	s3 =	sadd.s32 s3, s5;
	[dreg:$0x0] =	wrdreg $0x0  }
0xb7: {  	s5 =	sshll.u32 s28, $0x1;
	[dreg:$0x2] =	wrdreg s3  }
0xb8: {  	[dreg:$0x3] =	wrdreg s5  }
0xb9: {  	[dreg:$0x4] =	wrdreg $0xC0  }
0xba: {  	_ =	task [dreg:s22], $0x5FFFF  }
0xbb: {  	[dreg:$0x1] =	wrdreg $0xFFFFFFFF  }
0xbc: {  	[dreg:$0x0] =	wrdreg $0x60  }
0xbd: {  	[dreg:$0x2] =	wrdreg s24  }
0xbe: {  	[dreg:$0x3] =	wrdreg $0x9  }
0xbf: {  	_ =	task.clear_ibuf [dreg:s22], $0x4FFFF;
	_ =	strace $0x90000049  }
0xc0: {  	s29 =	simm.s32 $0x9;
	_ =	strace $0x8000004B  }
0xc1: {  	_ =	swait.ge [sflag:s29], $0x1  }
0xc2: {  	[sflag:s29] =	ssyncadd.s32 $0xFFFFFFFF  }
0xc3: {  	_ =	strace $0x9000004B  }
0xc4: {  	_ =	sfence  }
0xc5: {  	s30 =	sld [smem:$0x0];
	_ =	sdelay $0x2  }
0xc6: {  	s31 =	sshll.u32 s1, $0xD;
	s1 =	sshrl.u32 s1, $0x2  }
0xc7: {  	s4 =	sand.u32 $0x4000, s31;
	s1 =	sadd.s32 s1, s30  }
0xc8: {  	s0 =	sor.u32 s4, s0;
	s1 =	sshll.u32 s1, $0x11  }
0xc9: {  	s0 =	sor.u32 s1, s0  }
0xca: {  	s0 =	sadd.s32 $0x8F2B, s0  }
0xcb: {  	[sflag:s0] =	ssyncadd.remote.s32 $0x1  }
0xcc: {  	_ =	sfence.sel $0xFFFF  }
0xcd: {  	[dreg:$0x0] =	wrdreg $0xFFFFFFFF;
	(pc) =	sbr.abs _section_cstart, $3  }
0xce: {  	[dreg:$0x1] =	wrdreg $0xFFFFFFFF  }
0xcf: {  	_ =	task.clear_ibuf [dreg:s22], $0x2FFFF;
	_ =	strace $0x9FFFFFFF  }
0xd0: {  	(tm) =	ssettm $0x7FFFFFFF  }
0xd1: {  	_ =	shalt  }
tec
execute0_lowered:
.L_overlay_start_1:
0x0: {  	(tag) =	ssettag $0x1  }
0x1: {  	s0 =	rddreg [dreg:$0x0]  }
0x2: {  	s2 =	simm.s32 $0x0;
	s1 =	srdreg.scid;
	s8 =	stileid.u32  }
0x3: {  	s12 =	simm.s32 $0x2;
	s31 =	simm.s32 $0xCA00;
	s11 =	simm.s32 $0xE200  }
0x4: {  	s13 =	simm.s32 $0xF200;
	s14 =	simm.s32 $0xFA00;
	s15 =	simm.s32 $0x10200  }
0x5: {  	s16 =	simm.s32 $0x10A00;
	s17 =	simm.s32 $0x11200;
	s18 =	simm.s32 $0x11A00  }
0x6: {  	s19 =	simm.s32 $0x1;
	s20 =	simm.s32 $0x12200;
	s22 =	simm.s32 $0x0  }
0x7: {  	[smem:$0x7FF] =	sst s2;
	s2 =	sadd.s32 $0x1E00, s0;
	s4 =	sadd.s32 $0x305E00, s0  }
0x8: {  	s1 =	sand.u32 $0x1, s1;
	s5 =	sadd.s32 $0x185E00, s0;
	s6 =	sadd.s32 $0x309E00, s0  }
0x9: {  	s8 =	sshll.u32 s8, $0xB;
	s9 =	sadd.s32 $0x205E00, s0;
	s3 =	ssub.s32 $0x2, s1  }
0xa: {  	s10 =	sadd.s32 $0x285E00, s0;
	s1 =	sshll.u32 s1, $0xA;
	s7 =	sshrl.u32 s3, $0x1  }
0xb: {  	v2 =	vlaneseq.u32;
	_ =	strace $0x8000004A;
	s8 =	sor.u32 s1, s8;
	s3 =	ssub.s32 s3, s7  }
0xc: {  	vm0 =	vmmov $0xffff;
	v1 =	vshrl.u32 v2, $0x3;
	s1 =	simm.s32 $0xEA00;
	s7 =	sadd.s32 $0x305E10, s0;
	s30 =	smax.u32 s3, $0x1  }
0xd: {  	v0 =	vand.u32 $0x7, v2;
	v2 =	vor.u32 $0x8, v2;
	v1 =	vmul.u32 $0x8, v1;
	s0 =	simm.s32 $0xD200;
	s3 =	simm.s32 $0xDA00;
	[dreg:$0x2] =	wrdreg s30  }
.LBB2_1:
0xe: {  	[dreg:$0x3] =	wrdreg s22;
	s21 =	simm.s32 $0x0  }
.LBB2_2:
0xf: {  	s23 =	sshll.u32 s21, $0x6  }
0x10: {  	s22 =	sadd.s32 s8, s23  }
0x11: {  	s24 =	sshll.u32 s22, $0x2  }
0x12: {  	s25 =	sand.u32 $0x40, s23;
	s29 =	sand.u32 $0x1FE00, s24  }
0x13: {  	s23 =	sor.u32 s25, s29  }
0x14: {  	s26 =	sshrl.u32 s23, $0x3  }
0x15: {  	s23 =	simm.s32 $0x0;
	s28 =	sadd.s32 s4, s26  }
0x16: {  	[tilespmem:s23], [sflag:$0x2] =	stream.linear.gather [hbm4b:s28+s23], $0x40, $0x38;
	[tilespmem:$0x16200] =	vst v63  }
0x17: {  	_ =	swait.ge [sflag:s12], $0x40  }
0x18: {  	s28 =	sshll.u32 s22, $0x4;
	[sflag:s12] =	ssyncset.done $0x0  }
0x19: {  	s30 =	simm.s32 $0x200;
	s29 =	sadd.s32 s5, s28;
	[sflag:s12] =	ssyncadd.s32 $0xFFFFFFC0  }
0x1a: {  	[tilespmem:s30], [sflag:$0x2] =	stream.linear.gather [hbm4b:s29+s23], $0x2000, $0x38;
	[tilespmem:$0x16200] =	vst v63  }
0x1b: {  	_ =	swait.ge [sflag:s12], $0x2000  }
0x1c: {  	[sflag:s12] =	ssyncset.done $0x0  }
0x1d: {  	s26 =	sadd.s32 s26, s7;
	s30 =	simm.s32 $0x80;
	[sflag:s12] =	ssyncadd.s32 $0xFFFFE000  }
0x1e: {  	[tilespmem:s30], [sflag:$0x2] =	stream.linear.gather [hbm4b:s26+s23], $0x40, $0x38;
	[tilespmem:$0x16200] =	vst v63  }
0x1f: {  	_ =	swait.ge [sflag:s12], $0x40  }
0x20: {  	s24 =	sor.u32 s25, s24;
	[sflag:s12] =	ssyncset.done $0x0  }
0x21: {  	s26 =	sadd.s32 s28, s9;
	s30 =	simm.s32 $0x2200;
	[sflag:s12] =	ssyncadd.s32 $0xFFFFFFC0  }
0x22: {  	[tilespmem:s30], [sflag:$0x2] =	stream.linear.gather [hbm4b:s26+s23], $0x2000, $0x38;
	[tilespmem:$0x16200] =	vst v63  }
0x23: {  	s24 =	sshrl.u32 s24, $0x3;
	_ =	swait.ge [sflag:s12], $0x2000  }
0x24: {  	s24 =	sor.u32 $0x20, s24;
	[sflag:s12] =	ssyncset.done $0x0  }
0x25: {  	s24 =	sadd.s32 s4, s24;
	s26 =	simm.s32 $0x100;
	[sflag:s12] =	ssyncadd.s32 $0xFFFFE000  }
0x26: {  	[tilespmem:s26], [sflag:$0x2] =	stream.linear.gather [hbm4b:s24+s23], $0x40, $0x38;
	[tilespmem:$0x16200] =	vst v63  }
0x27: {  	_ =	swait.ge [sflag:s12], $0x40  }
0x28: {  	[sflag:s12] =	ssyncset.done $0x0  }
0x29: {  	s28 =	sadd.s32 s28, s10;
	s24 =	simm.s32 $0x4200;
	[sflag:s12] =	ssyncadd.s32 $0xFFFFFFC0  }
0x2a: {  	[tilespmem:s24], [sflag:$0x2] =	stream.linear.gather [hbm4b:s28+s23], $0x2000, $0x38;
	[tilespmem:$0x16200] =	vst v63  }
0x2b: {  	_ =	swait.ge [sflag:s12], $0x2000  }
0x2c: {  	[sflag:s12] =	ssyncset.done $0x0  }
0x2d: {  	[sflag:s12] =	ssyncadd.s32 $0xFFFFE000  }
0x2e: {  	v3 =	vld [tilespmem:$0x0];
	_ =	sdelay $0x4  }
0x2f: {  	v4 =	vshll.u32 v3, $0x1  }
0x30: {  	v3 =	vand.u32 $0x7, v3;
	v4 =	vand.u32 $0xFFFFFFF0, v4  }
0x31: {  	v3 =	vor.u32 v3, v4  }
0x32: {  	v4 =	vperm.xlane v3, v0;
	_ =	sdelay $0x1  }
0x33: {  	v3 =	vperm.xlane v3, v2;
	v4 =	vadd.s32 v1, v4;
	_ =	sdelay $0x1  }
0x34: {  	v3 =	vadd.s32 v1, v3;
	_ =	sdelay $0x1  }
0x35: {  	s29 =	simm.s32 $0x6200  }
0x36: {  	[tilespmem:s29], [sflag:$0x1] =	stream.indirect_vreg.gather [hbm4b:s2+s23], $0x80, v4, vm0, $0xb8;
	[tilespmem:$0x16200] =	vst v63  }
0x37: {  	s30 =	simm.s32 $0x6A00  }
0x38: {  	[tilespmem:s30], [sflag:$0x1] =	stream.indirect_vreg.gather [hbm4b:s2+s23], $0x80, v3, vm0, $0xb8;
	[tilespmem:$0x16200] =	vst v63  }
0x39: {  	v3 =	vld [tilespmem:$0x10];
	_ =	sdelay $0x4  }
0x3a: {  	v4 =	vshll.u32 v3, $0x1  }
0x3b: {  	v3 =	vand.u32 $0x7, v3;
	v4 =	vand.u32 $0xFFFFFFF0, v4  }
0x3c: {  	v3 =	vor.u32 v3, v4  }
0x3d: {  	v4 =	vperm.xlane v3, v0;
	_ =	sdelay $0x1  }
0x3e: {  	v3 =	vperm.xlane v3, v2;
	v4 =	vadd.s32 v1, v4;
	_ =	sdelay $0x1  }
0x3f: {  	v3 =	vadd.s32 v1, v3;
	_ =	sdelay $0x1  }
0x40: {  	s26 =	simm.s32 $0x7200  }
0x41: {  	[tilespmem:s26], [sflag:$0x1] =	stream.indirect_vreg.gather [hbm4b:s2+s23], $0x80, v4, vm0, $0xb8;
	[tilespmem:$0x16200] =	vst v63  }
0x42: {  	s28 =	simm.s32 $0x7A00  }
0x43: {  	[tilespmem:s28], [sflag:$0x1] =	stream.indirect_vreg.gather [hbm4b:s2+s23], $0x80, v3, vm0, $0xb8;
	[tilespmem:$0x16200] =	vst v63  }
0x44: {  	v3 =	vld [tilespmem:$0x20];
	_ =	sdelay $0x4  }
0x45: {  	v4 =	vshll.u32 v3, $0x1  }
0x46: {  	v3 =	vand.u32 $0x7, v3;
	v4 =	vand.u32 $0xFFFFFFF0, v4  }
0x47: {  	v3 =	vor.u32 v3, v4  }
0x48: {  	v4 =	vperm.xlane v3, v0;
	_ =	sdelay $0x1  }
0x49: {  	v3 =	vperm.xlane v3, v2;
	v4 =	vadd.s32 v1, v4;
	_ =	sdelay $0x1  }
0x4a: {  	v3 =	vadd.s32 v1, v3;
	_ =	sdelay $0x1  }
0x4b: {  	s29 =	simm.s32 $0x8200  }
0x4c: {  	[tilespmem:s29], [sflag:$0x1] =	stream.indirect_vreg.gather [hbm4b:s2+s23], $0x80, v4, vm0, $0xb8;
	[tilespmem:$0x16200] =	vst v63  }
0x4d: {  	s30 =	simm.s32 $0x8A00  }
0x4e: {  	[tilespmem:s30], [sflag:$0x1] =	stream.indirect_vreg.gather [hbm4b:s2+s23], $0x80, v3, vm0, $0xb8;
	[tilespmem:$0x16200] =	vst v63  }
0x4f: {  	v3 =	vld [tilespmem:$0x30];
	_ =	sdelay $0x4  }
0x50: {  	v4 =	vshll.u32 v3, $0x1  }
0x51: {  	v3 =	vand.u32 $0x7, v3;
	v4 =	vand.u32 $0xFFFFFFF0, v4  }
0x52: {  	v3 =	vor.u32 v3, v4  }
0x53: {  	v4 =	vperm.xlane v3, v0;
	_ =	sdelay $0x1  }
0x54: {  	v3 =	vperm.xlane v3, v2;
	v4 =	vadd.s32 v1, v4;
	_ =	sdelay $0x1  }
0x55: {  	v3 =	vadd.s32 v1, v3;
	_ =	sdelay $0x1  }
0x56: {  	s26 =	simm.s32 $0x9200  }
0x57: {  	[tilespmem:s26], [sflag:$0x1] =	stream.indirect_vreg.gather [hbm4b:s2+s23], $0x80, v4, vm0, $0xb8;
	[tilespmem:$0x16200] =	vst v63  }
0x58: {  	s28 =	simm.s32 $0x9A00  }
0x59: {  	[tilespmem:s28], [sflag:$0x1] =	stream.indirect_vreg.gather [hbm4b:s2+s23], $0x80, v3, vm0, $0xb8;
	[tilespmem:$0x16200] =	vst v63  }
0x5a: {  	v3 =	vld [tilespmem:$0x80];
	_ =	sdelay $0x4  }
0x5b: {  	v4 =	vshll.u32 v3, $0x1  }
0x5c: {  	v3 =	vand.u32 $0x7, v3;
	v4 =	vand.u32 $0xFFFFFFF0, v4  }
0x5d: {  	v3 =	vor.u32 v3, v4  }
0x5e: {  	v4 =	vperm.xlane v3, v0;
	_ =	sdelay $0x1  }
0x5f: {  	v3 =	vperm.xlane v3, v2;
	v4 =	vadd.s32 v1, v4;
	_ =	sdelay $0x1  }
0x60: {  	v3 =	vadd.s32 v1, v3;
	_ =	sdelay $0x1  }
0x61: {  	s29 =	simm.s32 $0xA200  }
0x62: {  	[tilespmem:s29], [sflag:$0x1] =	stream.indirect_vreg.gather [hbm4b:s2+s23], $0x80, v4, vm0, $0xb8;
	[tilespmem:$0x16200] =	vst v63  }
0x63: {  	s30 =	simm.s32 $0xAA00  }
0x64: {  	[tilespmem:s30], [sflag:$0x1] =	stream.indirect_vreg.gather [hbm4b:s2+s23], $0x80, v3, vm0, $0xb8;
	[tilespmem:$0x16200] =	vst v63  }
0x65: {  	v3 =	vld [tilespmem:$0x90];
	_ =	sdelay $0x4  }
0x66: {  	v4 =	vshll.u32 v3, $0x1  }
0x67: {  	v3 =	vand.u32 $0x7, v3;
	v4 =	vand.u32 $0xFFFFFFF0, v4  }
0x68: {  	v3 =	vor.u32 v3, v4  }
0x69: {  	v4 =	vperm.xlane v3, v0;
	_ =	sdelay $0x1  }
0x6a: {  	v3 =	vperm.xlane v3, v2;
	v4 =	vadd.s32 v1, v4;
	_ =	sdelay $0x1  }
0x6b: {  	v3 =	vadd.s32 v1, v3;
	_ =	sdelay $0x1  }
0x6c: {  	s26 =	simm.s32 $0xB200  }
0x6d: {  	[tilespmem:s26], [sflag:$0x1] =	stream.indirect_vreg.gather [hbm4b:s2+s23], $0x80, v4, vm0, $0xb8;
	[tilespmem:$0x16200] =	vst v63  }
0x6e: {  	s28 =	simm.s32 $0xBA00  }
0x6f: {  	[tilespmem:s28], [sflag:$0x1] =	stream.indirect_vreg.gather [hbm4b:s2+s23], $0x80, v3, vm0, $0xb8;
	[tilespmem:$0x16200] =	vst v63  }
0x70: {  	v3 =	vld [tilespmem:$0xA0];
	_ =	sdelay $0x4  }
0x71: {  	v4 =	vshll.u32 v3, $0x1  }
0x72: {  	v3 =	vand.u32 $0x7, v3;
	v4 =	vand.u32 $0xFFFFFFF0, v4  }
0x73: {  	v3 =	vor.u32 v3, v4  }
0x74: {  	v4 =	vperm.xlane v3, v0;
	_ =	sdelay $0x1  }
0x75: {  	v3 =	vperm.xlane v3, v2;
	v4 =	vadd.s32 v1, v4;
	_ =	sdelay $0x1  }
0x76: {  	v3 =	vadd.s32 v1, v3;
	_ =	sdelay $0x1  }
0x77: {  	s29 =	simm.s32 $0xC200  }
0x78: {  	[tilespmem:s29], [sflag:$0x1] =	stream.indirect_vreg.gather [hbm4b:s2+s23], $0x80, v4, vm0, $0xb8;
	[tilespmem:$0x16200] =	vst v63  }
0x79: {  	_ = 	snop  }
0x7a: {  	[tilespmem:s31], [sflag:$0x1] =	stream.indirect_vreg.gather [hbm4b:s2+s23], $0x80, v3, vm0, $0xb8;
	[tilespmem:$0x16200] =	vst v63  }
0x7b: {  	v3 =	vld [tilespmem:$0xB0];
	_ =	sdelay $0x4  }
0x7c: {  	v4 =	vshll.u32 v3, $0x1  }
0x7d: {  	v3 =	vand.u32 $0x7, v3;
	v4 =	vand.u32 $0xFFFFFFF0, v4  }
0x7e: {  	v3 =	vor.u32 v3, v4  }
0x7f: {  	v4 =	vperm.xlane v3, v0;
	_ =	sdelay $0x1  }
0x80: {  	v3 =	vperm.xlane v3, v2;
	v4 =	vadd.s32 v1, v4;
	_ =	sdelay $0x1  }
0x81: {  	v3 =	vadd.s32 v1, v3;
	_ =	sdelay $0x2  }
0x82: {  	[tilespmem:s0], [sflag:$0x1] =	stream.indirect_vreg.gather [hbm4b:s2+s23], $0x80, v4, vm0, $0xb8;
	[tilespmem:$0x16200] =	vst v63  }
0x83: {  	_ = 	snop  }
0x84: {  	[tilespmem:s3], [sflag:$0x1] =	stream.indirect_vreg.gather [hbm4b:s2+s23], $0x80, v3, vm0, $0xb8;
	[tilespmem:$0x16200] =	vst v63  }
0x85: {  	v3 =	vld [tilespmem:$0x100];
	_ =	sdelay $0x4  }
0x86: {  	v4 =	vshll.u32 v3, $0x1  }
0x87: {  	v3 =	vand.u32 $0x7, v3;
	v4 =	vand.u32 $0xFFFFFFF0, v4  }
0x88: {  	v3 =	vor.u32 v3, v4  }
0x89: {  	v4 =	vperm.xlane v3, v0;
	_ =	sdelay $0x1  }
0x8a: {  	v3 =	vperm.xlane v3, v2;
	v4 =	vadd.s32 v1, v4;
	_ =	sdelay $0x1  }
0x8b: {  	v3 =	vadd.s32 v1, v3;
	_ =	sdelay $0x2  }
0x8c: {  	[tilespmem:s11], [sflag:$0x1] =	stream.indirect_vreg.gather [hbm4b:s2+s23], $0x80, v4, vm0, $0xb8;
	[tilespmem:$0x16200] =	vst v63  }
0x8d: {  	_ = 	snop  }
0x8e: {  	[tilespmem:s1], [sflag:$0x1] =	stream.indirect_vreg.gather [hbm4b:s2+s23], $0x80, v3, vm0, $0xb8;
	[tilespmem:$0x16200] =	vst v63  }
0x8f: {  	v3 =	vld [tilespmem:$0x110];
	_ =	sdelay $0x4  }
0x90: {  	v4 =	vshll.u32 v3, $0x1  }
0x91: {  	v3 =	vand.u32 $0x7, v3;
	v4 =	vand.u32 $0xFFFFFFF0, v4  }
0x92: {  	v3 =	vor.u32 v3, v4  }
0x93: {  	v4 =	vperm.xlane v3, v0;
	_ =	sdelay $0x1  }
0x94: {  	v3 =	vperm.xlane v3, v2;
	v4 =	vadd.s32 v1, v4;
	_ =	sdelay $0x1  }
0x95: {  	v3 =	vadd.s32 v1, v3;
	_ =	sdelay $0x2  }
0x96: {  	[tilespmem:s13], [sflag:$0x1] =	stream.indirect_vreg.gather [hbm4b:s2+s23], $0x80, v4, vm0, $0xb8;
	[tilespmem:$0x16200] =	vst v63  }
0x97: {  	_ = 	snop  }
0x98: {  	[tilespmem:s14], [sflag:$0x1] =	stream.indirect_vreg.gather [hbm4b:s2+s23], $0x80, v3, vm0, $0xb8;
	[tilespmem:$0x16200] =	vst v63  }
0x99: {  	v3 =	vld [tilespmem:$0x120];
	_ =	sdelay $0x4  }
0x9a: {  	v4 =	vshll.u32 v3, $0x1  }
0x9b: {  	v3 =	vand.u32 $0x7, v3;
	v4 =	vand.u32 $0xFFFFFFF0, v4  }
0x9c: {  	v3 =	vor.u32 v3, v4  }
0x9d: {  	v4 =	vperm.xlane v3, v0;
	_ =	sdelay $0x1  }
0x9e: {  	v3 =	vperm.xlane v3, v2;
	v4 =	vadd.s32 v1, v4;
	_ =	sdelay $0x1  }
0x9f: {  	v3 =	vadd.s32 v1, v3;
	_ =	sdelay $0x2  }
0xa0: {  	[tilespmem:s15], [sflag:$0x1] =	stream.indirect_vreg.gather [hbm4b:s2+s23], $0x80, v4, vm0, $0xb8;
	[tilespmem:$0x16200] =	vst v63  }
0xa1: {  	_ = 	snop  }
0xa2: {  	[tilespmem:s16], [sflag:$0x1] =	stream.indirect_vreg.gather [hbm4b:s2+s23], $0x80, v3, vm0, $0xb8;
	[tilespmem:$0x16200] =	vst v63  }
0xa3: {  	v3 =	vld [tilespmem:$0x130];
	_ =	sdelay $0x4  }
0xa4: {  	v4 =	vshll.u32 v3, $0x1  }
0xa5: {  	v3 =	vand.u32 $0x7, v3;
	v4 =	vand.u32 $0xFFFFFFF0, v4  }
0xa6: {  	v3 =	vor.u32 v3, v4  }
0xa7: {  	v4 =	vperm.xlane v3, v0;
	_ =	sdelay $0x1  }
0xa8: {  	v3 =	vperm.xlane v3, v2;
	v4 =	vadd.s32 v1, v4;
	_ =	sdelay $0x1  }
0xa9: {  	v3 =	vadd.s32 v1, v3;
	_ =	sdelay $0x2  }
0xaa: {  	[tilespmem:s17], [sflag:$0x1] =	stream.indirect_vreg.gather [hbm4b:s2+s23], $0x80, v4, vm0, $0xb8;
	[tilespmem:$0x16200] =	vst v63  }
0xab: {  	_ = 	snop  }
0xac: {  	[tilespmem:s18], [sflag:$0x1] =	stream.indirect_vreg.gather [hbm4b:s2+s23], $0x80, v3, vm0, $0xb8;
	[tilespmem:$0x16200] =	vst v63  }
0xad: {  	_ =	swait.ge [sflag:s19], $0x4000  }
0xae: {  	[sflag:s19] =	ssyncset.done $0x0  }
0xaf: {  	[sflag:s19] =	ssyncadd.s32 $0xFFFFC000  }
0xb0: {  	_ =	swait.ge [sflag:s19], $0x4000  }
0xb1: {  	[sflag:s19] =	ssyncset.done $0x0  }
0xb2: {  	[sflag:s19] =	ssyncadd.s32 $0xFFFFC000  }
0xb3: {  	_ =	swait.ge [sflag:s19], $0x4000  }
0xb4: {  	s30 =	sand.u32 $0x3800, s23;
	s23 =	sand.u32 $0x380, s23;
	[sflag:s19] =	ssyncset.done $0x0  }
0xb5: {  	s23 =	sor.u32 s23, s30;
	[sflag:s19] =	ssyncadd.s32 $0xFFFFC000  }
0xb6: {  	v11 =	vld [tilespmem:s23+$0xE240]  }
0xb7: {  	v12 =	vld [tilespmem:s23+$0xE230]  }
0xb8: {  	v15 =	vld [tilespmem:s23+$0xE210]  }
0xb9: {  	v14 =	vld [tilespmem:s23+$0xE200]  }
0xba: {  	v6 =	vld [tilespmem:s23+$0xA670]  }
0xbb: {  	v13 =	vld [tilespmem:s23+$0x6670]  }
0xbc: {  	v31 =	vld [tilespmem:s23+$0xE600]  }
0xbd: {  	v5 =	vld [tilespmem:s23+$0xA660]  }
0xbe: {  	v7 =	vld [tilespmem:s23+$0xA600]  }
0xbf: {  	v8 =	vld [tilespmem:s23+$0xA260]  }
0xc0: {  	v16 =	vld [tilespmem:s23+$0x6660]  }
0xc1: {  	v10 =	vld [tilespmem:s23+$0xA650]  }
0xc2: {  	v17 =	vld [tilespmem:s23+$0xA270]  }
0xc3: {  	v18 =	vld [tilespmem:s23+$0x6650]  }
0xc4: {  	v21 =	vld [tilespmem:s23+$0xE270]  }
0xc5: {  	v3 =	vld [tilespmem:s24+$0xFFFFC000]  }
0xc6: {  	v19 =	vld [tilespmem:s23+$0xA640]  }
0xc7: {  	v20 =	vld [tilespmem:s23+$0x6270]  }
0xc8: {  	v4 =	vld [tilespmem:s24+$0xFFFFE000]  }
0xc9: {  	v22 =	vld [tilespmem:s23+$0x6600]  }
0xca: {  	v23 =	vld [tilespmem:s23+$0xA620]  }
0xcb: {  	v24 =	vld [tilespmem:s23+$0x6640]  }
0xcc: {  	v25 =	vld [tilespmem:s23+$0x6630]  }
0xcd: {  	v26 =	vld [tilespmem:s23+$0xA240]  }
0xce: {  	v27 =	vld [tilespmem:s23+$0x6620]  }
0xcf: {  	v28 =	vld [tilespmem:s23+$0x6240]  }
0xd0: {  	v9 =	vld [tilespmem:s23+$0xE620]  }
0xd1: {  	v29 =	vld [tilespmem:s23+$0xA230];
	v20 =	vmul.f32 v20, v3  }
0xd2: {  	v30 =	vld [tilespmem:s23+$0x6230];
	v33 =	vmul.f32 v19, v4;
	v35 =	vmul.f32 v5, v4  }
0xd3: {  	v32 =	vld [tilespmem:s23+$0xA220];
	v36 =	vmul.f32 v8, v4;
	v22 =	vmul.f32 v22, v3  }
0xd4: {  	v37 =	vld [tilespmem:s23+$0xA210];
	v17 =	vmul.f32 v17, v4;
	v38 =	vmul.f32 v7, v4  }
0xd5: {  	v39 =	vld [tilespmem:s23+$0x6210];
	v5 =	vmul.f32 v10, v4;
	v8 =	vmul.f32 v6, v4  }
0xd6: {  	v58 =	vld [tilespmem:s23+$0xA630];
	v40 =	vmul.f32 v25, v3;
	v26 =	vmul.f32 v26, v4  }
0xd7: {  	v19 =	vld [tilespmem:s23+$0x6220];
	v10 =	vmul.f32 v23, v4;
	v27 =	vmul.f32 v27, v3  }
0xd8: {  	v25 =	vld [tilespmem:s23+$0xA200];
	v24 =	vmul.f32 v24, v3;
	v28 =	vmul.f32 v28, v3  }
0xd9: {  	v23 =	vld [tilespmem:s23+$0x6200];
	v6 =	vmul.f32 v18, v3;
	v29 =	vmul.f32 v29, v4  }
0xda: {  	v7 =	vld [tilespmem:s24+$0x0];
	v30 =	vmul.f32 v30, v3;
	v32 =	vmul.f32 v32, v4  }
0xdb: {  	v41 =	vld [tilespmem:s23+$0xA250];
	v13 =	vmul.f32 v13, v3;
	v55 =	vmul.f32 v39, v3  }
0xdc: {  	v57 =	vld [tilespmem:s23+$0xE220];
	v63 =	vmul.f32 v58, v4;
	v10 =	vadd.f32 v10, v27;
	v27 =	vmul.f32 v16, v3  }
0xdd: {  	v18 =	vld [tilespmem:s23+$0x6250];
	v16 =	vmul.f32 v37, v4;
	v29 =	vadd.f32 v29, v30;
	v56 =	vadd.f32 v17, v20  }
0xde: {  	v34 =	vld [tilespmem:s23+$0xE660];
	v24 =	vadd.f32 v33, v24;
	v43 =	vmul.f32 v19, v3;
	v25 =	vmul.f32 v25, v4  }
0xdf: {  	v42 =	vld [tilespmem:s23+$0x6260];
	v19 =	vadd.f32 v38, v22;
	v23 =	vmul.f32 v23, v3;
	v17 =	vmul.f32 v14, v7  }
0xe0: {  	v59 =	vld [tilespmem:s23+$0xE630];
	v14 =	vadd.f32 v16, v55;
	v12 =	vmul.f32 v12, v7;
	v16 =	vmul.f32 v15, v7  }
0xe1: {  	v30 =	vld [tilespmem:s23+$0xE260];
	v15 =	vadd.f32 v35, v27;
	v60 =	vmul.f32 v57, v7;
	v20 =	vadd.f32 v25, v23  }
0xe2: {  	v22 =	vld [tilespmem:s23+$0xE250];
	v23 =	vadd.f32 v26, v28;
	v26 =	vmul.f32 v18, v3;
	v28 =	vmul.f32 v41, v4  }
0xe3: {  	v44 =	vld [tilespmem:s23+$0xE610];
	v61 =	vmul.f32 v21, v7;
	v33 =	vmul.f32 v31, v7;
	v12 =	vadd.f32 v12, v29  }
0xe4: {  	v29 =	vmul.f32 v42, v3;
	v18 =	vld [tilespmem:s23+$0xE650];
	v27 =	vadd.f32 v28, v26;
	v26 =	vmul.f32 v11, v7  }
0xe5: {  	v31 =	vadd.f32 v63, v40;
	v25 =	vmul.f32 v34, v7;
	v32 =	vadd.f32 v32, v43;
	v11 =	vld [tilespmem:s23+$0xE640]  }
0xe6: {  	v30 =	vmul.f32 v30, v7;
	[tilespmem:s23+$0x12230] =	vst v12;
	v12 =	vadd.f32 v36, v29;
	v28 =	vld [tilespmem:s23+$0xE670];
	v62 =	vadd.f32 v26, v23  }
0xe7: {  	v21 =	vadd.f32 v60, v32;
	v32 =	vmul.f32 v59, v7;
	v29 =	vmul.f32 v22, v7;
	v26 =	vld [tilespmem:s23+$0x6610]  }
0xe8: {  	s25 =	simm.s32 $0x4280;
	s26 =	simm.s32 $0x80;
	s24 =	simm.s32 $0x100;
	v22 =	vmul.f32 v44, v7;
	v30 =	vadd.f32 v30, v12;
	v23 =	vadd.f32 v61, v56;
	v12 =	vld [tilespmem:s23+$0xA610];
	[tilespmem:s23+$0x12240] =	vst v62  }
.LBB2_3:
0xe9: {  	s28 =	smov.u32 s26  }
0xea: {  	s29 =	sand.u32 $0x3800, s24;
	s30 =	sand.u32 $0x380, s26;
	v27 =	vadd.f32 v29, v27;
	[tilespmem:s23+$0x12260] =	vst v30;
	v9 =	vmul.f32 v9, v7;
	v25 =	vadd.f32 v25, v15;
	s28 =	sadd.s32 $0x80, s26  }
0xeb: {  	p0 =	sne.s32 s26, $0x1F80;
	s29 =	sor.u32 s30, s29;
	v19 =	vadd.f32 v33, v19;
	v29 =	vadd.f32 v32, v31;
	v30 =	vmul.f32 v11, v7  }
0xec: {  	v8 =	vadd.f32 v8, v13;
	v9 =	vadd.f32 v9, v10;
	v10 =	vmul.f32 v28, v7;
	v11 =	vld [tilespmem:s29+$0xE240];
	[tilespmem:s23+$0x12250] =	vst v27  }
0xed: {  	v13 =	vadd.f32 v17, v20;
	v3 =	vmul.f32 v26, v3;
	v17 =	vadd.f32 v30, v24;
	v15 =	vld [tilespmem:s29+$0xE230];
	[tilespmem:s23+$0x12600] =	vst v19  }
0xee: {  	v14 =	vadd.f32 v16, v14;
	v4 =	vmul.f32 v12, v4;
	v8 =	vadd.f32 v10, v8;
	v20 =	vld [tilespmem:s29+$0xE210];
	[tilespmem:s23+$0x12620] =	vst v9  }
0xef: {  	v16 =	vld [tilespmem:s29+$0xE200];
	[tilespmem:s23+$0x12640] =	vst v17  }
0xf0: {  	v3 =	vadd.f32 v4, v3;
	v10 =	vld [tilespmem:s29+$0xA670];
	[tilespmem:s23+$0x12670] =	vst v8  }
0xf1: {  	v17 =	vld [tilespmem:s29+$0x6670];
	[tilespmem:s23+$0x12630] =	vst v29  }
0xf2: {  	v12 =	vld [tilespmem:s29+$0xE600];
	[tilespmem:s23+$0x12660] =	vst v25  }
0xf3: {  	v8 =	vld [tilespmem:s29+$0xA660];
	[tilespmem:s23+$0x12200] =	vst v13  }
0xf4: {  	v9 =	vld [tilespmem:s29+$0xA600];
	[tilespmem:s23+$0x12210] =	vst v14  }
0xf5: {  	v4 =	vadd.f32 v5, v6;
	v5 =	vmul.f32 v18, v7;
	v13 =	vld [tilespmem:s29+$0xA260]  }
0xf6: {  	v7 =	vld [tilespmem:s29+$0x6660]  }
0xf7: {  	v4 =	vadd.f32 v5, v4;
	v6 =	vld [tilespmem:s29+$0xA650];
	[tilespmem:s23+$0x12270] =	vst v23  }
0xf8: {  	v3 =	vadd.f32 v22, v3;
	v5 =	vld [tilespmem:s29+$0xA270];
	[tilespmem:s23+$0x12220] =	vst v21  }
0xf9: {  	v14 =	vld [tilespmem:s29+$0x6650];
	[tilespmem:s23+$0x12650] =	vst v4  }
0xfa: {  	v21 =	vld [tilespmem:s29+$0xE270];
	[tilespmem:s23+$0x12610] =	vst v3;
	s23 =	smov.u32 s29  }
0xfb: {  	v3 =	vld [tilespmem:s25+$0xFFFFC000]  }
0xfc: {  	v18 =	vld [tilespmem:s23+$0xA640]  }
0xfd: {  	v19 =	vld [tilespmem:s23+$0x6270]  }
0xfe: {  	v4 =	vld [tilespmem:s25+$0xFFFFE000]  }
0xff: {  	v22 =	vld [tilespmem:s23+$0x6600]  }
0x100: {  	v23 =	vld [tilespmem:s23+$0xA620]  }
0x101: {  	v24 =	vld [tilespmem:s23+$0x6640]  }
0x102: {  	v25 =	vmul.f32 v19, v3;
	v19 =	vld [tilespmem:s23+$0x6630]  }
0x103: {  	v26 =	vld [tilespmem:s23+$0xA240];
	v18 =	vmul.f32 v18, v4;
	v27 =	vmul.f32 v8, v4  }
0x104: {  	v28 =	vmul.f32 v13, v4;
	v22 =	vmul.f32 v22, v3;
	v13 =	vld [tilespmem:s23+$0x6620]  }
0x105: {  	v30 =	vmul.f32 v5, v4;
	v31 =	vmul.f32 v9, v4;
	v29 =	vld [tilespmem:s23+$0x6240]  }
0x106: {  	v5 =	vmul.f32 v6, v4;
	v8 =	vmul.f32 v10, v4;
	v9 =	vld [tilespmem:s23+$0xE620]  }
0x107: {  	v32 =	vld [tilespmem:s23+$0xA230];
	v34 =	vmul.f32 v19, v3  }
0x108: {  	v6 =	vmul.f32 v23, v4;
	v19 =	vld [tilespmem:s23+$0x6230];
	v26 =	vmul.f32 v26, v4  }
0x109: {  	v24 =	vmul.f32 v24, v3;
	v23 =	vld [tilespmem:s23+$0xA220];
	v10 =	vmul.f32 v13, v3  }
0x10a: {  	v29 =	vmul.f32 v29, v3;
	v33 =	vld [tilespmem:s23+$0xE660]  }
0x10b: {  	v35 =	vld [tilespmem:s23+$0x6220];
	v10 =	vadd.f32 v6, v10;
	v6 =	vmul.f32 v14, v3  }
0x10c: {  	v14 =	vld [tilespmem:s23+$0xA210];
	v32 =	vmul.f32 v32, v4  }
0x10d: {  	v38 =	vmul.f32 v7, v3;
	v36 =	vld [tilespmem:s23+$0x6210];
	v37 =	vmul.f32 v19, v3  }
0x10e: {  	v19 =	vld [tilespmem:s23+$0xA200];
	v23 =	vmul.f32 v23, v4  }
0x10f: {  	v13 =	vmul.f32 v17, v3;
	v39 =	vld [tilespmem:s23+$0x6200]  }
0x110: {  	v7 =	vld [tilespmem:s25+$0x0];
	v35 =	vmul.f32 v35, v3  }
0x111: {  	v14 =	vmul.f32 v14, v4;
	v40 =	vld [tilespmem:s23+$0x6250]  }
0x112: {  	v36 =	vmul.f32 v36, v3;
	v41 =	vld [tilespmem:s23+$0xA250]  }
0x113: {  	v42 =	vmul.f32 v19, v4;
	v43 =	vld [tilespmem:s23+$0x6260];
	v19 =	vadd.f32 v31, v22  }
0x114: {  	v31 =	vadd.f32 v32, v37;
	v37 =	vadd.f32 v30, v25;
	v22 =	vmul.f32 v39, v3;
	v32 =	vld [tilespmem:s23+$0xE250]  }
0x115: {  	v14 =	vadd.f32 v14, v36;
	v17 =	vmul.f32 v16, v7;
	v16 =	vmul.f32 v20, v7;
	v30 =	vld [tilespmem:s23+$0xE260]  }
0x116: {  	v26 =	vadd.f32 v26, v29;
	v20 =	vadd.f32 v42, v22;
	v22 =	vld [tilespmem:s23+$0xE220];
	v29 =	vmul.f32 v40, v3  }
0x117: {  	v24 =	vadd.f32 v18, v24;
	v36 =	vmul.f32 v15, v7;
	v39 =	vmul.f32 v41, v4;
	v40 =	vld [tilespmem:s23+$0xA630]  }
0x118: {  	v15 =	vadd.f32 v27, v38;
	v25 =	vmul.f32 v33, v7;
	v18 =	vmul.f32 v43, v3;
	v41 =	vld [tilespmem:s23+$0xE610]  }
0x119: {  	v31 =	vadd.f32 v36, v31;
	v27 =	vadd.f32 v39, v29;
	v29 =	vmul.f32 v32, v7;
	v32 =	vld [tilespmem:s23+$0xE630]  }
.Ltmp0:
0x11a: {  	v33 =	vmul.f32 v11, v7;
	v28 =	vadd.f32 v28, v18;
	v30 =	vmul.f32 v30, v7;
	v18 =	vld [tilespmem:s23+$0xE650];
	(pc) =	sbr.rel @p0 .LBB2_3-.Ltmp0, $4  }
0x11b: {  	v23 =	vadd.f32 v23, v35;
	v22 =	vmul.f32 v22, v7;
	[tilespmem:s23+$0x12230] =	vst v31;
	v31 =	vmul.f32 v21, v7;
	v11 =	vld [tilespmem:s23+$0xE640]  }
0x11c: {  	v33 =	vadd.f32 v33, v26;
	v30 =	vadd.f32 v30, v28;
	v35 =	vmul.f32 v40, v4;
	v28 =	vld [tilespmem:s23+$0xE670]  }
0x11d: {  	v21 =	vadd.f32 v22, v23;
	v23 =	vadd.f32 v31, v37;
	v26 =	vld [tilespmem:s23+$0x6610];
	v22 =	vmul.f32 v41, v7  }
0x11e: {  	s24 =	sadd.s32 $0x100, s24;
	s26 =	smov.u32 s28;
	s25 =	sadd.s32 $0x80, s25;
	[tilespmem:s23+$0x12240] =	vst v33;
	v33 =	vmul.f32 v12, v7;
	v12 =	vld [tilespmem:s23+$0xA610];
	v31 =	vadd.f32 v35, v34;
	v32 =	vmul.f32 v32, v7  }
0x11f: {  	[tilespmem:s23+$0x12260] =	vst v30  }
0x120: {  	v27 =	vadd.f32 v29, v27;
	[tilespmem:s23+$0x12270] =	vst v23  }
0x121: {  	v59 =	vadd.f32 v25, v15;
	[tilespmem:s23+$0x12220] =	vst v21  }
0x122: {  	v60 =	vadd.f32 v17, v20;
	[tilespmem:s23+$0x12250] =	vst v27  }
0x123: {  	v61 =	vadd.f32 v16, v14;
	[tilespmem:s23+$0x12660] =	vst v59  }
0x124: {  	v9 =	vmul.f32 v9, v7;
	v5 =	vadd.f32 v5, v6;
	v19 =	vadd.f32 v33, v19;
	[tilespmem:s23+$0x12200] =	vst v60  }
0x125: {  	v62 =	vmul.f32 v18, v7;
	v11 =	vmul.f32 v11, v7;
	v58 =	vadd.f32 v32, v31;
	[tilespmem:s23+$0x12210] =	vst v61  }
0x126: {  	v9 =	vadd.f32 v9, v10;
	[tilespmem:s23+$0x12600] =	vst v19;
	v3 =	vmul.f32 v26, v3;
	v4 =	vmul.f32 v12, v4  }
0x127: {  	v8 =	vadd.f32 v8, v13;
	v57 =	vmul.f32 v28, v7;
	v63 =	vadd.f32 v62, v5;
	[tilespmem:s23+$0x12630] =	vst v58  }
0x128: {  	v11 =	vadd.f32 v11, v24;
	[tilespmem:s23+$0x12620] =	vst v9;
	v3 =	vadd.f32 v4, v3  }
0x129: {  	v8 =	vadd.f32 v57, v8;
	[tilespmem:s23+$0x12650] =	vst v63  }
0x12a: {  	s21 =	sadd.s32 $0x1, s21;
	[tilespmem:s23+$0x12640] =	vst v11;
	v3 =	vadd.f32 v22, v3  }
0x12b: {  	s22 =	sshll.u32 s22, $0x5;
	p0 =	sne.s32 s21, $0x10;
	[tilespmem:s23+$0x12670] =	vst v8  }
.Ltmp1:
0x12c: {  	s30 =	simm.s32 $0x0;
	s22 =	sadd.s32 s6, s22;
	[tilespmem:s23+$0x12610] =	vst v3;
	(pc) =	sbr.rel @p0 .LBB2_2-.Ltmp1, $4  }
0x12d: {  	[hbm4b:s22+s30] =	stream.linear.scatter [tilespmem:s20], [sflag:$0x2], $0x4000, $0x38;
	[tilespmem:$0x16200] =	vst v63  }
0x12e: {  	_ =	swait.ge [sflag:s12], $0x4000  }
0x12f: {  	[sflag:s12] =	ssyncset.done $0x0  }
0x130: {  	[sflag:s12] =	ssyncadd.s32 $0xFFFFC000  }
0x131: {  	s22 =	rddreg [dreg:$0x3]  }
0x132: {  	s21 =	rddreg [dreg:$0x2];
	s22 =	sadd.s32 $0x1, s22  }
0x133: {  	p0 =	sne.s32 s22, s21  }
.Ltmp2:
0x134: {  	_ = 	snop;
	(pc) =	sbr.rel @p0 .LBB2_1-.Ltmp2, $1  }
0x135: {  	_ =	sdelay $0x3  }
0x136: {  	_ =	sfence.sel $0x180000  }
0x137: {  	[bflag:$0x0] =	sbarrier.arrive $0xFFFF  }
0x138: {  	_ =	strace $0x9000004A  }
0x139: {  	s0 =	stileid.u32;
	[bflag:$0x2] =	sbarrier.arrive $0xFFFF  }
0x13a: {  	p0 =	sne.s32 s0, $0x0;
	s0 =	rddreg [dreg:$0x1]  }
0x13b: {  	s0 =	sadd.s32 @!p0 $0x100000, s0  }
0x13c: {  	[sflag:s0] =	ssyncadd.tile.s32 @!p0 $0x1;
	_ =	shalt  }
.Lfunc_end2:
_tile_overlayer_lowered:
.L_overlay_start_2:
0x13d: {  	(tag) =	ssettag $0x2  }
0x13e: {  	s0 =	rddreg [dreg:$0x0];
	s2 =	stileid.u32  }
0x13f: {  	s1 =	rddreg [dreg:$0x1];
	p0 =	sne.s32 s2, $0x0  }
0x140: {  	s3 =	rddreg [dreg:$0x2];
	[bflag:$0x3] =	sbarrier.arrive $0xFFFF;
	s2 =	simm.s32 @!p0 $0x1C02  }
0x141: {  	[timem:s3], [sflag:s2] =	dma.local @!p0 [hbm:s0], s1  }
0x142: {  	s0 =	simm.s32 @!p0 $0x2  }
0x143: {  	_ =	swait.ge @!p0 [sflag:s0], s1  }
0x144: {  	s1 =	ssub.s32 @!p0 $0x0, s1;
	[sflag:s0] =	ssyncset.done @!p0 $0x0  }
0x145: {  	[sflag:s0] =	ssyncadd.s32 @!p0 s1  }
0x146: {  	[bflag:$0x3] =	sbarrier.arrive $0xFFFF  }
0x147: {  	_ =	shalt  }

</sc_bundles>
